<compile_context>
chip_gen: v7x
topology: tpu7x:2x2x1
jax: 0.10.2.dev20260603
libtpu: 0.0.44.dev20260713+nightly
codegen_flags: <defaults>
</compile_context>

<pallas_src>
import functools

import jax
import jax.numpy as jnp
from jax import lax
from jax.experimental import pallas as pl
from jax.experimental.pallas import tpu as pltpu
from jax.experimental.pallas import tpu_sc as plsc

_B = 32
_N = 96 * 56 * 56
_KK = int(0.1 * _N)
_CHUNK = 37632
_NCHUNK = _N // _CHUNK
_NC = 2
_NS = 16
_UNROLL = 8
_MAXBINS = 1 << 11

_mesh = plsc.VectorSubcoreMesh(core_axis_name="c", subcore_axis_name="s")


@functools.partial(
    pl.kernel,
    out_type=jax.ShapeDtypeStruct((_B, 128), jnp.float32),
    mesh=_mesh,
    compiler_params=pltpu.CompilerParams(needs_layout_passes=False),
    scratch_types=[
        pltpu.VMEM((_CHUNK,), jnp.float32),
        pltpu.VMEM((_CHUNK,), jnp.float32),
        pltpu.VMEM((_MAXBINS * 16,), jnp.int32),
        pltpu.VMEM((128,), jnp.float32),
        pltpu.SemaphoreType.DMA,
    ],
)
def _sc_row_thresholds(x_hbm, out_hbm, buf0, buf1, histp, thrbuf, sem):
    lane = lax.iota(jnp.int32, 16)
    ones = jnp.ones((16,), jnp.int32)
    row = lax.axis_index("s") * _NC + lax.axis_index("c")
    bufs = (buf0, buf1)

    rank = jnp.int32(_KK)
    prefix = jnp.int32(0)
    minvec = jnp.full((16,), jnp.inf, jnp.float32)

    for level, (shift, bits) in enumerate(((20, 11), (10, 10), (0, 10))):
        nbins = 1 << bits
        pshift = shift + bits
        pmask = jnp.int32((1 << (31 - pshift)) - 1)
        track_min = level == 0

        def zero_body(i, carry):
            histp[pl.ds(i * 64, 16)] = jnp.zeros((16,), jnp.int32)
            histp[pl.ds(i * 64 + 16, 16)] = jnp.zeros((16,), jnp.int32)
            histp[pl.ds(i * 64 + 32, 16)] = jnp.zeros((16,), jnp.int32)
            histp[pl.ds(i * 64 + 48, 16)] = jnp.zeros((16,), jnp.int32)
            return carry

        lax.fori_loop(0, nbins * 16 // 64, zero_body, jnp.int32(0))

        pvec = jnp.full((16,), prefix, jnp.int32)
        idxmask = jnp.int32((nbins - 1) << 4)

        def make_body(buf, pshift=pshift, shift=shift, pvec=pvec,
                      idxmask=idxmask, pmask=pmask, track_min=track_min,
                      level=level):
            def body(i, mn):
                v = buf[pl.ds(i * 16, 16)]
                ki = plsc.bitcast(v, jnp.int32)
                idx = ((ki >> (shift - 4)) & idxmask if shift >= 4
                       else (ki << (4 - shift)) & idxmask) + lane
                if level == 0:
                    plsc.addupdate_scatter(histp, [idx], ones)
                else:
                    match = ((ki >> pshift) & pmask) == pvec
                    plsc.addupdate_scatter(histp, [idx], ones, mask=match)
                if track_min:
                    mn = jnp.minimum(mn, v)
                return mn
            return body

        rowbase = row * _N
        h = pltpu.async_copy(x_hbm.at[pl.ds(rowbase, _CHUNK)], bufs[0], sem)
        for c in range(_NCHUNK):
            h.wait()
            if c + 1 < _NCHUNK:
                h = pltpu.async_copy(
                    x_hbm.at[pl.ds(rowbase + (c + 1) * _CHUNK, _CHUNK)],
                    bufs[(c + 1) % 2], sem)
            minvec = plsc.parallel_loop(
                0, _CHUNK // 16, 1, unroll=_UNROLL, carry=minvec,
            )(make_body(bufs[c % 2]))

        def scan_body(j, carry, nbins=nbins, rank=rank):
            bstar, below, cum = carry
            b = jnp.int32(nbins - 1) - j
            cnt = jnp.sum(histp[pl.ds(b * 16, 16)])
            newcum = cum + cnt
            hit = jnp.logical_and(newcum >= rank, bstar < 0)
            bstar = jnp.where(hit, b, bstar)
            below = jnp.where(hit, cum, below)
            return bstar, below, newcum

        bstar, above_cnt, _ = lax.fori_loop(
            0, nbins, scan_body,
            (jnp.int32(-1), jnp.int32(0), jnp.int32(0)))
        rank = rank - above_cnt
        prefix = (prefix << bits) | bstar

    t = jnp.max(plsc.bitcast(jnp.full((16,), prefix, jnp.int32), jnp.float32))
    row_min = jnp.min(minvec)
    thr = jnp.where(row_min <= -t, row_min, t)
    thrv = jnp.full((16,), thr, jnp.float32)
    for u in range(8):
        thrbuf[pl.ds(u * 16, 16)] = thrv
    pltpu.sync_copy(thrbuf, out_hbm.at[row])


def _mask_body(x_ref, t_ref, o_ref):
    x = x_ref[...]
    o_ref[...] = jnp.where(x >= t_ref[0, 0, 0], x, jnp.float32(0.0))


_mask = pl.pallas_call(
    _mask_body,
    grid=(_B,),
    in_specs=[
        pl.BlockSpec((1, 96, 56, 56), lambda i: (i, 0, 0, 0)),
        pl.BlockSpec((1, 1, 128), lambda i: (i, 0, 0)),
    ],
    out_specs=pl.BlockSpec((1, 96, 56, 56), lambda i: (i, 0, 0, 0)),
    out_shape=jax.ShapeDtypeStruct((_B, 96, 56, 56), jnp.float32),
)


def kernel(input):
    thr = _sc_row_thresholds(input.reshape(_B * _N))
    return _mask(input, thr.reshape(_B, 1, 128))

# --- scband reference (transcript-rebuilt; emitter-appended) ---
"""Pipeline reference for scband-top-kactivation-layer-7859790152218 (READ-ONLY COPY).

The authoritative reference and input builder live on the scoring server;
editing this copy changes nothing except your own understanding.
"""

import jax, jax.numpy as jnp
import numpy as np

K_FRAC = 0.1

def setup_inputs(seed: int = 0) -> dict:
    key = jax.random.key(seed)
    x = jax.random.normal(key, (32, 96, 56, 56), dtype=jnp.float32)
    return {"input": x}

def reference(input):
    B = input.shape[0]
    flat = input.reshape(B, -1)
    kk = int(K_FRAC * flat.shape[1])
    _, idx = jax.lax.top_k(jnp.abs(flat), kk)
    gathered = jnp.take_along_axis(flat, idx, axis=1)
    threshold = jnp.min(gathered, axis=1, keepdims=True)
    activated = jnp.where(input >= threshold.reshape(-1, 1, 1, 1), input, jnp.zeros_like(input))
    return activated

if __name__ == "__main__":
    import jax
    _d = setup_inputs()
    print(jax.jit(kernel)(*tuple(_d.values())))

</pallas_src>

<mosaic_0001>
#map = affine_map<(d0, d1) -> (0)>
#map1 = affine_map<(d0, d1) -> (0, 0)>
module attributes {stable_mosaic.version = 14 : i64} {
  func.func @_sc_row_thresholds(%arg0: i32, %arg1: i32, %arg2: memref<9633792xf32, #tpu.memory_space<hbm>>, %arg3: memref<32x128xf32, #tpu.memory_space<hbm>>, %arg4: memref<37632xf32, #tpu.memory_space<vmem>>, %arg5: memref<37632xf32, #tpu.memory_space<vmem>>, %arg6: memref<32768xi32, #tpu.memory_space<vmem>>, %arg7: memref<128xf32, #tpu.memory_space<vmem>>, %arg8: memref<!tpu.dma_semaphore, #tpu.memory_space<semaphore_mem>>) attributes {dimension_semantics = [#tpu.dimension_semantics<core_parallel>, #tpu.dimension_semantics<subcore_parallel>], iteration_bounds = array<i64: 2, 16>, scalar_prefetch = 0 : i64, scratch_operands = 5 : i64, tpu.core_type = #tpu.core_type<sc_vector_subcore>, window_params = [{transform_indices = #map}, {transform_indices = #map1}]} {
    %iota3A = tpu.iota {dimensions = array<i32: 0>} : vector<16xi32>
    %broadcast_in_dim3A = arith.constant 1 : i32
    %broadcast_in_dim3A_0 = vector.broadcast %broadcast_in_dim3A : i32 to vector<16xi32>
    %mul3A = arith.constant 2 : i32
    %mul3A_1 = arith.muli %arg1, %mul3A : i32
    %add3A = arith.addi %mul3A_1, %arg0 : i32
    %broadcast_in_dim3A_2 = arith.constant 0x7F800000 : f32
    %broadcast_in_dim3A_3 = vector.broadcast %broadcast_in_dim3A_2 : f32 to vector<16xf32>
    %scan3A = arith.constant 0 : i32
    %scan3A_4 = arith.constant 0 : i32
    %scan3A_5 = arith.constant 512 : i32
    %scan3A_6 = arith.addi %scan3A_4, %scan3A_5 : i32
    %scan3A_7 = arith.constant 1 : i32
    scf.for %scan3A_365 = %scan3A_4 to %scan3A_6 step %scan3A_7  : i32 {
      %broadcast_in_dim3A_366 = arith.constant 0 : i32
      %broadcast_in_dim3A_367 = vector.broadcast %broadcast_in_dim3A_366 : i32 to vector<16xi32>
      %mul3A_368 = arith.constant 64 : i32
      %mul3A_369 = arith.muli %scan3A_365, %mul3A_368 : i32
      %swap3A_370 = arith.index_cast %mul3A_369 : i32 to index
      %swap3A_371 = tpu.vector_load %arg6[%swap3A_370] {strides = array<i32>} : memref<32768xi32, #tpu.memory_space<vmem>>, vector<16xi32>,
      tpu.vector_store %arg6[%swap3A_370], %broadcast_in_dim3A_367 {strides = array<i32>} : memref<32768xi32, #tpu.memory_space<vmem>>, vector<16xi32>,
      %broadcast_in_dim3A_372 = arith.constant 0 : i32
      %broadcast_in_dim3A_373 = vector.broadcast %broadcast_in_dim3A_372 : i32 to vector<16xi32>
      %mul3A_374 = arith.constant 64 : i32
      %mul3A_375 = arith.muli %scan3A_365, %mul3A_374 : i32
      %add3A_376 = arith.constant 16 : i32
      %add3A_377 = arith.addi %mul3A_375, %add3A_376 : i32
      %swap3A_378 = arith.index_cast %add3A_377 : i32 to index
      %swap3A_379 = tpu.vector_load %arg6[%swap3A_378] {strides = array<i32>} : memref<32768xi32, #tpu.memory_space<vmem>>, vector<16xi32>,
      tpu.vector_store %arg6[%swap3A_378], %broadcast_in_dim3A_373 {strides = array<i32>} : memref<32768xi32, #tpu.memory_space<vmem>>, vector<16xi32>,
      %broadcast_in_dim3A_380 = arith.constant 0 : i32
      %broadcast_in_dim3A_381 = vector.broadcast %broadcast_in_dim3A_380 : i32 to vector<16xi32>
      %mul3A_382 = arith.constant 64 : i32
      %mul3A_383 = arith.muli %scan3A_365, %mul3A_382 : i32
      %add3A_384 = arith.constant 32 : i32
      %add3A_385 = arith.addi %mul3A_383, %add3A_384 : i32
      %swap3A_386 = arith.index_cast %add3A_385 : i32 to index
      %swap3A_387 = tpu.vector_load %arg6[%swap3A_386] {strides = array<i32>} : memref<32768xi32, #tpu.memory_space<vmem>>, vector<16xi32>,
      tpu.vector_store %arg6[%swap3A_386], %broadcast_in_dim3A_381 {strides = array<i32>} : memref<32768xi32, #tpu.memory_space<vmem>>, vector<16xi32>,
      %broadcast_in_dim3A_388 = arith.constant 0 : i32
      %broadcast_in_dim3A_389 = vector.broadcast %broadcast_in_dim3A_388 : i32 to vector<16xi32>
      %mul3A_390 = arith.constant 64 : i32
      %mul3A_391 = arith.muli %scan3A_365, %mul3A_390 : i32
      %add3A_392 = arith.constant 48 : i32
      %add3A_393 = arith.addi %mul3A_391, %add3A_392 : i32
      %swap3A_394 = arith.index_cast %add3A_393 : i32 to index
      %swap3A_395 = tpu.vector_load %arg6[%swap3A_394] {strides = array<i32>} : memref<32768xi32, #tpu.memory_space<vmem>>, vector<16xi32>,
      tpu.vector_store %arg6[%swap3A_394], %broadcast_in_dim3A_389 {strides = array<i32>} : memref<32768xi32, #tpu.memory_space<vmem>>, vector<16xi32>,
    }
    %scan3A_8 = arith.constant 512 : i32
    %broadcast_in_dim3A_9 = arith.constant 0 : i32
    %broadcast_in_dim3A_10 = vector.broadcast %broadcast_in_dim3A_9 : i32 to vector<16xi32>
    %mul3A_11 = arith.constant 301056 : i32
    %mul3A_12 = arith.muli %add3A, %mul3A_11 : i32
    %dma_start3A = tpu.memref_slice %arg2[%mul3A_12] : memref<9633792xf32, #tpu.memory_space<hbm>> -> memref<37632xf32, #tpu.memory_space<hbm>>
    %dma_start3A_13 = tpu.memref_slice %arg2[%mul3A_12] : memref<9633792xf32, #tpu.memory_space<hbm>> -> memref<37632xf32, #tpu.memory_space<hbm>>
    tpu.enqueue_dma source(%dma_start3A_13 : memref<37632xf32, #tpu.memory_space<hbm>>) target(%arg4 : memref<37632xf32, #tpu.memory_space<vmem>>) target_semaphore(%arg8 : memref<!tpu.dma_semaphore, #tpu.memory_space<semaphore_mem>>)
    %dma_wait3A = tpu.memref_slice %arg2[%mul3A_12] : memref<9633792xf32, #tpu.memory_space<hbm>> -> memref<37632xf32, #tpu.memory_space<hbm>>
    %dma_wait3A_14 = tpu.memref_slice %arg2[%mul3A_12] : memref<9633792xf32, #tpu.memory_space<hbm>> -> memref<37632xf32, #tpu.memory_space<hbm>>
    tpu.wait_dma2 semaphore(%arg8 : memref<!tpu.dma_semaphore, #tpu.memory_space<semaphore_mem>>) src(%dma_wait3A_14 : memref<37632xf32, #tpu.memory_space<hbm>>) dst(%arg4 : memref<37632xf32, #tpu.memory_space<vmem>>)
    %add3A_15 = arith.constant 37632 : i32
    %add3A_16 = arith.addi %mul3A_12, %add3A_15 : i32
    %dma_start3A_17 = tpu.memref_slice %arg2[%add3A_16] : memref<9633792xf32, #tpu.memory_space<hbm>> -> memref<37632xf32, #tpu.memory_space<hbm>>
    %dma_start3A_18 = tpu.memref_slice %arg2[%add3A_16] : memref<9633792xf32, #tpu.memory_space<hbm>> -> memref<37632xf32, #tpu.memory_space<hbm>>
    tpu.enqueue_dma source(%dma_start3A_18 : memref<37632xf32, #tpu.memory_space<hbm>>) target(%arg5 : memref<37632xf32, #tpu.memory_space<vmem>>) target_semaphore(%arg8 : memref<!tpu.dma_semaphore, #tpu.memory_space<semaphore_mem>>)
    %parallel_loop3A = arith.constant 0 : i32
    %parallel_loop3A_19 = arith.constant 2352 : i32
    %parallel_loop3A_20 = arith.constant 1 : i32
    %parallel_loop3A_21 = arith.constant 32752 : i32
    %parallel_loop3A_22 = scf.for %parallel_loop3A_365 = %parallel_loop3A to %parallel_loop3A_19 step %parallel_loop3A_20 iter_args(%parallel_loop3A_366 = %broadcast_in_dim3A_3) -> (vector<16xf32>)  : i32 {
      %parallel_loop3A_367 = arith.constant 16 : i32
      %parallel_loop3A_368 = arith.muli %parallel_loop3A_365, %parallel_loop3A_367 : i32
      %parallel_loop3A_369 = arith.index_cast %parallel_loop3A_368 : i32 to index
      %parallel_loop3A_370 = tpu.vector_load %arg4[%parallel_loop3A_369] {strides = array<i32>} : memref<37632xf32, #tpu.memory_space<vmem>>, vector<16xf32>,
      %parallel_loop3A_371 = vector.bitcast %parallel_loop3A_370 : vector<16xf32> to vector<16xi32>
      %parallel_loop3A_372 = arith.constant 16 : i32
      %parallel_loop3A_373 = vector.broadcast %parallel_loop3A_372 : i32 to vector<16xi32>
      %parallel_loop3A_374 = arith.shrsi %parallel_loop3A_371, %parallel_loop3A_373 : vector<16xi32>
      %parallel_loop3A_375 = vector.broadcast %parallel_loop3A_21 : i32 to vector<16xi32>
      %parallel_loop3A_376 = arith.andi %parallel_loop3A_374, %parallel_loop3A_375 : vector<16xi32>
      %parallel_loop3A_377 = arith.addi %parallel_loop3A_376, %iota3A : vector<16xi32>
      tpu.vector_store_idx %arg6[%parallel_loop3A_377], %broadcast_in_dim3A_0 {add = true} : memref<32768xi32, #tpu.memory_space<vmem>>[vector<16xi32>], vector<16xi32>,
      %parallel_loop3A_378 = arith.minimumf %parallel_loop3A_366, %parallel_loop3A_370 : vector<16xf32>
      scf.yield %parallel_loop3A_378 : vector<16xf32>
    } {sc.loop_unroll_factor = 8 : i64, sc.parallel_access}
    %dma_wait3A_23 = tpu.memref_slice %arg2[%add3A_16] : memref<9633792xf32, #tpu.memory_space<hbm>> -> memref<37632xf32, #tpu.memory_space<hbm>>
    %dma_wait3A_24 = tpu.memref_slice %arg2[%add3A_16] : memref<9633792xf32, #tpu.memory_space<hbm>> -> memref<37632xf32, #tpu.memory_space<hbm>>
    tpu.wait_dma2 semaphore(%arg8 : memref<!tpu.dma_semaphore, #tpu.memory_space<semaphore_mem>>) src(%dma_wait3A_24 : memref<37632xf32, #tpu.memory_space<hbm>>) dst(%arg5 : memref<37632xf32, #tpu.memory_space<vmem>>)
    %add3A_25 = arith.constant 75264 : i32
    %add3A_26 = arith.addi %mul3A_12, %add3A_25 : i32
    %dma_start3A_27 = tpu.memref_slice %arg2[%add3A_26] : memref<9633792xf32, #tpu.memory_space<hbm>> -> memref<37632xf32, #tpu.memory_space<hbm>>
    %dma_start3A_28 = tpu.memref_slice %arg2[%add3A_26] : memref<9633792xf32, #tpu.memory_space<hbm>> -> memref<37632xf32, #tpu.memory_space<hbm>>
    tpu.enqueue_dma source(%dma_start3A_28 : memref<37632xf32, #tpu.memory_space<hbm>>) target(%arg4 : memref<37632xf32, #tpu.memory_space<vmem>>) target_semaphore(%arg8 : memref<!tpu.dma_semaphore, #tpu.memory_space<semaphore_mem>>)
    %parallel_loop3A_29 = arith.constant 0 : i32
    %parallel_loop3A_30 = arith.constant 2352 : i32
    %parallel_loop3A_31 = arith.constant 1 : i32
    %parallel_loop3A_32 = arith.constant 32752 : i32
    %parallel_loop3A_33 = scf.for %parallel_loop3A_365 = %parallel_loop3A_29 to %parallel_loop3A_30 step %parallel_loop3A_31 iter_args(%parallel_loop3A_366 = %parallel_loop3A_22) -> (vector<16xf32>)  : i32 {
      %parallel_loop3A_367 = arith.constant 16 : i32
      %parallel_loop3A_368 = arith.muli %parallel_loop3A_365, %parallel_loop3A_367 : i32
      %parallel_loop3A_369 = arith.index_cast %parallel_loop3A_368 : i32 to index
      %parallel_loop3A_370 = tpu.vector_load %arg5[%parallel_loop3A_369] {strides = array<i32>} : memref<37632xf32, #tpu.memory_space<vmem>>, vector<16xf32>,
      %parallel_loop3A_371 = vector.bitcast %parallel_loop3A_370 : vector<16xf32> to vector<16xi32>
      %parallel_loop3A_372 = arith.constant 16 : i32
      %parallel_loop3A_373 = vector.broadcast %parallel_loop3A_372 : i32 to vector<16xi32>
      %parallel_loop3A_374 = arith.shrsi %parallel_loop3A_371, %parallel_loop3A_373 : vector<16xi32>
      %parallel_loop3A_375 = vector.broadcast %parallel_loop3A_32 : i32 to vector<16xi32>
      %parallel_loop3A_376 = arith.andi %parallel_loop3A_374, %parallel_loop3A_375 : vector<16xi32>
      %parallel_loop3A_377 = arith.addi %parallel_loop3A_376, %iota3A : vector<16xi32>
      tpu.vector_store_idx %arg6[%parallel_loop3A_377], %broadcast_in_dim3A_0 {add = true} : memref<32768xi32, #tpu.memory_space<vmem>>[vector<16xi32>], vector<16xi32>,
      %parallel_loop3A_378 = arith.minimumf %parallel_loop3A_366, %parallel_loop3A_370 : vector<16xf32>
      scf.yield %parallel_loop3A_378 : vector<16xf32>
    } {sc.loop_unroll_factor = 8 : i64, sc.parallel_access}
    %dma_wait3A_34 = tpu.memref_slice %arg2[%add3A_26] : memref<9633792xf32, #tpu.memory_space<hbm>> -> memref<37632xf32, #tpu.memory_space<hbm>>
    %dma_wait3A_35 = tpu.memref_slice %arg2[%add3A_26] : memref<9633792xf32, #tpu.memory_space<hbm>> -> memref<37632xf32, #tpu.memory_space<hbm>>
    tpu.wait_dma2 semaphore(%arg8 : memref<!tpu.dma_semaphore, #tpu.memory_space<semaphore_mem>>) src(%dma_wait3A_35 : memref<37632xf32, #tpu.memory_space<hbm>>) dst(%arg4 : memref<37632xf32, #tpu.memory_space<vmem>>)
    %add3A_36 = arith.constant 112896 : i32
    %add3A_37 = arith.addi %mul3A_12, %add3A_36 : i32
    %dma_start3A_38 = tpu.memref_slice %arg2[%add3A_37] : memref<9633792xf32, #tpu.memory_space<hbm>> -> memref<37632xf32, #tpu.memory_space<hbm>>
    %dma_start3A_39 = tpu.memref_slice %arg2[%add3A_37] : memref<9633792xf32, #tpu.memory_space<hbm>> -> memref<37632xf32, #tpu.memory_space<hbm>>
    tpu.enqueue_dma source(%dma_start3A_39 : memref<37632xf32, #tpu.memory_space<hbm>>) target(%arg5 : memref<37632xf32, #tpu.memory_space<vmem>>) target_semaphore(%arg8 : memref<!tpu.dma_semaphore, #tpu.memory_space<semaphore_mem>>)
    %parallel_loop3A_40 = arith.constant 0 : i32
    %parallel_loop3A_41 = arith.constant 2352 : i32
    %parallel_loop3A_42 = arith.constant 1 : i32
    %parallel_loop3A_43 = arith.constant 32752 : i32
    %parallel_loop3A_44 = scf.for %parallel_loop3A_365 = %parallel_loop3A_40 to %parallel_loop3A_41 step %parallel_loop3A_42 iter_args(%parallel_loop3A_366 = %parallel_loop3A_33) -> (vector<16xf32>)  : i32 {
      %parallel_loop3A_367 = arith.constant 16 : i32
      %parallel_loop3A_368 = arith.muli %parallel_loop3A_365, %parallel_loop3A_367 : i32
      %parallel_loop3A_369 = arith.index_cast %parallel_loop3A_368 : i32 to index
      %parallel_loop3A_370 = tpu.vector_load %arg4[%parallel_loop3A_369] {strides = array<i32>} : memref<37632xf32, #tpu.memory_space<vmem>>, vector<16xf32>,
      %parallel_loop3A_371 = vector.bitcast %parallel_loop3A_370 : vector<16xf32> to vector<16xi32>
      %parallel_loop3A_372 = arith.constant 16 : i32
      %parallel_loop3A_373 = vector.broadcast %parallel_loop3A_372 : i32 to vector<16xi32>
      %parallel_loop3A_374 = arith.shrsi %parallel_loop3A_371, %parallel_loop3A_373 : vector<16xi32>
      %parallel_loop3A_375 = vector.broadcast %parallel_loop3A_43 : i32 to vector<16xi32>
      %parallel_loop3A_376 = arith.andi %parallel_loop3A_374, %parallel_loop3A_375 : vector<16xi32>
      %parallel_loop3A_377 = arith.addi %parallel_loop3A_376, %iota3A : vector<16xi32>
      tpu.vector_store_idx %arg6[%parallel_loop3A_377], %broadcast_in_dim3A_0 {add = true} : memref<32768xi32, #tpu.memory_space<vmem>>[vector<16xi32>], vector<16xi32>,
      %parallel_loop3A_378 = arith.minimumf %parallel_loop3A_366, %parallel_loop3A_370 : vector<16xf32>
      scf.yield %parallel_loop3A_378 : vector<16xf32>
    } {sc.loop_unroll_factor = 8 : i64, sc.parallel_access}
    %dma_wait3A_45 = tpu.memref_slice %arg2[%add3A_37] : memref<9633792xf32, #tpu.memory_space<hbm>> -> memref<37632xf32, #tpu.memory_space<hbm>>
    %dma_wait3A_46 = tpu.memref_slice %arg2[%add3A_37] : memref<9633792xf32, #tpu.memory_space<hbm>> -> memref<37632xf32, #tpu.memory_space<hbm>>
    tpu.wait_dma2 semaphore(%arg8 : memref<!tpu.dma_semaphore, #tpu.memory_space<semaphore_mem>>) src(%dma_wait3A_46 : memref<37632xf32, #tpu.memory_space<hbm>>) dst(%arg5 : memref<37632xf32, #tpu.memory_space<vmem>>)
    %add3A_47 = arith.constant 150528 : i32
    %add3A_48 = arith.addi %mul3A_12, %add3A_47 : i32
    %dma_start3A_49 = tpu.memref_slice %arg2[%add3A_48] : memref<9633792xf32, #tpu.memory_space<hbm>> -> memref<37632xf32, #tpu.memory_space<hbm>>
    %dma_start3A_50 = tpu.memref_slice %arg2[%add3A_48] : memref<9633792xf32, #tpu.memory_space<hbm>> -> memref<37632xf32, #tpu.memory_space<hbm>>
    tpu.enqueue_dma source(%dma_start3A_50 : memref<37632xf32, #tpu.memory_space<hbm>>) target(%arg4 : memref<37632xf32, #tpu.memory_space<vmem>>) target_semaphore(%arg8 : memref<!tpu.dma_semaphore, #tpu.memory_space<semaphore_mem>>)
    %parallel_loop3A_51 = arith.constant 0 : i32
    %parallel_loop3A_52 = arith.constant 2352 : i32
    %parallel_loop3A_53 = arith.constant 1 : i32
    %parallel_loop3A_54 = arith.constant 32752 : i32
    %parallel_loop3A_55 = scf.for %parallel_loop3A_365 = %parallel_loop3A_51 to %parallel_loop3A_52 step %parallel_loop3A_53 iter_args(%parallel_loop3A_366 = %parallel_loop3A_44) -> (vector<16xf32>)  : i32 {
      %parallel_loop3A_367 = arith.constant 16 : i32
      %parallel_loop3A_368 = arith.muli %parallel_loop3A_365, %parallel_loop3A_367 : i32
      %parallel_loop3A_369 = arith.index_cast %parallel_loop3A_368 : i32 to index
      %parallel_loop3A_370 = tpu.vector_load %arg5[%parallel_loop3A_369] {strides = array<i32>} : memref<37632xf32, #tpu.memory_space<vmem>>, vector<16xf32>,
      %parallel_loop3A_371 = vector.bitcast %parallel_loop3A_370 : vector<16xf32> to vector<16xi32>
      %parallel_loop3A_372 = arith.constant 16 : i32
      %parallel_loop3A_373 = vector.broadcast %parallel_loop3A_372 : i32 to vector<16xi32>
      %parallel_loop3A_374 = arith.shrsi %parallel_loop3A_371, %parallel_loop3A_373 : vector<16xi32>
      %parallel_loop3A_375 = vector.broadcast %parallel_loop3A_54 : i32 to vector<16xi32>
      %parallel_loop3A_376 = arith.andi %parallel_loop3A_374, %parallel_loop3A_375 : vector<16xi32>
      %parallel_loop3A_377 = arith.addi %parallel_loop3A_376, %iota3A : vector<16xi32>
      tpu.vector_store_idx %arg6[%parallel_loop3A_377], %broadcast_in_dim3A_0 {add = true} : memref<32768xi32, #tpu.memory_space<vmem>>[vector<16xi32>], vector<16xi32>,
      %parallel_loop3A_378 = arith.minimumf %parallel_loop3A_366, %parallel_loop3A_370 : vector<16xf32>
      scf.yield %parallel_loop3A_378 : vector<16xf32>
    } {sc.loop_unroll_factor = 8 : i64, sc.parallel_access}
    %dma_wait3A_56 = tpu.memref_slice %arg2[%add3A_48] : memref<9633792xf32, #tpu.memory_space<hbm>> -> memref<37632xf32, #tpu.memory_space<hbm>>
    %dma_wait3A_57 = tpu.memref_slice %arg2[%add3A_48] : memref<9633792xf32, #tpu.memory_space<hbm>> -> memref<37632xf32, #tpu.memory_space<hbm>>
    tpu.wait_dma2 semaphore(%arg8 : memref<!tpu.dma_semaphore, #tpu.memory_space<semaphore_mem>>) src(%dma_wait3A_57 : memref<37632xf32, #tpu.memory_space<hbm>>) dst(%arg4 : memref<37632xf32, #tpu.memory_space<vmem>>)
    %add3A_58 = arith.constant 188160 : i32
    %add3A_59 = arith.addi %mul3A_12, %add3A_58 : i32
    %dma_start3A_60 = tpu.memref_slice %arg2[%add3A_59] : memref<9633792xf32, #tpu.memory_space<hbm>> -> memref<37632xf32, #tpu.memory_space<hbm>>
    %dma_start3A_61 = tpu.memref_slice %arg2[%add3A_59] : memref<9633792xf32, #tpu.memory_space<hbm>> -> memref<37632xf32, #tpu.memory_space<hbm>>
    tpu.enqueue_dma source(%dma_start3A_61 : memref<37632xf32, #tpu.memory_space<hbm>>) target(%arg5 : memref<37632xf32, #tpu.memory_space<vmem>>) target_semaphore(%arg8 : memref<!tpu.dma_semaphore, #tpu.memory_space<semaphore_mem>>)
    %parallel_loop3A_62 = arith.constant 0 : i32
    %parallel_loop3A_63 = arith.constant 2352 : i32
    %parallel_loop3A_64 = arith.constant 1 : i32
    %parallel_loop3A_65 = arith.constant 32752 : i32
    %parallel_loop3A_66 = scf.for %parallel_loop3A_365 = %parallel_loop3A_62 to %parallel_loop3A_63 step %parallel_loop3A_64 iter_args(%parallel_loop3A_366 = %parallel_loop3A_55) -> (vector<16xf32>)  : i32 {
      %parallel_loop3A_367 = arith.constant 16 : i32
      %parallel_loop3A_368 = arith.muli %parallel_loop3A_365, %parallel_loop3A_367 : i32
      %parallel_loop3A_369 = arith.index_cast %parallel_loop3A_368 : i32 to index
      %parallel_loop3A_370 = tpu.vector_load %arg4[%parallel_loop3A_369] {strides = array<i32>} : memref<37632xf32, #tpu.memory_space<vmem>>, vector<16xf32>,
      %parallel_loop3A_371 = vector.bitcast %parallel_loop3A_370 : vector<16xf32> to vector<16xi32>
      %parallel_loop3A_372 = arith.constant 16 : i32
      %parallel_loop3A_373 = vector.broadcast %parallel_loop3A_372 : i32 to vector<16xi32>
      %parallel_loop3A_374 = arith.shrsi %parallel_loop3A_371, %parallel_loop3A_373 : vector<16xi32>
      %parallel_loop3A_375 = vector.broadcast %parallel_loop3A_65 : i32 to vector<16xi32>
      %parallel_loop3A_376 = arith.andi %parallel_loop3A_374, %parallel_loop3A_375 : vector<16xi32>
      %parallel_loop3A_377 = arith.addi %parallel_loop3A_376, %iota3A : vector<16xi32>
      tpu.vector_store_idx %arg6[%parallel_loop3A_377], %broadcast_in_dim3A_0 {add = true} : memref<32768xi32, #tpu.memory_space<vmem>>[vector<16xi32>], vector<16xi32>,
      %parallel_loop3A_378 = arith.minimumf %parallel_loop3A_366, %parallel_loop3A_370 : vector<16xf32>
      scf.yield %parallel_loop3A_378 : vector<16xf32>
    } {sc.loop_unroll_factor = 8 : i64, sc.parallel_access}
    %dma_wait3A_67 = tpu.memref_slice %arg2[%add3A_59] : memref<9633792xf32, #tpu.memory_space<hbm>> -> memref<37632xf32, #tpu.memory_space<hbm>>
    %dma_wait3A_68 = tpu.memref_slice %arg2[%add3A_59] : memref<9633792xf32, #tpu.memory_space<hbm>> -> memref<37632xf32, #tpu.memory_space<hbm>>
    tpu.wait_dma2 semaphore(%arg8 : memref<!tpu.dma_semaphore, #tpu.memory_space<semaphore_mem>>) src(%dma_wait3A_68 : memref<37632xf32, #tpu.memory_space<hbm>>) dst(%arg5 : memref<37632xf32, #tpu.memory_space<vmem>>)
    %add3A_69 = arith.constant 225792 : i32
    %add3A_70 = arith.addi %mul3A_12, %add3A_69 : i32
    %dma_start3A_71 = tpu.memref_slice %arg2[%add3A_70] : memref<9633792xf32, #tpu.memory_space<hbm>> -> memref<37632xf32, #tpu.memory_space<hbm>>
    %dma_start3A_72 = tpu.memref_slice %arg2[%add3A_70] : memref<9633792xf32, #tpu.memory_space<hbm>> -> memref<37632xf32, #tpu.memory_space<hbm>>
    tpu.enqueue_dma source(%dma_start3A_72 : memref<37632xf32, #tpu.memory_space<hbm>>) target(%arg4 : memref<37632xf32, #tpu.memory_space<vmem>>) target_semaphore(%arg8 : memref<!tpu.dma_semaphore, #tpu.memory_space<semaphore_mem>>)
    %parallel_loop3A_73 = arith.constant 0 : i32
    %parallel_loop3A_74 = arith.constant 2352 : i32
    %parallel_loop3A_75 = arith.constant 1 : i32
    %parallel_loop3A_76 = arith.constant 32752 : i32
    %parallel_loop3A_77 = scf.for %parallel_loop3A_365 = %parallel_loop3A_73 to %parallel_loop3A_74 step %parallel_loop3A_75 iter_args(%parallel_loop3A_366 = %parallel_loop3A_66) -> (vector<16xf32>)  : i32 {
      %parallel_loop3A_367 = arith.constant 16 : i32
      %parallel_loop3A_368 = arith.muli %parallel_loop3A_365, %parallel_loop3A_367 : i32
      %parallel_loop3A_369 = arith.index_cast %parallel_loop3A_368 : i32 to index
      %parallel_loop3A_370 = tpu.vector_load %arg5[%parallel_loop3A_369] {strides = array<i32>} : memref<37632xf32, #tpu.memory_space<vmem>>, vector<16xf32>,
      %parallel_loop3A_371 = vector.bitcast %parallel_loop3A_370 : vector<16xf32> to vector<16xi32>
      %parallel_loop3A_372 = arith.constant 16 : i32
      %parallel_loop3A_373 = vector.broadcast %parallel_loop3A_372 : i32 to vector<16xi32>
      %parallel_loop3A_374 = arith.shrsi %parallel_loop3A_371, %parallel_loop3A_373 : vector<16xi32>
      %parallel_loop3A_375 = vector.broadcast %parallel_loop3A_76 : i32 to vector<16xi32>
      %parallel_loop3A_376 = arith.andi %parallel_loop3A_374, %parallel_loop3A_375 : vector<16xi32>
      %parallel_loop3A_377 = arith.addi %parallel_loop3A_376, %iota3A : vector<16xi32>
      tpu.vector_store_idx %arg6[%parallel_loop3A_377], %broadcast_in_dim3A_0 {add = true} : memref<32768xi32, #tpu.memory_space<vmem>>[vector<16xi32>], vector<16xi32>,
      %parallel_loop3A_378 = arith.minimumf %parallel_loop3A_366, %parallel_loop3A_370 : vector<16xf32>
      scf.yield %parallel_loop3A_378 : vector<16xf32>
    } {sc.loop_unroll_factor = 8 : i64, sc.parallel_access}
    %dma_wait3A_78 = tpu.memref_slice %arg2[%add3A_70] : memref<9633792xf32, #tpu.memory_space<hbm>> -> memref<37632xf32, #tpu.memory_space<hbm>>
    %dma_wait3A_79 = tpu.memref_slice %arg2[%add3A_70] : memref<9633792xf32, #tpu.memory_space<hbm>> -> memref<37632xf32, #tpu.memory_space<hbm>>
    tpu.wait_dma2 semaphore(%arg8 : memref<!tpu.dma_semaphore, #tpu.memory_space<semaphore_mem>>) src(%dma_wait3A_79 : memref<37632xf32, #tpu.memory_space<hbm>>) dst(%arg4 : memref<37632xf32, #tpu.memory_space<vmem>>)
    %add3A_80 = arith.constant 263424 : i32
    %add3A_81 = arith.addi %mul3A_12, %add3A_80 : i32
    %dma_start3A_82 = tpu.memref_slice %arg2[%add3A_81] : memref<9633792xf32, #tpu.memory_space<hbm>> -> memref<37632xf32, #tpu.memory_space<hbm>>
    %dma_start3A_83 = tpu.memref_slice %arg2[%add3A_81] : memref<9633792xf32, #tpu.memory_space<hbm>> -> memref<37632xf32, #tpu.memory_space<hbm>>
    tpu.enqueue_dma source(%dma_start3A_83 : memref<37632xf32, #tpu.memory_space<hbm>>) target(%arg5 : memref<37632xf32, #tpu.memory_space<vmem>>) target_semaphore(%arg8 : memref<!tpu.dma_semaphore, #tpu.memory_space<semaphore_mem>>)
    %parallel_loop3A_84 = arith.constant 0 : i32
    %parallel_loop3A_85 = arith.constant 2352 : i32
    %parallel_loop3A_86 = arith.constant 1 : i32
    %parallel_loop3A_87 = arith.constant 32752 : i32
    %parallel_loop3A_88 = scf.for %parallel_loop3A_365 = %parallel_loop3A_84 to %parallel_loop3A_85 step %parallel_loop3A_86 iter_args(%parallel_loop3A_366 = %parallel_loop3A_77) -> (vector<16xf32>)  : i32 {
      %parallel_loop3A_367 = arith.constant 16 : i32
      %parallel_loop3A_368 = arith.muli %parallel_loop3A_365, %parallel_loop3A_367 : i32
      %parallel_loop3A_369 = arith.index_cast %parallel_loop3A_368 : i32 to index
      %parallel_loop3A_370 = tpu.vector_load %arg4[%parallel_loop3A_369] {strides = array<i32>} : memref<37632xf32, #tpu.memory_space<vmem>>, vector<16xf32>,
      %parallel_loop3A_371 = vector.bitcast %parallel_loop3A_370 : vector<16xf32> to vector<16xi32>
      %parallel_loop3A_372 = arith.constant 16 : i32
      %parallel_loop3A_373 = vector.broadcast %parallel_loop3A_372 : i32 to vector<16xi32>
      %parallel_loop3A_374 = arith.shrsi %parallel_loop3A_371, %parallel_loop3A_373 : vector<16xi32>
      %parallel_loop3A_375 = vector.broadcast %parallel_loop3A_87 : i32 to vector<16xi32>
      %parallel_loop3A_376 = arith.andi %parallel_loop3A_374, %parallel_loop3A_375 : vector<16xi32>
      %parallel_loop3A_377 = arith.addi %parallel_loop3A_376, %iota3A : vector<16xi32>
      tpu.vector_store_idx %arg6[%parallel_loop3A_377], %broadcast_in_dim3A_0 {add = true} : memref<32768xi32, #tpu.memory_space<vmem>>[vector<16xi32>], vector<16xi32>,
      %parallel_loop3A_378 = arith.minimumf %parallel_loop3A_366, %parallel_loop3A_370 : vector<16xf32>
      scf.yield %parallel_loop3A_378 : vector<16xf32>
    } {sc.loop_unroll_factor = 8 : i64, sc.parallel_access}
    %dma_wait3A_89 = tpu.memref_slice %arg2[%add3A_81] : memref<9633792xf32, #tpu.memory_space<hbm>> -> memref<37632xf32, #tpu.memory_space<hbm>>
    %dma_wait3A_90 = tpu.memref_slice %arg2[%add3A_81] : memref<9633792xf32, #tpu.memory_space<hbm>> -> memref<37632xf32, #tpu.memory_space<hbm>>
    tpu.wait_dma2 semaphore(%arg8 : memref<!tpu.dma_semaphore, #tpu.memory_space<semaphore_mem>>) src(%dma_wait3A_90 : memref<37632xf32, #tpu.memory_space<hbm>>) dst(%arg5 : memref<37632xf32, #tpu.memory_space<vmem>>)
    %parallel_loop3A_91 = arith.constant 0 : i32
    %parallel_loop3A_92 = arith.constant 2352 : i32
    %parallel_loop3A_93 = arith.constant 1 : i32
    %parallel_loop3A_94 = arith.constant 32752 : i32
    %parallel_loop3A_95 = scf.for %parallel_loop3A_365 = %parallel_loop3A_91 to %parallel_loop3A_92 step %parallel_loop3A_93 iter_args(%parallel_loop3A_366 = %parallel_loop3A_88) -> (vector<16xf32>)  : i32 {
      %parallel_loop3A_367 = arith.constant 16 : i32
      %parallel_loop3A_368 = arith.muli %parallel_loop3A_365, %parallel_loop3A_367 : i32
      %parallel_loop3A_369 = arith.index_cast %parallel_loop3A_368 : i32 to index
      %parallel_loop3A_370 = tpu.vector_load %arg5[%parallel_loop3A_369] {strides = array<i32>} : memref<37632xf32, #tpu.memory_space<vmem>>, vector<16xf32>,
      %parallel_loop3A_371 = vector.bitcast %parallel_loop3A_370 : vector<16xf32> to vector<16xi32>
      %parallel_loop3A_372 = arith.constant 16 : i32
      %parallel_loop3A_373 = vector.broadcast %parallel_loop3A_372 : i32 to vector<16xi32>
      %parallel_loop3A_374 = arith.shrsi %parallel_loop3A_371, %parallel_loop3A_373 : vector<16xi32>
      %parallel_loop3A_375 = vector.broadcast %parallel_loop3A_94 : i32 to vector<16xi32>
      %parallel_loop3A_376 = arith.andi %parallel_loop3A_374, %parallel_loop3A_375 : vector<16xi32>
      %parallel_loop3A_377 = arith.addi %parallel_loop3A_376, %iota3A : vector<16xi32>
      tpu.vector_store_idx %arg6[%parallel_loop3A_377], %broadcast_in_dim3A_0 {add = true} : memref<32768xi32, #tpu.memory_space<vmem>>[vector<16xi32>], vector<16xi32>,
      %parallel_loop3A_378 = arith.minimumf %parallel_loop3A_366, %parallel_loop3A_370 : vector<16xf32>
      scf.yield %parallel_loop3A_378 : vector<16xf32>
    } {sc.loop_unroll_factor = 8 : i64, sc.parallel_access}
    %scan3A_96 = arith.constant 30105 : i32
    %scan3A_97 = arith.constant -1 : i32
    %scan3A_98 = arith.constant 0 : i32
    %scan3A_99 = arith.constant 0 : i32
    %scan3A_100 = arith.constant 0 : i32
    %scan3A_101 = arith.constant 2048 : i32
    %scan3A_102 = arith.addi %scan3A_100, %scan3A_101 : i32
    %scan3A_103 = arith.constant 1 : i32
    %scan3A_104:3 = scf.for %scan3A_365 = %scan3A_100 to %scan3A_102 step %scan3A_103 iter_args(%scan3A_366 = %scan3A_97, %scan3A_367 = %scan3A_98, %scan3A_368 = %scan3A_99) -> (i32, i32, i32)  : i32 {
      %sub3A_369 = arith.constant 2047 : i32
      %sub3A_370 = arith.subi %sub3A_369, %scan3A_365 : i32
      %mul3A_371 = arith.constant 16 : i32
      %mul3A_372 = arith.muli %sub3A_370, %mul3A_371 : i32
      %get3A = arith.index_cast %mul3A_372 : i32 to index
      %get3A_373 = tpu.vector_load %arg6[%get3A] {strides = array<i32>} : memref<32768xi32, #tpu.memory_space<vmem>>, vector<16xi32>,
      %reduce_sum3A = arith.constant true
      %reduce_sum3A_374 = vector.broadcast %reduce_sum3A : i1 to vector<16xi1>
      %reduce_sum3A_375 = tpu.scan <sum>, %get3A_373 masked %reduce_sum3A_374 : vector<16xi32>, vector<16xi1> -> vector<16xi32>
      %reduce_sum3A_376 = vector.extract %reduce_sum3A_375[15] : i32 from vector<16xi32>
      %add3A_377 = arith.addi %scan3A_368, %reduce_sum3A_376 : i32
      %ge3A = arith.cmpi sge, %add3A_377, %scan3A_96 : i32
      %lt3A = arith.constant 0 : i32
      %lt3A_378 = arith.cmpi slt, %scan3A_366, %lt3A : i32
      %and3A = arith.andi %ge3A, %lt3A_378 : i1
      %select_n3A_379 = arith.select %and3A, %sub3A_370, %scan3A_366 : i32
      %select_n3A_380 = arith.select %and3A, %scan3A_368, %scan3A_367 : i32
      scf.yield %select_n3A_379, %select_n3A_380, %add3A_377 : i32, i32, i32
    }
    %scan3A_105 = arith.constant 2048 : i32
    %sub3A = arith.constant 30105 : i32
    %sub3A_106 = arith.subi %sub3A, %scan3A_104#1 : i32
    %shift_left3A = arith.constant 0 : i32
    %shift_left3A_107 = arith.constant 11 : i32
    %shift_left3A_108 = arith.shli %shift_left3A, %shift_left3A_107 : i32
    %or3A = arith.ori %shift_left3A_108, %scan3A_104#0 : i32
    %scan3A_109 = arith.constant 0 : i32
    %scan3A_110 = arith.constant 0 : i32
    %scan3A_111 = arith.constant 256 : i32
    %scan3A_112 = arith.addi %scan3A_110, %scan3A_111 : i32
    %scan3A_113 = arith.constant 1 : i32
    scf.for %scan3A_365 = %scan3A_110 to %scan3A_112 step %scan3A_113  : i32 {
      %broadcast_in_dim3A_366 = arith.constant 0 : i32
      %broadcast_in_dim3A_367 = vector.broadcast %broadcast_in_dim3A_366 : i32 to vector<16xi32>
      %mul3A_368 = arith.constant 64 : i32
      %mul3A_369 = arith.muli %scan3A_365, %mul3A_368 : i32
      %swap3A_370 = arith.index_cast %mul3A_369 : i32 to index
      %swap3A_371 = tpu.vector_load %arg6[%swap3A_370] {strides = array<i32>} : memref<32768xi32, #tpu.memory_space<vmem>>, vector<16xi32>,
      tpu.vector_store %arg6[%swap3A_370], %broadcast_in_dim3A_367 {strides = array<i32>} : memref<32768xi32, #tpu.memory_space<vmem>>, vector<16xi32>,
      %broadcast_in_dim3A_372 = arith.constant 0 : i32
      %broadcast_in_dim3A_373 = vector.broadcast %broadcast_in_dim3A_372 : i32 to vector<16xi32>
      %mul3A_374 = arith.constant 64 : i32
      %mul3A_375 = arith.muli %scan3A_365, %mul3A_374 : i32
      %add3A_376 = arith.constant 16 : i32
      %add3A_377 = arith.addi %mul3A_375, %add3A_376 : i32
      %swap3A_378 = arith.index_cast %add3A_377 : i32 to index
      %swap3A_379 = tpu.vector_load %arg6[%swap3A_378] {strides = array<i32>} : memref<32768xi32, #tpu.memory_space<vmem>>, vector<16xi32>,
      tpu.vector_store %arg6[%swap3A_378], %broadcast_in_dim3A_373 {strides = array<i32>} : memref<32768xi32, #tpu.memory_space<vmem>>, vector<16xi32>,
      %broadcast_in_dim3A_380 = arith.constant 0 : i32
      %broadcast_in_dim3A_381 = vector.broadcast %broadcast_in_dim3A_380 : i32 to vector<16xi32>
      %mul3A_382 = arith.constant 64 : i32
      %mul3A_383 = arith.muli %scan3A_365, %mul3A_382 : i32
      %add3A_384 = arith.constant 32 : i32
      %add3A_385 = arith.addi %mul3A_383, %add3A_384 : i32
      %swap3A_386 = arith.index_cast %add3A_385 : i32 to index
      %swap3A_387 = tpu.vector_load %arg6[%swap3A_386] {strides = array<i32>} : memref<32768xi32, #tpu.memory_space<vmem>>, vector<16xi32>,
      tpu.vector_store %arg6[%swap3A_386], %broadcast_in_dim3A_381 {strides = array<i32>} : memref<32768xi32, #tpu.memory_space<vmem>>, vector<16xi32>,
      %broadcast_in_dim3A_388 = arith.constant 0 : i32
      %broadcast_in_dim3A_389 = vector.broadcast %broadcast_in_dim3A_388 : i32 to vector<16xi32>
      %mul3A_390 = arith.constant 64 : i32
      %mul3A_391 = arith.muli %scan3A_365, %mul3A_390 : i32
      %add3A_392 = arith.constant 48 : i32
      %add3A_393 = arith.addi %mul3A_391, %add3A_392 : i32
      %swap3A_394 = arith.index_cast %add3A_393 : i32 to index
      %swap3A_395 = tpu.vector_load %arg6[%swap3A_394] {strides = array<i32>} : memref<32768xi32, #tpu.memory_space<vmem>>, vector<16xi32>,
      tpu.vector_store %arg6[%swap3A_394], %broadcast_in_dim3A_389 {strides = array<i32>} : memref<32768xi32, #tpu.memory_space<vmem>>, vector<16xi32>,
    }
    %scan3A_114 = arith.constant 256 : i32
    %broadcast_in_dim3A_115 = vector.broadcast %or3A : i32 to vector<16xi32>
    %mul3A_116 = arith.constant 301056 : i32
    %mul3A_117 = arith.muli %add3A, %mul3A_116 : i32
    %dma_start3A_118 = tpu.memref_slice %arg2[%mul3A_117] : memref<9633792xf32, #tpu.memory_space<hbm>> -> memref<37632xf32, #tpu.memory_space<hbm>>
    %dma_start3A_119 = tpu.memref_slice %arg2[%mul3A_117] : memref<9633792xf32, #tpu.memory_space<hbm>> -> memref<37632xf32, #tpu.memory_space<hbm>>
    tpu.enqueue_dma source(%dma_start3A_119 : memref<37632xf32, #tpu.memory_space<hbm>>) target(%arg4 : memref<37632xf32, #tpu.memory_space<vmem>>) target_semaphore(%arg8 : memref<!tpu.dma_semaphore, #tpu.memory_space<semaphore_mem>>)
    %dma_wait3A_120 = tpu.memref_slice %arg2[%mul3A_117] : memref<9633792xf32, #tpu.memory_space<hbm>> -> memref<37632xf32, #tpu.memory_space<hbm>>
    %dma_wait3A_121 = tpu.memref_slice %arg2[%mul3A_117] : memref<9633792xf32, #tpu.memory_space<hbm>> -> memref<37632xf32, #tpu.memory_space<hbm>>
    tpu.wait_dma2 semaphore(%arg8 : memref<!tpu.dma_semaphore, #tpu.memory_space<semaphore_mem>>) src(%dma_wait3A_121 : memref<37632xf32, #tpu.memory_space<hbm>>) dst(%arg4 : memref<37632xf32, #tpu.memory_space<vmem>>)
    %add3A_122 = arith.constant 37632 : i32
    %add3A_123 = arith.addi %mul3A_117, %add3A_122 : i32
    %dma_start3A_124 = tpu.memref_slice %arg2[%add3A_123] : memref<9633792xf32, #tpu.memory_space<hbm>> -> memref<37632xf32, #tpu.memory_space<hbm>>
    %dma_start3A_125 = tpu.memref_slice %arg2[%add3A_123] : memref<9633792xf32, #tpu.memory_space<hbm>> -> memref<37632xf32, #tpu.memory_space<hbm>>
    tpu.enqueue_dma source(%dma_start3A_125 : memref<37632xf32, #tpu.memory_space<hbm>>) target(%arg5 : memref<37632xf32, #tpu.memory_space<vmem>>) target_semaphore(%arg8 : memref<!tpu.dma_semaphore, #tpu.memory_space<semaphore_mem>>)
    %parallel_loop3A_126 = arith.constant 0 : i32
    %parallel_loop3A_127 = arith.constant 2352 : i32
    %parallel_loop3A_128 = arith.constant 1 : i32
    %parallel_loop3A_129 = arith.constant 16368 : i32
    %parallel_loop3A_130 = arith.constant 2047 : i32
    %parallel_loop3A_131 = scf.for %parallel_loop3A_365 = %parallel_loop3A_126 to %parallel_loop3A_127 step %parallel_loop3A_128 iter_args(%parallel_loop3A_366 = %parallel_loop3A_95) -> (vector<16xf32>)  : i32 {
      %parallel_loop3A_367 = arith.constant 16 : i32
      %parallel_loop3A_368 = arith.muli %parallel_loop3A_365, %parallel_loop3A_367 : i32
      %parallel_loop3A_369 = arith.index_cast %parallel_loop3A_368 : i32 to index
      %parallel_loop3A_370 = tpu.vector_load %arg4[%parallel_loop3A_369] {strides = array<i32>} : memref<37632xf32, #tpu.memory_space<vmem>>, vector<16xf32>,
      %parallel_loop3A_371 = vector.bitcast %parallel_loop3A_370 : vector<16xf32> to vector<16xi32>
      %parallel_loop3A_372 = arith.constant 6 : i32
      %parallel_loop3A_373 = vector.broadcast %parallel_loop3A_372 : i32 to vector<16xi32>
      %parallel_loop3A_374 = arith.shrsi %parallel_loop3A_371, %parallel_loop3A_373 : vector<16xi32>
      %parallel_loop3A_375 = vector.broadcast %parallel_loop3A_129 : i32 to vector<16xi32>
      %parallel_loop3A_376 = arith.andi %parallel_loop3A_374, %parallel_loop3A_375 : vector<16xi32>
      %parallel_loop3A_377 = arith.addi %parallel_loop3A_376, %iota3A : vector<16xi32>
      %parallel_loop3A_378 = arith.constant 20 : i32
      %parallel_loop3A_379 = vector.broadcast %parallel_loop3A_378 : i32 to vector<16xi32>
      %parallel_loop3A_380 = arith.shrsi %parallel_loop3A_371, %parallel_loop3A_379 : vector<16xi32>
      %parallel_loop3A_381 = vector.broadcast %parallel_loop3A_130 : i32 to vector<16xi32>
      %parallel_loop3A_382 = arith.andi %parallel_loop3A_380, %parallel_loop3A_381 : vector<16xi32>
      %parallel_loop3A_383 = arith.cmpi eq, %parallel_loop3A_382, %broadcast_in_dim3A_115 : vector<16xi32>
      tpu.vector_store_idx %arg6[%parallel_loop3A_377], %broadcast_in_dim3A_0 masked %parallel_loop3A_383 {add = true} : memref<32768xi32, #tpu.memory_space<vmem>>[vector<16xi32>], vector<16xi32>, vector<16xi1>
      scf.yield %parallel_loop3A_366 : vector<16xf32>
    } {sc.loop_unroll_factor = 8 : i64, sc.parallel_access}
    %dma_wait3A_132 = tpu.memref_slice %arg2[%add3A_123] : memref<9633792xf32, #tpu.memory_space<hbm>> -> memref<37632xf32, #tpu.memory_space<hbm>>
    %dma_wait3A_133 = tpu.memref_slice %arg2[%add3A_123] : memref<9633792xf32, #tpu.memory_space<hbm>> -> memref<37632xf32, #tpu.memory_space<hbm>>
    tpu.wait_dma2 semaphore(%arg8 : memref<!tpu.dma_semaphore, #tpu.memory_space<semaphore_mem>>) src(%dma_wait3A_133 : memref<37632xf32, #tpu.memory_space<hbm>>) dst(%arg5 : memref<37632xf32, #tpu.memory_space<vmem>>)
    %add3A_134 = arith.constant 75264 : i32
    %add3A_135 = arith.addi %mul3A_117, %add3A_134 : i32
    %dma_start3A_136 = tpu.memref_slice %arg2[%add3A_135] : memref<9633792xf32, #tpu.memory_space<hbm>> -> memref<37632xf32, #tpu.memory_space<hbm>>
    %dma_start3A_137 = tpu.memref_slice %arg2[%add3A_135] : memref<9633792xf32, #tpu.memory_space<hbm>> -> memref<37632xf32, #tpu.memory_space<hbm>>
    tpu.enqueue_dma source(%dma_start3A_137 : memref<37632xf32, #tpu.memory_space<hbm>>) target(%arg4 : memref<37632xf32, #tpu.memory_space<vmem>>) target_semaphore(%arg8 : memref<!tpu.dma_semaphore, #tpu.memory_space<semaphore_mem>>)
    %parallel_loop3A_138 = arith.constant 0 : i32
    %parallel_loop3A_139 = arith.constant 2352 : i32
    %parallel_loop3A_140 = arith.constant 1 : i32
    %parallel_loop3A_141 = arith.constant 16368 : i32
    %parallel_loop3A_142 = arith.constant 2047 : i32
    %parallel_loop3A_143 = scf.for %parallel_loop3A_365 = %parallel_loop3A_138 to %parallel_loop3A_139 step %parallel_loop3A_140 iter_args(%parallel_loop3A_366 = %parallel_loop3A_131) -> (vector<16xf32>)  : i32 {
      %parallel_loop3A_367 = arith.constant 16 : i32
      %parallel_loop3A_368 = arith.muli %parallel_loop3A_365, %parallel_loop3A_367 : i32
      %parallel_loop3A_369 = arith.index_cast %parallel_loop3A_368 : i32 to index
      %parallel_loop3A_370 = tpu.vector_load %arg5[%parallel_loop3A_369] {strides = array<i32>} : memref<37632xf32, #tpu.memory_space<vmem>>, vector<16xf32>,
      %parallel_loop3A_371 = vector.bitcast %parallel_loop3A_370 : vector<16xf32> to vector<16xi32>
      %parallel_loop3A_372 = arith.constant 6 : i32
      %parallel_loop3A_373 = vector.broadcast %parallel_loop3A_372 : i32 to vector<16xi32>
      %parallel_loop3A_374 = arith.shrsi %parallel_loop3A_371, %parallel_loop3A_373 : vector<16xi32>
      %parallel_loop3A_375 = vector.broadcast %parallel_loop3A_141 : i32 to vector<16xi32>
      %parallel_loop3A_376 = arith.andi %parallel_loop3A_374, %parallel_loop3A_375 : vector<16xi32>
      %parallel_loop3A_377 = arith.addi %parallel_loop3A_376, %iota3A : vector<16xi32>
      %parallel_loop3A_378 = arith.constant 20 : i32
      %parallel_loop3A_379 = vector.broadcast %parallel_loop3A_378 : i32 to vector<16xi32>
      %parallel_loop3A_380 = arith.shrsi %parallel_loop3A_371, %parallel_loop3A_379 : vector<16xi32>
      %parallel_loop3A_381 = vector.broadcast %parallel_loop3A_142 : i32 to vector<16xi32>
      %parallel_loop3A_382 = arith.andi %parallel_loop3A_380, %parallel_loop3A_381 : vector<16xi32>
      %parallel_loop3A_383 = arith.cmpi eq, %parallel_loop3A_382, %broadcast_in_dim3A_115 : vector<16xi32>
      tpu.vector_store_idx %arg6[%parallel_loop3A_377], %broadcast_in_dim3A_0 masked %parallel_loop3A_383 {add = true} : memref<32768xi32, #tpu.memory_space<vmem>>[vector<16xi32>], vector<16xi32>, vector<16xi1>
      scf.yield %parallel_loop3A_366 : vector<16xf32>
    } {sc.loop_unroll_factor = 8 : i64, sc.parallel_access}
    %dma_wait3A_144 = tpu.memref_slice %arg2[%add3A_135] : memref<9633792xf32, #tpu.memory_space<hbm>> -> memref<37632xf32, #tpu.memory_space<hbm>>
    %dma_wait3A_145 = tpu.memref_slice %arg2[%add3A_135] : memref<9633792xf32, #tpu.memory_space<hbm>> -> memref<37632xf32, #tpu.memory_space<hbm>>
    tpu.wait_dma2 semaphore(%arg8 : memref<!tpu.dma_semaphore, #tpu.memory_space<semaphore_mem>>) src(%dma_wait3A_145 : memref<37632xf32, #tpu.memory_space<hbm>>) dst(%arg4 : memref<37632xf32, #tpu.memory_space<vmem>>)
    %add3A_146 = arith.constant 112896 : i32
    %add3A_147 = arith.addi %mul3A_117, %add3A_146 : i32
    %dma_start3A_148 = tpu.memref_slice %arg2[%add3A_147] : memref<9633792xf32, #tpu.memory_space<hbm>> -> memref<37632xf32, #tpu.memory_space<hbm>>
    %dma_start3A_149 = tpu.memref_slice %arg2[%add3A_147] : memref<9633792xf32, #tpu.memory_space<hbm>> -> memref<37632xf32, #tpu.memory_space<hbm>>
    tpu.enqueue_dma source(%dma_start3A_149 : memref<37632xf32, #tpu.memory_space<hbm>>) target(%arg5 : memref<37632xf32, #tpu.memory_space<vmem>>) target_semaphore(%arg8 : memref<!tpu.dma_semaphore, #tpu.memory_space<semaphore_mem>>)
    %parallel_loop3A_150 = arith.constant 0 : i32
    %parallel_loop3A_151 = arith.constant 2352 : i32
    %parallel_loop3A_152 = arith.constant 1 : i32
    %parallel_loop3A_153 = arith.constant 16368 : i32
    %parallel_loop3A_154 = arith.constant 2047 : i32
    %parallel_loop3A_155 = scf.for %parallel_loop3A_365 = %parallel_loop3A_150 to %parallel_loop3A_151 step %parallel_loop3A_152 iter_args(%parallel_loop3A_366 = %parallel_loop3A_143) -> (vector<16xf32>)  : i32 {
      %parallel_loop3A_367 = arith.constant 16 : i32
      %parallel_loop3A_368 = arith.muli %parallel_loop3A_365, %parallel_loop3A_367 : i32
      %parallel_loop3A_369 = arith.index_cast %parallel_loop3A_368 : i32 to index
      %parallel_loop3A_370 = tpu.vector_load %arg4[%parallel_loop3A_369] {strides = array<i32>} : memref<37632xf32, #tpu.memory_space<vmem>>, vector<16xf32>,
      %parallel_loop3A_371 = vector.bitcast %parallel_loop3A_370 : vector<16xf32> to vector<16xi32>
      %parallel_loop3A_372 = arith.constant 6 : i32
      %parallel_loop3A_373 = vector.broadcast %parallel_loop3A_372 : i32 to vector<16xi32>
      %parallel_loop3A_374 = arith.shrsi %parallel_loop3A_371, %parallel_loop3A_373 : vector<16xi32>
      %parallel_loop3A_375 = vector.broadcast %parallel_loop3A_153 : i32 to vector<16xi32>
      %parallel_loop3A_376 = arith.andi %parallel_loop3A_374, %parallel_loop3A_375 : vector<16xi32>
      %parallel_loop3A_377 = arith.addi %parallel_loop3A_376, %iota3A : vector<16xi32>
      %parallel_loop3A_378 = arith.constant 20 : i32
      %parallel_loop3A_379 = vector.broadcast %parallel_loop3A_378 : i32 to vector<16xi32>
      %parallel_loop3A_380 = arith.shrsi %parallel_loop3A_371, %parallel_loop3A_379 : vector<16xi32>
      %parallel_loop3A_381 = vector.broadcast %parallel_loop3A_154 : i32 to vector<16xi32>
      %parallel_loop3A_382 = arith.andi %parallel_loop3A_380, %parallel_loop3A_381 : vector<16xi32>
      %parallel_loop3A_383 = arith.cmpi eq, %parallel_loop3A_382, %broadcast_in_dim3A_115 : vector<16xi32>
      tpu.vector_store_idx %arg6[%parallel_loop3A_377], %broadcast_in_dim3A_0 masked %parallel_loop3A_383 {add = true} : memref<32768xi32, #tpu.memory_space<vmem>>[vector<16xi32>], vector<16xi32>, vector<16xi1>
      scf.yield %parallel_loop3A_366 : vector<16xf32>
    } {sc.loop_unroll_factor = 8 : i64, sc.parallel_access}
    %dma_wait3A_156 = tpu.memref_slice %arg2[%add3A_147] : memref<9633792xf32, #tpu.memory_space<hbm>> -> memref<37632xf32, #tpu.memory_space<hbm>>
    %dma_wait3A_157 = tpu.memref_slice %arg2[%add3A_147] : memref<9633792xf32, #tpu.memory_space<hbm>> -> memref<37632xf32, #tpu.memory_space<hbm>>
    tpu.wait_dma2 semaphore(%arg8 : memref<!tpu.dma_semaphore, #tpu.memory_space<semaphore_mem>>) src(%dma_wait3A_157 : memref<37632xf32, #tpu.memory_space<hbm>>) dst(%arg5 : memref<37632xf32, #tpu.memory_space<vmem>>)
    %add3A_158 = arith.constant 150528 : i32
    %add3A_159 = arith.addi %mul3A_117, %add3A_158 : i32
    %dma_start3A_160 = tpu.memref_slice %arg2[%add3A_159] : memref<9633792xf32, #tpu.memory_space<hbm>> -> memref<37632xf32, #tpu.memory_space<hbm>>
    %dma_start3A_161 = tpu.memref_slice %arg2[%add3A_159] : memref<9633792xf32, #tpu.memory_space<hbm>> -> memref<37632xf32, #tpu.memory_space<hbm>>
    tpu.enqueue_dma source(%dma_start3A_161 : memref<37632xf32, #tpu.memory_space<hbm>>) target(%arg4 : memref<37632xf32, #tpu.memory_space<vmem>>) target_semaphore(%arg8 : memref<!tpu.dma_semaphore, #tpu.memory_space<semaphore_mem>>)
    %parallel_loop3A_162 = arith.constant 0 : i32
    %parallel_loop3A_163 = arith.constant 2352 : i32
    %parallel_loop3A_164 = arith.constant 1 : i32
    %parallel_loop3A_165 = arith.constant 16368 : i32
    %parallel_loop3A_166 = arith.constant 2047 : i32
    %parallel_loop3A_167 = scf.for %parallel_loop3A_365 = %parallel_loop3A_162 to %parallel_loop3A_163 step %parallel_loop3A_164 iter_args(%parallel_loop3A_366 = %parallel_loop3A_155) -> (vector<16xf32>)  : i32 {
      %parallel_loop3A_367 = arith.constant 16 : i32
      %parallel_loop3A_368 = arith.muli %parallel_loop3A_365, %parallel_loop3A_367 : i32
      %parallel_loop3A_369 = arith.index_cast %parallel_loop3A_368 : i32 to index
      %parallel_loop3A_370 = tpu.vector_load %arg5[%parallel_loop3A_369] {strides = array<i32>} : memref<37632xf32, #tpu.memory_space<vmem>>, vector<16xf32>,
      %parallel_loop3A_371 = vector.bitcast %parallel_loop3A_370 : vector<16xf32> to vector<16xi32>
      %parallel_loop3A_372 = arith.constant 6 : i32
      %parallel_loop3A_373 = vector.broadcast %parallel_loop3A_372 : i32 to vector<16xi32>
      %parallel_loop3A_374 = arith.shrsi %parallel_loop3A_371, %parallel_loop3A_373 : vector<16xi32>
      %parallel_loop3A_375 = vector.broadcast %parallel_loop3A_165 : i32 to vector<16xi32>
      %parallel_loop3A_376 = arith.andi %parallel_loop3A_374, %parallel_loop3A_375 : vector<16xi32>
      %parallel_loop3A_377 = arith.addi %parallel_loop3A_376, %iota3A : vector<16xi32>
      %parallel_loop3A_378 = arith.constant 20 : i32
      %parallel_loop3A_379 = vector.broadcast %parallel_loop3A_378 : i32 to vector<16xi32>
      %parallel_loop3A_380 = arith.shrsi %parallel_loop3A_371, %parallel_loop3A_379 : vector<16xi32>
      %parallel_loop3A_381 = vector.broadcast %parallel_loop3A_166 : i32 to vector<16xi32>
      %parallel_loop3A_382 = arith.andi %parallel_loop3A_380, %parallel_loop3A_381 : vector<16xi32>
      %parallel_loop3A_383 = arith.cmpi eq, %parallel_loop3A_382, %broadcast_in_dim3A_115 : vector<16xi32>
      tpu.vector_store_idx %arg6[%parallel_loop3A_377], %broadcast_in_dim3A_0 masked %parallel_loop3A_383 {add = true} : memref<32768xi32, #tpu.memory_space<vmem>>[vector<16xi32>], vector<16xi32>, vector<16xi1>
      scf.yield %parallel_loop3A_366 : vector<16xf32>
    } {sc.loop_unroll_factor = 8 : i64, sc.parallel_access}
    %dma_wait3A_168 = tpu.memref_slice %arg2[%add3A_159] : memref<9633792xf32, #tpu.memory_space<hbm>> -> memref<37632xf32, #tpu.memory_space<hbm>>
    %dma_wait3A_169 = tpu.memref_slice %arg2[%add3A_159] : memref<9633792xf32, #tpu.memory_space<hbm>> -> memref<37632xf32, #tpu.memory_space<hbm>>
    tpu.wait_dma2 semaphore(%arg8 : memref<!tpu.dma_semaphore, #tpu.memory_space<semaphore_mem>>) src(%dma_wait3A_169 : memref<37632xf32, #tpu.memory_space<hbm>>) dst(%arg4 : memref<37632xf32, #tpu.memory_space<vmem>>)
    %add3A_170 = arith.constant 188160 : i32
    %add3A_171 = arith.addi %mul3A_117, %add3A_170 : i32
    %dma_start3A_172 = tpu.memref_slice %arg2[%add3A_171] : memref<9633792xf32, #tpu.memory_space<hbm>> -> memref<37632xf32, #tpu.memory_space<hbm>>
    %dma_start3A_173 = tpu.memref_slice %arg2[%add3A_171] : memref<9633792xf32, #tpu.memory_space<hbm>> -> memref<37632xf32, #tpu.memory_space<hbm>>
    tpu.enqueue_dma source(%dma_start3A_173 : memref<37632xf32, #tpu.memory_space<hbm>>) target(%arg5 : memref<37632xf32, #tpu.memory_space<vmem>>) target_semaphore(%arg8 : memref<!tpu.dma_semaphore, #tpu.memory_space<semaphore_mem>>)
    %parallel_loop3A_174 = arith.constant 0 : i32
    %parallel_loop3A_175 = arith.constant 2352 : i32
    %parallel_loop3A_176 = arith.constant 1 : i32
    %parallel_loop3A_177 = arith.constant 16368 : i32
    %parallel_loop3A_178 = arith.constant 2047 : i32
    %parallel_loop3A_179 = scf.for %parallel_loop3A_365 = %parallel_loop3A_174 to %parallel_loop3A_175 step %parallel_loop3A_176 iter_args(%parallel_loop3A_366 = %parallel_loop3A_167) -> (vector<16xf32>)  : i32 {
      %parallel_loop3A_367 = arith.constant 16 : i32
      %parallel_loop3A_368 = arith.muli %parallel_loop3A_365, %parallel_loop3A_367 : i32
      %parallel_loop3A_369 = arith.index_cast %parallel_loop3A_368 : i32 to index
      %parallel_loop3A_370 = tpu.vector_load %arg4[%parallel_loop3A_369] {strides = array<i32>} : memref<37632xf32, #tpu.memory_space<vmem>>, vector<16xf32>,
      %parallel_loop3A_371 = vector.bitcast %parallel_loop3A_370 : vector<16xf32> to vector<16xi32>
      %parallel_loop3A_372 = arith.constant 6 : i32
      %parallel_loop3A_373 = vector.broadcast %parallel_loop3A_372 : i32 to vector<16xi32>
      %parallel_loop3A_374 = arith.shrsi %parallel_loop3A_371, %parallel_loop3A_373 : vector<16xi32>
      %parallel_loop3A_375 = vector.broadcast %parallel_loop3A_177 : i32 to vector<16xi32>
      %parallel_loop3A_376 = arith.andi %parallel_loop3A_374, %parallel_loop3A_375 : vector<16xi32>
      %parallel_loop3A_377 = arith.addi %parallel_loop3A_376, %iota3A : vector<16xi32>
      %parallel_loop3A_378 = arith.constant 20 : i32
      %parallel_loop3A_379 = vector.broadcast %parallel_loop3A_378 : i32 to vector<16xi32>
      %parallel_loop3A_380 = arith.shrsi %parallel_loop3A_371, %parallel_loop3A_379 : vector<16xi32>
      %parallel_loop3A_381 = vector.broadcast %parallel_loop3A_178 : i32 to vector<16xi32>
      %parallel_loop3A_382 = arith.andi %parallel_loop3A_380, %parallel_loop3A_381 : vector<16xi32>
      %parallel_loop3A_383 = arith.cmpi eq, %parallel_loop3A_382, %broadcast_in_dim3A_115 : vector<16xi32>
      tpu.vector_store_idx %arg6[%parallel_loop3A_377], %broadcast_in_dim3A_0 masked %parallel_loop3A_383 {add = true} : memref<32768xi32, #tpu.memory_space<vmem>>[vector<16xi32>], vector<16xi32>, vector<16xi1>
      scf.yield %parallel_loop3A_366 : vector<16xf32>
    } {sc.loop_unroll_factor = 8 : i64, sc.parallel_access}
    %dma_wait3A_180 = tpu.memref_slice %arg2[%add3A_171] : memref<9633792xf32, #tpu.memory_space<hbm>> -> memref<37632xf32, #tpu.memory_space<hbm>>
    %dma_wait3A_181 = tpu.memref_slice %arg2[%add3A_171] : memref<9633792xf32, #tpu.memory_space<hbm>> -> memref<37632xf32, #tpu.memory_space<hbm>>
    tpu.wait_dma2 semaphore(%arg8 : memref<!tpu.dma_semaphore, #tpu.memory_space<semaphore_mem>>) src(%dma_wait3A_181 : memref<37632xf32, #tpu.memory_space<hbm>>) dst(%arg5 : memref<37632xf32, #tpu.memory_space<vmem>>)
    %add3A_182 = arith.constant 225792 : i32
    %add3A_183 = arith.addi %mul3A_117, %add3A_182 : i32
    %dma_start3A_184 = tpu.memref_slice %arg2[%add3A_183] : memref<9633792xf32, #tpu.memory_space<hbm>> -> memref<37632xf32, #tpu.memory_space<hbm>>
    %dma_start3A_185 = tpu.memref_slice %arg2[%add3A_183] : memref<9633792xf32, #tpu.memory_space<hbm>> -> memref<37632xf32, #tpu.memory_space<hbm>>
    tpu.enqueue_dma source(%dma_start3A_185 : memref<37632xf32, #tpu.memory_space<hbm>>) target(%arg4 : memref<37632xf32, #tpu.memory_space<vmem>>) target_semaphore(%arg8 : memref<!tpu.dma_semaphore, #tpu.memory_space<semaphore_mem>>)
    %parallel_loop3A_186 = arith.constant 0 : i32
    %parallel_loop3A_187 = arith.constant 2352 : i32
    %parallel_loop3A_188 = arith.constant 1 : i32
    %parallel_loop3A_189 = arith.constant 16368 : i32
    %parallel_loop3A_190 = arith.constant 2047 : i32
    %parallel_loop3A_191 = scf.for %parallel_loop3A_365 = %parallel_loop3A_186 to %parallel_loop3A_187 step %parallel_loop3A_188 iter_args(%parallel_loop3A_366 = %parallel_loop3A_179) -> (vector<16xf32>)  : i32 {
      %parallel_loop3A_367 = arith.constant 16 : i32
      %parallel_loop3A_368 = arith.muli %parallel_loop3A_365, %parallel_loop3A_367 : i32
      %parallel_loop3A_369 = arith.index_cast %parallel_loop3A_368 : i32 to index
      %parallel_loop3A_370 = tpu.vector_load %arg5[%parallel_loop3A_369] {strides = array<i32>} : memref<37632xf32, #tpu.memory_space<vmem>>, vector<16xf32>,
      %parallel_loop3A_371 = vector.bitcast %parallel_loop3A_370 : vector<16xf32> to vector<16xi32>
      %parallel_loop3A_372 = arith.constant 6 : i32
      %parallel_loop3A_373 = vector.broadcast %parallel_loop3A_372 : i32 to vector<16xi32>
      %parallel_loop3A_374 = arith.shrsi %parallel_loop3A_371, %parallel_loop3A_373 : vector<16xi32>
      %parallel_loop3A_375 = vector.broadcast %parallel_loop3A_189 : i32 to vector<16xi32>
      %parallel_loop3A_376 = arith.andi %parallel_loop3A_374, %parallel_loop3A_375 : vector<16xi32>
      %parallel_loop3A_377 = arith.addi %parallel_loop3A_376, %iota3A : vector<16xi32>
      %parallel_loop3A_378 = arith.constant 20 : i32
      %parallel_loop3A_379 = vector.broadcast %parallel_loop3A_378 : i32 to vector<16xi32>
      %parallel_loop3A_380 = arith.shrsi %parallel_loop3A_371, %parallel_loop3A_379 : vector<16xi32>
      %parallel_loop3A_381 = vector.broadcast %parallel_loop3A_190 : i32 to vector<16xi32>
      %parallel_loop3A_382 = arith.andi %parallel_loop3A_380, %parallel_loop3A_381 : vector<16xi32>
      %parallel_loop3A_383 = arith.cmpi eq, %parallel_loop3A_382, %broadcast_in_dim3A_115 : vector<16xi32>
      tpu.vector_store_idx %arg6[%parallel_loop3A_377], %broadcast_in_dim3A_0 masked %parallel_loop3A_383 {add = true} : memref<32768xi32, #tpu.memory_space<vmem>>[vector<16xi32>], vector<16xi32>, vector<16xi1>
      scf.yield %parallel_loop3A_366 : vector<16xf32>
    } {sc.loop_unroll_factor = 8 : i64, sc.parallel_access}
    %dma_wait3A_192 = tpu.memref_slice %arg2[%add3A_183] : memref<9633792xf32, #tpu.memory_space<hbm>> -> memref<37632xf32, #tpu.memory_space<hbm>>
    %dma_wait3A_193 = tpu.memref_slice %arg2[%add3A_183] : memref<9633792xf32, #tpu.memory_space<hbm>> -> memref<37632xf32, #tpu.memory_space<hbm>>
    tpu.wait_dma2 semaphore(%arg8 : memref<!tpu.dma_semaphore, #tpu.memory_space<semaphore_mem>>) src(%dma_wait3A_193 : memref<37632xf32, #tpu.memory_space<hbm>>) dst(%arg4 : memref<37632xf32, #tpu.memory_space<vmem>>)
    %add3A_194 = arith.constant 263424 : i32
    %add3A_195 = arith.addi %mul3A_117, %add3A_194 : i32
    %dma_start3A_196 = tpu.memref_slice %arg2[%add3A_195] : memref<9633792xf32, #tpu.memory_space<hbm>> -> memref<37632xf32, #tpu.memory_space<hbm>>
    %dma_start3A_197 = tpu.memref_slice %arg2[%add3A_195] : memref<9633792xf32, #tpu.memory_space<hbm>> -> memref<37632xf32, #tpu.memory_space<hbm>>
    tpu.enqueue_dma source(%dma_start3A_197 : memref<37632xf32, #tpu.memory_space<hbm>>) target(%arg5 : memref<37632xf32, #tpu.memory_space<vmem>>) target_semaphore(%arg8 : memref<!tpu.dma_semaphore, #tpu.memory_space<semaphore_mem>>)
    %parallel_loop3A_198 = arith.constant 0 : i32
    %parallel_loop3A_199 = arith.constant 2352 : i32
    %parallel_loop3A_200 = arith.constant 1 : i32
    %parallel_loop3A_201 = arith.constant 16368 : i32
    %parallel_loop3A_202 = arith.constant 2047 : i32
    %parallel_loop3A_203 = scf.for %parallel_loop3A_365 = %parallel_loop3A_198 to %parallel_loop3A_199 step %parallel_loop3A_200 iter_args(%parallel_loop3A_366 = %parallel_loop3A_191) -> (vector<16xf32>)  : i32 {
      %parallel_loop3A_367 = arith.constant 16 : i32
      %parallel_loop3A_368 = arith.muli %parallel_loop3A_365, %parallel_loop3A_367 : i32
      %parallel_loop3A_369 = arith.index_cast %parallel_loop3A_368 : i32 to index
      %parallel_loop3A_370 = tpu.vector_load %arg4[%parallel_loop3A_369] {strides = array<i32>} : memref<37632xf32, #tpu.memory_space<vmem>>, vector<16xf32>,
      %parallel_loop3A_371 = vector.bitcast %parallel_loop3A_370 : vector<16xf32> to vector<16xi32>
      %parallel_loop3A_372 = arith.constant 6 : i32
      %parallel_loop3A_373 = vector.broadcast %parallel_loop3A_372 : i32 to vector<16xi32>
      %parallel_loop3A_374 = arith.shrsi %parallel_loop3A_371, %parallel_loop3A_373 : vector<16xi32>
      %parallel_loop3A_375 = vector.broadcast %parallel_loop3A_201 : i32 to vector<16xi32>
      %parallel_loop3A_376 = arith.andi %parallel_loop3A_374, %parallel_loop3A_375 : vector<16xi32>
      %parallel_loop3A_377 = arith.addi %parallel_loop3A_376, %iota3A : vector<16xi32>
      %parallel_loop3A_378 = arith.constant 20 : i32
      %parallel_loop3A_379 = vector.broadcast %parallel_loop3A_378 : i32 to vector<16xi32>
      %parallel_loop3A_380 = arith.shrsi %parallel_loop3A_371, %parallel_loop3A_379 : vector<16xi32>
      %parallel_loop3A_381 = vector.broadcast %parallel_loop3A_202 : i32 to vector<16xi32>
      %parallel_loop3A_382 = arith.andi %parallel_loop3A_380, %parallel_loop3A_381 : vector<16xi32>
      %parallel_loop3A_383 = arith.cmpi eq, %parallel_loop3A_382, %broadcast_in_dim3A_115 : vector<16xi32>
      tpu.vector_store_idx %arg6[%parallel_loop3A_377], %broadcast_in_dim3A_0 masked %parallel_loop3A_383 {add = true} : memref<32768xi32, #tpu.memory_space<vmem>>[vector<16xi32>], vector<16xi32>, vector<16xi1>
      scf.yield %parallel_loop3A_366 : vector<16xf32>
    } {sc.loop_unroll_factor = 8 : i64, sc.parallel_access}
    %dma_wait3A_204 = tpu.memref_slice %arg2[%add3A_195] : memref<9633792xf32, #tpu.memory_space<hbm>> -> memref<37632xf32, #tpu.memory_space<hbm>>
    %dma_wait3A_205 = tpu.memref_slice %arg2[%add3A_195] : memref<9633792xf32, #tpu.memory_space<hbm>> -> memref<37632xf32, #tpu.memory_space<hbm>>
    tpu.wait_dma2 semaphore(%arg8 : memref<!tpu.dma_semaphore, #tpu.memory_space<semaphore_mem>>) src(%dma_wait3A_205 : memref<37632xf32, #tpu.memory_space<hbm>>) dst(%arg5 : memref<37632xf32, #tpu.memory_space<vmem>>)
    %parallel_loop3A_206 = arith.constant 0 : i32
    %parallel_loop3A_207 = arith.constant 2352 : i32
    %parallel_loop3A_208 = arith.constant 1 : i32
    %parallel_loop3A_209 = arith.constant 16368 : i32
    %parallel_loop3A_210 = arith.constant 2047 : i32
    %parallel_loop3A_211 = scf.for %parallel_loop3A_365 = %parallel_loop3A_206 to %parallel_loop3A_207 step %parallel_loop3A_208 iter_args(%parallel_loop3A_366 = %parallel_loop3A_203) -> (vector<16xf32>)  : i32 {
      %parallel_loop3A_367 = arith.constant 16 : i32
      %parallel_loop3A_368 = arith.muli %parallel_loop3A_365, %parallel_loop3A_367 : i32
      %parallel_loop3A_369 = arith.index_cast %parallel_loop3A_368 : i32 to index
      %parallel_loop3A_370 = tpu.vector_load %arg5[%parallel_loop3A_369] {strides = array<i32>} : memref<37632xf32, #tpu.memory_space<vmem>>, vector<16xf32>,
      %parallel_loop3A_371 = vector.bitcast %parallel_loop3A_370 : vector<16xf32> to vector<16xi32>
      %parallel_loop3A_372 = arith.constant 6 : i32
      %parallel_loop3A_373 = vector.broadcast %parallel_loop3A_372 : i32 to vector<16xi32>
      %parallel_loop3A_374 = arith.shrsi %parallel_loop3A_371, %parallel_loop3A_373 : vector<16xi32>
      %parallel_loop3A_375 = vector.broadcast %parallel_loop3A_209 : i32 to vector<16xi32>
      %parallel_loop3A_376 = arith.andi %parallel_loop3A_374, %parallel_loop3A_375 : vector<16xi32>
      %parallel_loop3A_377 = arith.addi %parallel_loop3A_376, %iota3A : vector<16xi32>
      %parallel_loop3A_378 = arith.constant 20 : i32
      %parallel_loop3A_379 = vector.broadcast %parallel_loop3A_378 : i32 to vector<16xi32>
      %parallel_loop3A_380 = arith.shrsi %parallel_loop3A_371, %parallel_loop3A_379 : vector<16xi32>
      %parallel_loop3A_381 = vector.broadcast %parallel_loop3A_210 : i32 to vector<16xi32>
      %parallel_loop3A_382 = arith.andi %parallel_loop3A_380, %parallel_loop3A_381 : vector<16xi32>
      %parallel_loop3A_383 = arith.cmpi eq, %parallel_loop3A_382, %broadcast_in_dim3A_115 : vector<16xi32>
      tpu.vector_store_idx %arg6[%parallel_loop3A_377], %broadcast_in_dim3A_0 masked %parallel_loop3A_383 {add = true} : memref<32768xi32, #tpu.memory_space<vmem>>[vector<16xi32>], vector<16xi32>, vector<16xi1>
      scf.yield %parallel_loop3A_366 : vector<16xf32>
    } {sc.loop_unroll_factor = 8 : i64, sc.parallel_access}
    %scan3A_212 = arith.constant -1 : i32
    %scan3A_213 = arith.constant 0 : i32
    %scan3A_214 = arith.constant 0 : i32
    %scan3A_215 = arith.constant 0 : i32
    %scan3A_216 = arith.constant 1024 : i32
    %scan3A_217 = arith.addi %scan3A_215, %scan3A_216 : i32
    %scan3A_218 = arith.constant 1 : i32
    %scan3A_219:3 = scf.for %scan3A_365 = %scan3A_215 to %scan3A_217 step %scan3A_218 iter_args(%scan3A_366 = %scan3A_212, %scan3A_367 = %scan3A_213, %scan3A_368 = %scan3A_214) -> (i32, i32, i32)  : i32 {
      %sub3A_369 = arith.constant 1023 : i32
      %sub3A_370 = arith.subi %sub3A_369, %scan3A_365 : i32
      %mul3A_371 = arith.constant 16 : i32
      %mul3A_372 = arith.muli %sub3A_370, %mul3A_371 : i32
      %get3A = arith.index_cast %mul3A_372 : i32 to index
      %get3A_373 = tpu.vector_load %arg6[%get3A] {strides = array<i32>} : memref<32768xi32, #tpu.memory_space<vmem>>, vector<16xi32>,
      %reduce_sum3A = arith.constant true
      %reduce_sum3A_374 = vector.broadcast %reduce_sum3A : i1 to vector<16xi1>
      %reduce_sum3A_375 = tpu.scan <sum>, %get3A_373 masked %reduce_sum3A_374 : vector<16xi32>, vector<16xi1> -> vector<16xi32>
      %reduce_sum3A_376 = vector.extract %reduce_sum3A_375[15] : i32 from vector<16xi32>
      %add3A_377 = arith.addi %scan3A_368, %reduce_sum3A_376 : i32
      %ge3A = arith.cmpi sge, %add3A_377, %sub3A_106 : i32
      %lt3A = arith.constant 0 : i32
      %lt3A_378 = arith.cmpi slt, %scan3A_366, %lt3A : i32
      %and3A = arith.andi %ge3A, %lt3A_378 : i1
      %select_n3A_379 = arith.select %and3A, %sub3A_370, %scan3A_366 : i32
      %select_n3A_380 = arith.select %and3A, %scan3A_368, %scan3A_367 : i32
      scf.yield %select_n3A_379, %select_n3A_380, %add3A_377 : i32, i32, i32
    }
    %scan3A_220 = arith.constant 1024 : i32
    %sub3A_221 = arith.subi %sub3A_106, %scan3A_219#1 : i32
    %shift_left3A_222 = arith.constant 10 : i32
    %shift_left3A_223 = arith.shli %or3A, %shift_left3A_222 : i32
    %or3A_224 = arith.ori %shift_left3A_223, %scan3A_219#0 : i32
    %scan3A_225 = arith.constant 0 : i32
    %scan3A_226 = arith.constant 0 : i32
    %scan3A_227 = arith.constant 256 : i32
    %scan3A_228 = arith.addi %scan3A_226, %scan3A_227 : i32
    %scan3A_229 = arith.constant 1 : i32
    scf.for %scan3A_365 = %scan3A_226 to %scan3A_228 step %scan3A_229  : i32 {
      %broadcast_in_dim3A_366 = arith.constant 0 : i32
      %broadcast_in_dim3A_367 = vector.broadcast %broadcast_in_dim3A_366 : i32 to vector<16xi32>
      %mul3A_368 = arith.constant 64 : i32
      %mul3A_369 = arith.muli %scan3A_365, %mul3A_368 : i32
      %swap3A_370 = arith.index_cast %mul3A_369 : i32 to index
      %swap3A_371 = tpu.vector_load %arg6[%swap3A_370] {strides = array<i32>} : memref<32768xi32, #tpu.memory_space<vmem>>, vector<16xi32>,
      tpu.vector_store %arg6[%swap3A_370], %broadcast_in_dim3A_367 {strides = array<i32>} : memref<32768xi32, #tpu.memory_space<vmem>>, vector<16xi32>,
      %broadcast_in_dim3A_372 = arith.constant 0 : i32
      %broadcast_in_dim3A_373 = vector.broadcast %broadcast_in_dim3A_372 : i32 to vector<16xi32>
      %mul3A_374 = arith.constant 64 : i32
      %mul3A_375 = arith.muli %scan3A_365, %mul3A_374 : i32
      %add3A_376 = arith.constant 16 : i32
      %add3A_377 = arith.addi %mul3A_375, %add3A_376 : i32
      %swap3A_378 = arith.index_cast %add3A_377 : i32 to index
      %swap3A_379 = tpu.vector_load %arg6[%swap3A_378] {strides = array<i32>} : memref<32768xi32, #tpu.memory_space<vmem>>, vector<16xi32>,
      tpu.vector_store %arg6[%swap3A_378], %broadcast_in_dim3A_373 {strides = array<i32>} : memref<32768xi32, #tpu.memory_space<vmem>>, vector<16xi32>,
      %broadcast_in_dim3A_380 = arith.constant 0 : i32
      %broadcast_in_dim3A_381 = vector.broadcast %broadcast_in_dim3A_380 : i32 to vector<16xi32>
      %mul3A_382 = arith.constant 64 : i32
      %mul3A_383 = arith.muli %scan3A_365, %mul3A_382 : i32
      %add3A_384 = arith.constant 32 : i32
      %add3A_385 = arith.addi %mul3A_383, %add3A_384 : i32
      %swap3A_386 = arith.index_cast %add3A_385 : i32 to index
      %swap3A_387 = tpu.vector_load %arg6[%swap3A_386] {strides = array<i32>} : memref<32768xi32, #tpu.memory_space<vmem>>, vector<16xi32>,
      tpu.vector_store %arg6[%swap3A_386], %broadcast_in_dim3A_381 {strides = array<i32>} : memref<32768xi32, #tpu.memory_space<vmem>>, vector<16xi32>,
      %broadcast_in_dim3A_388 = arith.constant 0 : i32
      %broadcast_in_dim3A_389 = vector.broadcast %broadcast_in_dim3A_388 : i32 to vector<16xi32>
      %mul3A_390 = arith.constant 64 : i32
      %mul3A_391 = arith.muli %scan3A_365, %mul3A_390 : i32
      %add3A_392 = arith.constant 48 : i32
      %add3A_393 = arith.addi %mul3A_391, %add3A_392 : i32
      %swap3A_394 = arith.index_cast %add3A_393 : i32 to index
      %swap3A_395 = tpu.vector_load %arg6[%swap3A_394] {strides = array<i32>} : memref<32768xi32, #tpu.memory_space<vmem>>, vector<16xi32>,
      tpu.vector_store %arg6[%swap3A_394], %broadcast_in_dim3A_389 {strides = array<i32>} : memref<32768xi32, #tpu.memory_space<vmem>>, vector<16xi32>,
    }
    %scan3A_230 = arith.constant 256 : i32
    %broadcast_in_dim3A_231 = vector.broadcast %or3A_224 : i32 to vector<16xi32>
    %mul3A_232 = arith.constant 301056 : i32
    %mul3A_233 = arith.muli %add3A, %mul3A_232 : i32
    %dma_start3A_234 = tpu.memref_slice %arg2[%mul3A_233] : memref<9633792xf32, #tpu.memory_space<hbm>> -> memref<37632xf32, #tpu.memory_space<hbm>>
    %dma_start3A_235 = tpu.memref_slice %arg2[%mul3A_233] : memref<9633792xf32, #tpu.memory_space<hbm>> -> memref<37632xf32, #tpu.memory_space<hbm>>
    tpu.enqueue_dma source(%dma_start3A_235 : memref<37632xf32, #tpu.memory_space<hbm>>) target(%arg4 : memref<37632xf32, #tpu.memory_space<vmem>>) target_semaphore(%arg8 : memref<!tpu.dma_semaphore, #tpu.memory_space<semaphore_mem>>)
    %dma_wait3A_236 = tpu.memref_slice %arg2[%mul3A_233] : memref<9633792xf32, #tpu.memory_space<hbm>> -> memref<37632xf32, #tpu.memory_space<hbm>>
    %dma_wait3A_237 = tpu.memref_slice %arg2[%mul3A_233] : memref<9633792xf32, #tpu.memory_space<hbm>> -> memref<37632xf32, #tpu.memory_space<hbm>>
    tpu.wait_dma2 semaphore(%arg8 : memref<!tpu.dma_semaphore, #tpu.memory_space<semaphore_mem>>) src(%dma_wait3A_237 : memref<37632xf32, #tpu.memory_space<hbm>>) dst(%arg4 : memref<37632xf32, #tpu.memory_space<vmem>>)
    %add3A_238 = arith.constant 37632 : i32
    %add3A_239 = arith.addi %mul3A_233, %add3A_238 : i32
    %dma_start3A_240 = tpu.memref_slice %arg2[%add3A_239] : memref<9633792xf32, #tpu.memory_space<hbm>> -> memref<37632xf32, #tpu.memory_space<hbm>>
    %dma_start3A_241 = tpu.memref_slice %arg2[%add3A_239] : memref<9633792xf32, #tpu.memory_space<hbm>> -> memref<37632xf32, #tpu.memory_space<hbm>>
    tpu.enqueue_dma source(%dma_start3A_241 : memref<37632xf32, #tpu.memory_space<hbm>>) target(%arg5 : memref<37632xf32, #tpu.memory_space<vmem>>) target_semaphore(%arg8 : memref<!tpu.dma_semaphore, #tpu.memory_space<semaphore_mem>>)
    %parallel_loop3A_242 = arith.constant 0 : i32
    %parallel_loop3A_243 = arith.constant 2352 : i32
    %parallel_loop3A_244 = arith.constant 1 : i32
    %parallel_loop3A_245 = arith.constant 16368 : i32
    %parallel_loop3A_246 = arith.constant 2097151 : i32
    %parallel_loop3A_247 = scf.for %parallel_loop3A_365 = %parallel_loop3A_242 to %parallel_loop3A_243 step %parallel_loop3A_244 iter_args(%parallel_loop3A_366 = %parallel_loop3A_211) -> (vector<16xf32>)  : i32 {
      %parallel_loop3A_367 = arith.constant 16 : i32
      %parallel_loop3A_368 = arith.muli %parallel_loop3A_365, %parallel_loop3A_367 : i32
      %parallel_loop3A_369 = arith.index_cast %parallel_loop3A_368 : i32 to index
      %parallel_loop3A_370 = tpu.vector_load %arg4[%parallel_loop3A_369] {strides = array<i32>} : memref<37632xf32, #tpu.memory_space<vmem>>, vector<16xf32>,
      %parallel_loop3A_371 = vector.bitcast %parallel_loop3A_370 : vector<16xf32> to vector<16xi32>
      %parallel_loop3A_372 = arith.constant 4 : i32
      %parallel_loop3A_373 = vector.broadcast %parallel_loop3A_372 : i32 to vector<16xi32>
      %parallel_loop3A_374 = arith.shli %parallel_loop3A_371, %parallel_loop3A_373 : vector<16xi32>
      %parallel_loop3A_375 = vector.broadcast %parallel_loop3A_245 : i32 to vector<16xi32>
      %parallel_loop3A_376 = arith.andi %parallel_loop3A_374, %parallel_loop3A_375 : vector<16xi32>
      %parallel_loop3A_377 = arith.addi %parallel_loop3A_376, %iota3A : vector<16xi32>
      %parallel_loop3A_378 = arith.constant 10 : i32
      %parallel_loop3A_379 = vector.broadcast %parallel_loop3A_378 : i32 to vector<16xi32>
      %parallel_loop3A_380 = arith.shrsi %parallel_loop3A_371, %parallel_loop3A_379 : vector<16xi32>
      %parallel_loop3A_381 = vector.broadcast %parallel_loop3A_246 : i32 to vector<16xi32>
      %parallel_loop3A_382 = arith.andi %parallel_loop3A_380, %parallel_loop3A_381 : vector<16xi32>
      %parallel_loop3A_383 = arith.cmpi eq, %parallel_loop3A_382, %broadcast_in_dim3A_231 : vector<16xi32>
      tpu.vector_store_idx %arg6[%parallel_loop3A_377], %broadcast_in_dim3A_0 masked %parallel_loop3A_383 {add = true} : memref<32768xi32, #tpu.memory_space<vmem>>[vector<16xi32>], vector<16xi32>, vector<16xi1>
      scf.yield %parallel_loop3A_366 : vector<16xf32>
    } {sc.loop_unroll_factor = 8 : i64, sc.parallel_access}
    %dma_wait3A_248 = tpu.memref_slice %arg2[%add3A_239] : memref<9633792xf32, #tpu.memory_space<hbm>> -> memref<37632xf32, #tpu.memory_space<hbm>>
    %dma_wait3A_249 = tpu.memref_slice %arg2[%add3A_239] : memref<9633792xf32, #tpu.memory_space<hbm>> -> memref<37632xf32, #tpu.memory_space<hbm>>
    tpu.wait_dma2 semaphore(%arg8 : memref<!tpu.dma_semaphore, #tpu.memory_space<semaphore_mem>>) src(%dma_wait3A_249 : memref<37632xf32, #tpu.memory_space<hbm>>) dst(%arg5 : memref<37632xf32, #tpu.memory_space<vmem>>)
    %add3A_250 = arith.constant 75264 : i32
    %add3A_251 = arith.addi %mul3A_233, %add3A_250 : i32
    %dma_start3A_252 = tpu.memref_slice %arg2[%add3A_251] : memref<9633792xf32, #tpu.memory_space<hbm>> -> memref<37632xf32, #tpu.memory_space<hbm>>
    %dma_start3A_253 = tpu.memref_slice %arg2[%add3A_251] : memref<9633792xf32, #tpu.memory_space<hbm>> -> memref<37632xf32, #tpu.memory_space<hbm>>
    tpu.enqueue_dma source(%dma_start3A_253 : memref<37632xf32, #tpu.memory_space<hbm>>) target(%arg4 : memref<37632xf32, #tpu.memory_space<vmem>>) target_semaphore(%arg8 : memref<!tpu.dma_semaphore, #tpu.memory_space<semaphore_mem>>)
    %parallel_loop3A_254 = arith.constant 0 : i32
    %parallel_loop3A_255 = arith.constant 2352 : i32
    %parallel_loop3A_256 = arith.constant 1 : i32
    %parallel_loop3A_257 = arith.constant 16368 : i32
    %parallel_loop3A_258 = arith.constant 2097151 : i32
    %parallel_loop3A_259 = scf.for %parallel_loop3A_365 = %parallel_loop3A_254 to %parallel_loop3A_255 step %parallel_loop3A_256 iter_args(%parallel_loop3A_366 = %parallel_loop3A_247) -> (vector<16xf32>)  : i32 {
      %parallel_loop3A_367 = arith.constant 16 : i32
      %parallel_loop3A_368 = arith.muli %parallel_loop3A_365, %parallel_loop3A_367 : i32
      %parallel_loop3A_369 = arith.index_cast %parallel_loop3A_368 : i32 to index
      %parallel_loop3A_370 = tpu.vector_load %arg5[%parallel_loop3A_369] {strides = array<i32>} : memref<37632xf32, #tpu.memory_space<vmem>>, vector<16xf32>,
      %parallel_loop3A_371 = vector.bitcast %parallel_loop3A_370 : vector<16xf32> to vector<16xi32>
      %parallel_loop3A_372 = arith.constant 4 : i32
      %parallel_loop3A_373 = vector.broadcast %parallel_loop3A_372 : i32 to vector<16xi32>
      %parallel_loop3A_374 = arith.shli %parallel_loop3A_371, %parallel_loop3A_373 : vector<16xi32>
      %parallel_loop3A_375 = vector.broadcast %parallel_loop3A_257 : i32 to vector<16xi32>
      %parallel_loop3A_376 = arith.andi %parallel_loop3A_374, %parallel_loop3A_375 : vector<16xi32>
      %parallel_loop3A_377 = arith.addi %parallel_loop3A_376, %iota3A : vector<16xi32>
      %parallel_loop3A_378 = arith.constant 10 : i32
      %parallel_loop3A_379 = vector.broadcast %parallel_loop3A_378 : i32 to vector<16xi32>
      %parallel_loop3A_380 = arith.shrsi %parallel_loop3A_371, %parallel_loop3A_379 : vector<16xi32>
      %parallel_loop3A_381 = vector.broadcast %parallel_loop3A_258 : i32 to vector<16xi32>
      %parallel_loop3A_382 = arith.andi %parallel_loop3A_380, %parallel_loop3A_381 : vector<16xi32>
      %parallel_loop3A_383 = arith.cmpi eq, %parallel_loop3A_382, %broadcast_in_dim3A_231 : vector<16xi32>
      tpu.vector_store_idx %arg6[%parallel_loop3A_377], %broadcast_in_dim3A_0 masked %parallel_loop3A_383 {add = true} : memref<32768xi32, #tpu.memory_space<vmem>>[vector<16xi32>], vector<16xi32>, vector<16xi1>
      scf.yield %parallel_loop3A_366 : vector<16xf32>
    } {sc.loop_unroll_factor = 8 : i64, sc.parallel_access}
    %dma_wait3A_260 = tpu.memref_slice %arg2[%add3A_251] : memref<9633792xf32, #tpu.memory_space<hbm>> -> memref<37632xf32, #tpu.memory_space<hbm>>
    %dma_wait3A_261 = tpu.memref_slice %arg2[%add3A_251] : memref<9633792xf32, #tpu.memory_space<hbm>> -> memref<37632xf32, #tpu.memory_space<hbm>>
    tpu.wait_dma2 semaphore(%arg8 : memref<!tpu.dma_semaphore, #tpu.memory_space<semaphore_mem>>) src(%dma_wait3A_261 : memref<37632xf32, #tpu.memory_space<hbm>>) dst(%arg4 : memref<37632xf32, #tpu.memory_space<vmem>>)
    %add3A_262 = arith.constant 112896 : i32
    %add3A_263 = arith.addi %mul3A_233, %add3A_262 : i32
    %dma_start3A_264 = tpu.memref_slice %arg2[%add3A_263] : memref<9633792xf32, #tpu.memory_space<hbm>> -> memref<37632xf32, #tpu.memory_space<hbm>>
    %dma_start3A_265 = tpu.memref_slice %arg2[%add3A_263] : memref<9633792xf32, #tpu.memory_space<hbm>> -> memref<37632xf32, #tpu.memory_space<hbm>>
    tpu.enqueue_dma source(%dma_start3A_265 : memref<37632xf32, #tpu.memory_space<hbm>>) target(%arg5 : memref<37632xf32, #tpu.memory_space<vmem>>) target_semaphore(%arg8 : memref<!tpu.dma_semaphore, #tpu.memory_space<semaphore_mem>>)
    %parallel_loop3A_266 = arith.constant 0 : i32
    %parallel_loop3A_267 = arith.constant 2352 : i32
    %parallel_loop3A_268 = arith.constant 1 : i32
    %parallel_loop3A_269 = arith.constant 16368 : i32
    %parallel_loop3A_270 = arith.constant 2097151 : i32
    %parallel_loop3A_271 = scf.for %parallel_loop3A_365 = %parallel_loop3A_266 to %parallel_loop3A_267 step %parallel_loop3A_268 iter_args(%parallel_loop3A_366 = %parallel_loop3A_259) -> (vector<16xf32>)  : i32 {
      %parallel_loop3A_367 = arith.constant 16 : i32
      %parallel_loop3A_368 = arith.muli %parallel_loop3A_365, %parallel_loop3A_367 : i32
      %parallel_loop3A_369 = arith.index_cast %parallel_loop3A_368 : i32 to index
      %parallel_loop3A_370 = tpu.vector_load %arg4[%parallel_loop3A_369] {strides = array<i32>} : memref<37632xf32, #tpu.memory_space<vmem>>, vector<16xf32>,
      %parallel_loop3A_371 = vector.bitcast %parallel_loop3A_370 : vector<16xf32> to vector<16xi32>
      %parallel_loop3A_372 = arith.constant 4 : i32
      %parallel_loop3A_373 = vector.broadcast %parallel_loop3A_372 : i32 to vector<16xi32>
      %parallel_loop3A_374 = arith.shli %parallel_loop3A_371, %parallel_loop3A_373 : vector<16xi32>
      %parallel_loop3A_375 = vector.broadcast %parallel_loop3A_269 : i32 to vector<16xi32>
      %parallel_loop3A_376 = arith.andi %parallel_loop3A_374, %parallel_loop3A_375 : vector<16xi32>
      %parallel_loop3A_377 = arith.addi %parallel_loop3A_376, %iota3A : vector<16xi32>
      %parallel_loop3A_378 = arith.constant 10 : i32
      %parallel_loop3A_379 = vector.broadcast %parallel_loop3A_378 : i32 to vector<16xi32>
      %parallel_loop3A_380 = arith.shrsi %parallel_loop3A_371, %parallel_loop3A_379 : vector<16xi32>
      %parallel_loop3A_381 = vector.broadcast %parallel_loop3A_270 : i32 to vector<16xi32>
      %parallel_loop3A_382 = arith.andi %parallel_loop3A_380, %parallel_loop3A_381 : vector<16xi32>
      %parallel_loop3A_383 = arith.cmpi eq, %parallel_loop3A_382, %broadcast_in_dim3A_231 : vector<16xi32>
      tpu.vector_store_idx %arg6[%parallel_loop3A_377], %broadcast_in_dim3A_0 masked %parallel_loop3A_383 {add = true} : memref<32768xi32, #tpu.memory_space<vmem>>[vector<16xi32>], vector<16xi32>, vector<16xi1>
      scf.yield %parallel_loop3A_366 : vector<16xf32>
    } {sc.loop_unroll_factor = 8 : i64, sc.parallel_access}
    %dma_wait3A_272 = tpu.memref_slice %arg2[%add3A_263] : memref<9633792xf32, #tpu.memory_space<hbm>> -> memref<37632xf32, #tpu.memory_space<hbm>>
    %dma_wait3A_273 = tpu.memref_slice %arg2[%add3A_263] : memref<9633792xf32, #tpu.memory_space<hbm>> -> memref<37632xf32, #tpu.memory_space<hbm>>
    tpu.wait_dma2 semaphore(%arg8 : memref<!tpu.dma_semaphore, #tpu.memory_space<semaphore_mem>>) src(%dma_wait3A_273 : memref<37632xf32, #tpu.memory_space<hbm>>) dst(%arg5 : memref<37632xf32, #tpu.memory_space<vmem>>)
    %add3A_274 = arith.constant 150528 : i32
    %add3A_275 = arith.addi %mul3A_233, %add3A_274 : i32
    %dma_start3A_276 = tpu.memref_slice %arg2[%add3A_275] : memref<9633792xf32, #tpu.memory_space<hbm>> -> memref<37632xf32, #tpu.memory_space<hbm>>
    %dma_start3A_277 = tpu.memref_slice %arg2[%add3A_275] : memref<9633792xf32, #tpu.memory_space<hbm>> -> memref<37632xf32, #tpu.memory_space<hbm>>
    tpu.enqueue_dma source(%dma_start3A_277 : memref<37632xf32, #tpu.memory_space<hbm>>) target(%arg4 : memref<37632xf32, #tpu.memory_space<vmem>>) target_semaphore(%arg8 : memref<!tpu.dma_semaphore, #tpu.memory_space<semaphore_mem>>)
    %parallel_loop3A_278 = arith.constant 0 : i32
    %parallel_loop3A_279 = arith.constant 2352 : i32
    %parallel_loop3A_280 = arith.constant 1 : i32
    %parallel_loop3A_281 = arith.constant 16368 : i32
    %parallel_loop3A_282 = arith.constant 2097151 : i32
    %parallel_loop3A_283 = scf.for %parallel_loop3A_365 = %parallel_loop3A_278 to %parallel_loop3A_279 step %parallel_loop3A_280 iter_args(%parallel_loop3A_366 = %parallel_loop3A_271) -> (vector<16xf32>)  : i32 {
      %parallel_loop3A_367 = arith.constant 16 : i32
      %parallel_loop3A_368 = arith.muli %parallel_loop3A_365, %parallel_loop3A_367 : i32
      %parallel_loop3A_369 = arith.index_cast %parallel_loop3A_368 : i32 to index
      %parallel_loop3A_370 = tpu.vector_load %arg5[%parallel_loop3A_369] {strides = array<i32>} : memref<37632xf32, #tpu.memory_space<vmem>>, vector<16xf32>,
      %parallel_loop3A_371 = vector.bitcast %parallel_loop3A_370 : vector<16xf32> to vector<16xi32>
      %parallel_loop3A_372 = arith.constant 4 : i32
      %parallel_loop3A_373 = vector.broadcast %parallel_loop3A_372 : i32 to vector<16xi32>
      %parallel_loop3A_374 = arith.shli %parallel_loop3A_371, %parallel_loop3A_373 : vector<16xi32>
      %parallel_loop3A_375 = vector.broadcast %parallel_loop3A_281 : i32 to vector<16xi32>
      %parallel_loop3A_376 = arith.andi %parallel_loop3A_374, %parallel_loop3A_375 : vector<16xi32>
      %parallel_loop3A_377 = arith.addi %parallel_loop3A_376, %iota3A : vector<16xi32>
      %parallel_loop3A_378 = arith.constant 10 : i32
      %parallel_loop3A_379 = vector.broadcast %parallel_loop3A_378 : i32 to vector<16xi32>
      %parallel_loop3A_380 = arith.shrsi %parallel_loop3A_371, %parallel_loop3A_379 : vector<16xi32>
      %parallel_loop3A_381 = vector.broadcast %parallel_loop3A_282 : i32 to vector<16xi32>
      %parallel_loop3A_382 = arith.andi %parallel_loop3A_380, %parallel_loop3A_381 : vector<16xi32>
      %parallel_loop3A_383 = arith.cmpi eq, %parallel_loop3A_382, %broadcast_in_dim3A_231 : vector<16xi32>
      tpu.vector_store_idx %arg6[%parallel_loop3A_377], %broadcast_in_dim3A_0 masked %parallel_loop3A_383 {add = true} : memref<32768xi32, #tpu.memory_space<vmem>>[vector<16xi32>], vector<16xi32>, vector<16xi1>
      scf.yield %parallel_loop3A_366 : vector<16xf32>
    } {sc.loop_unroll_factor = 8 : i64, sc.parallel_access}
    %dma_wait3A_284 = tpu.memref_slice %arg2[%add3A_275] : memref<9633792xf32, #tpu.memory_space<hbm>> -> memref<37632xf32, #tpu.memory_space<hbm>>
    %dma_wait3A_285 = tpu.memref_slice %arg2[%add3A_275] : memref<9633792xf32, #tpu.memory_space<hbm>> -> memref<37632xf32, #tpu.memory_space<hbm>>
    tpu.wait_dma2 semaphore(%arg8 : memref<!tpu.dma_semaphore, #tpu.memory_space<semaphore_mem>>) src(%dma_wait3A_285 : memref<37632xf32, #tpu.memory_space<hbm>>) dst(%arg4 : memref<37632xf32, #tpu.memory_space<vmem>>)
    %add3A_286 = arith.constant 188160 : i32
    %add3A_287 = arith.addi %mul3A_233, %add3A_286 : i32
    %dma_start3A_288 = tpu.memref_slice %arg2[%add3A_287] : memref<9633792xf32, #tpu.memory_space<hbm>> -> memref<37632xf32, #tpu.memory_space<hbm>>
    %dma_start3A_289 = tpu.memref_slice %arg2[%add3A_287] : memref<9633792xf32, #tpu.memory_space<hbm>> -> memref<37632xf32, #tpu.memory_space<hbm>>
    tpu.enqueue_dma source(%dma_start3A_289 : memref<37632xf32, #tpu.memory_space<hbm>>) target(%arg5 : memref<37632xf32, #tpu.memory_space<vmem>>) target_semaphore(%arg8 : memref<!tpu.dma_semaphore, #tpu.memory_space<semaphore_mem>>)
    %parallel_loop3A_290 = arith.constant 0 : i32
    %parallel_loop3A_291 = arith.constant 2352 : i32
    %parallel_loop3A_292 = arith.constant 1 : i32
    %parallel_loop3A_293 = arith.constant 16368 : i32
    %parallel_loop3A_294 = arith.constant 2097151 : i32
    %parallel_loop3A_295 = scf.for %parallel_loop3A_365 = %parallel_loop3A_290 to %parallel_loop3A_291 step %parallel_loop3A_292 iter_args(%parallel_loop3A_366 = %parallel_loop3A_283) -> (vector<16xf32>)  : i32 {
      %parallel_loop3A_367 = arith.constant 16 : i32
      %parallel_loop3A_368 = arith.muli %parallel_loop3A_365, %parallel_loop3A_367 : i32
      %parallel_loop3A_369 = arith.index_cast %parallel_loop3A_368 : i32 to index
      %parallel_loop3A_370 = tpu.vector_load %arg4[%parallel_loop3A_369] {strides = array<i32>} : memref<37632xf32, #tpu.memory_space<vmem>>, vector<16xf32>,
      %parallel_loop3A_371 = vector.bitcast %parallel_loop3A_370 : vector<16xf32> to vector<16xi32>
      %parallel_loop3A_372 = arith.constant 4 : i32
      %parallel_loop3A_373 = vector.broadcast %parallel_loop3A_372 : i32 to vector<16xi32>
      %parallel_loop3A_374 = arith.shli %parallel_loop3A_371, %parallel_loop3A_373 : vector<16xi32>
      %parallel_loop3A_375 = vector.broadcast %parallel_loop3A_293 : i32 to vector<16xi32>
      %parallel_loop3A_376 = arith.andi %parallel_loop3A_374, %parallel_loop3A_375 : vector<16xi32>
      %parallel_loop3A_377 = arith.addi %parallel_loop3A_376, %iota3A : vector<16xi32>
      %parallel_loop3A_378 = arith.constant 10 : i32
      %parallel_loop3A_379 = vector.broadcast %parallel_loop3A_378 : i32 to vector<16xi32>
      %parallel_loop3A_380 = arith.shrsi %parallel_loop3A_371, %parallel_loop3A_379 : vector<16xi32>
      %parallel_loop3A_381 = vector.broadcast %parallel_loop3A_294 : i32 to vector<16xi32>
      %parallel_loop3A_382 = arith.andi %parallel_loop3A_380, %parallel_loop3A_381 : vector<16xi32>
      %parallel_loop3A_383 = arith.cmpi eq, %parallel_loop3A_382, %broadcast_in_dim3A_231 : vector<16xi32>
      tpu.vector_store_idx %arg6[%parallel_loop3A_377], %broadcast_in_dim3A_0 masked %parallel_loop3A_383 {add = true} : memref<32768xi32, #tpu.memory_space<vmem>>[vector<16xi32>], vector<16xi32>, vector<16xi1>
      scf.yield %parallel_loop3A_366 : vector<16xf32>
    } {sc.loop_unroll_factor = 8 : i64, sc.parallel_access}
    %dma_wait3A_296 = tpu.memref_slice %arg2[%add3A_287] : memref<9633792xf32, #tpu.memory_space<hbm>> -> memref<37632xf32, #tpu.memory_space<hbm>>
    %dma_wait3A_297 = tpu.memref_slice %arg2[%add3A_287] : memref<9633792xf32, #tpu.memory_space<hbm>> -> memref<37632xf32, #tpu.memory_space<hbm>>
    tpu.wait_dma2 semaphore(%arg8 : memref<!tpu.dma_semaphore, #tpu.memory_space<semaphore_mem>>) src(%dma_wait3A_297 : memref<37632xf32, #tpu.memory_space<hbm>>) dst(%arg5 : memref<37632xf32, #tpu.memory_space<vmem>>)
    %add3A_298 = arith.constant 225792 : i32
    %add3A_299 = arith.addi %mul3A_233, %add3A_298 : i32
    %dma_start3A_300 = tpu.memref_slice %arg2[%add3A_299] : memref<9633792xf32, #tpu.memory_space<hbm>> -> memref<37632xf32, #tpu.memory_space<hbm>>
    %dma_start3A_301 = tpu.memref_slice %arg2[%add3A_299] : memref<9633792xf32, #tpu.memory_space<hbm>> -> memref<37632xf32, #tpu.memory_space<hbm>>
    tpu.enqueue_dma source(%dma_start3A_301 : memref<37632xf32, #tpu.memory_space<hbm>>) target(%arg4 : memref<37632xf32, #tpu.memory_space<vmem>>) target_semaphore(%arg8 : memref<!tpu.dma_semaphore, #tpu.memory_space<semaphore_mem>>)
    %parallel_loop3A_302 = arith.constant 0 : i32
    %parallel_loop3A_303 = arith.constant 2352 : i32
    %parallel_loop3A_304 = arith.constant 1 : i32
    %parallel_loop3A_305 = arith.constant 16368 : i32
    %parallel_loop3A_306 = arith.constant 2097151 : i32
    %parallel_loop3A_307 = scf.for %parallel_loop3A_365 = %parallel_loop3A_302 to %parallel_loop3A_303 step %parallel_loop3A_304 iter_args(%parallel_loop3A_366 = %parallel_loop3A_295) -> (vector<16xf32>)  : i32 {
      %parallel_loop3A_367 = arith.constant 16 : i32
      %parallel_loop3A_368 = arith.muli %parallel_loop3A_365, %parallel_loop3A_367 : i32
      %parallel_loop3A_369 = arith.index_cast %parallel_loop3A_368 : i32 to index
      %parallel_loop3A_370 = tpu.vector_load %arg5[%parallel_loop3A_369] {strides = array<i32>} : memref<37632xf32, #tpu.memory_space<vmem>>, vector<16xf32>,
      %parallel_loop3A_371 = vector.bitcast %parallel_loop3A_370 : vector<16xf32> to vector<16xi32>
      %parallel_loop3A_372 = arith.constant 4 : i32
      %parallel_loop3A_373 = vector.broadcast %parallel_loop3A_372 : i32 to vector<16xi32>
      %parallel_loop3A_374 = arith.shli %parallel_loop3A_371, %parallel_loop3A_373 : vector<16xi32>
      %parallel_loop3A_375 = vector.broadcast %parallel_loop3A_305 : i32 to vector<16xi32>
      %parallel_loop3A_376 = arith.andi %parallel_loop3A_374, %parallel_loop3A_375 : vector<16xi32>
      %parallel_loop3A_377 = arith.addi %parallel_loop3A_376, %iota3A : vector<16xi32>
      %parallel_loop3A_378 = arith.constant 10 : i32
      %parallel_loop3A_379 = vector.broadcast %parallel_loop3A_378 : i32 to vector<16xi32>
      %parallel_loop3A_380 = arith.shrsi %parallel_loop3A_371, %parallel_loop3A_379 : vector<16xi32>
      %parallel_loop3A_381 = vector.broadcast %parallel_loop3A_306 : i32 to vector<16xi32>
      %parallel_loop3A_382 = arith.andi %parallel_loop3A_380, %parallel_loop3A_381 : vector<16xi32>
      %parallel_loop3A_383 = arith.cmpi eq, %parallel_loop3A_382, %broadcast_in_dim3A_231 : vector<16xi32>
      tpu.vector_store_idx %arg6[%parallel_loop3A_377], %broadcast_in_dim3A_0 masked %parallel_loop3A_383 {add = true} : memref<32768xi32, #tpu.memory_space<vmem>>[vector<16xi32>], vector<16xi32>, vector<16xi1>
      scf.yield %parallel_loop3A_366 : vector<16xf32>
    } {sc.loop_unroll_factor = 8 : i64, sc.parallel_access}
    %dma_wait3A_308 = tpu.memref_slice %arg2[%add3A_299] : memref<9633792xf32, #tpu.memory_space<hbm>> -> memref<37632xf32, #tpu.memory_space<hbm>>
    %dma_wait3A_309 = tpu.memref_slice %arg2[%add3A_299] : memref<9633792xf32, #tpu.memory_space<hbm>> -> memref<37632xf32, #tpu.memory_space<hbm>>
    tpu.wait_dma2 semaphore(%arg8 : memref<!tpu.dma_semaphore, #tpu.memory_space<semaphore_mem>>) src(%dma_wait3A_309 : memref<37632xf32, #tpu.memory_space<hbm>>) dst(%arg4 : memref<37632xf32, #tpu.memory_space<vmem>>)
    %add3A_310 = arith.constant 263424 : i32
    %add3A_311 = arith.addi %mul3A_233, %add3A_310 : i32
    %dma_start3A_312 = tpu.memref_slice %arg2[%add3A_311] : memref<9633792xf32, #tpu.memory_space<hbm>> -> memref<37632xf32, #tpu.memory_space<hbm>>
    %dma_start3A_313 = tpu.memref_slice %arg2[%add3A_311] : memref<9633792xf32, #tpu.memory_space<hbm>> -> memref<37632xf32, #tpu.memory_space<hbm>>
    tpu.enqueue_dma source(%dma_start3A_313 : memref<37632xf32, #tpu.memory_space<hbm>>) target(%arg5 : memref<37632xf32, #tpu.memory_space<vmem>>) target_semaphore(%arg8 : memref<!tpu.dma_semaphore, #tpu.memory_space<semaphore_mem>>)
    %parallel_loop3A_314 = arith.constant 0 : i32
    %parallel_loop3A_315 = arith.constant 2352 : i32
    %parallel_loop3A_316 = arith.constant 1 : i32
    %parallel_loop3A_317 = arith.constant 16368 : i32
    %parallel_loop3A_318 = arith.constant 2097151 : i32
    %parallel_loop3A_319 = scf.for %parallel_loop3A_365 = %parallel_loop3A_314 to %parallel_loop3A_315 step %parallel_loop3A_316 iter_args(%parallel_loop3A_366 = %parallel_loop3A_307) -> (vector<16xf32>)  : i32 {
      %parallel_loop3A_367 = arith.constant 16 : i32
      %parallel_loop3A_368 = arith.muli %parallel_loop3A_365, %parallel_loop3A_367 : i32
      %parallel_loop3A_369 = arith.index_cast %parallel_loop3A_368 : i32 to index
      %parallel_loop3A_370 = tpu.vector_load %arg4[%parallel_loop3A_369] {strides = array<i32>} : memref<37632xf32, #tpu.memory_space<vmem>>, vector<16xf32>,
      %parallel_loop3A_371 = vector.bitcast %parallel_loop3A_370 : vector<16xf32> to vector<16xi32>
      %parallel_loop3A_372 = arith.constant 4 : i32
      %parallel_loop3A_373 = vector.broadcast %parallel_loop3A_372 : i32 to vector<16xi32>
      %parallel_loop3A_374 = arith.shli %parallel_loop3A_371, %parallel_loop3A_373 : vector<16xi32>
      %parallel_loop3A_375 = vector.broadcast %parallel_loop3A_317 : i32 to vector<16xi32>
      %parallel_loop3A_376 = arith.andi %parallel_loop3A_374, %parallel_loop3A_375 : vector<16xi32>
      %parallel_loop3A_377 = arith.addi %parallel_loop3A_376, %iota3A : vector<16xi32>
      %parallel_loop3A_378 = arith.constant 10 : i32
      %parallel_loop3A_379 = vector.broadcast %parallel_loop3A_378 : i32 to vector<16xi32>
      %parallel_loop3A_380 = arith.shrsi %parallel_loop3A_371, %parallel_loop3A_379 : vector<16xi32>
      %parallel_loop3A_381 = vector.broadcast %parallel_loop3A_318 : i32 to vector<16xi32>
      %parallel_loop3A_382 = arith.andi %parallel_loop3A_380, %parallel_loop3A_381 : vector<16xi32>
      %parallel_loop3A_383 = arith.cmpi eq, %parallel_loop3A_382, %broadcast_in_dim3A_231 : vector<16xi32>
      tpu.vector_store_idx %arg6[%parallel_loop3A_377], %broadcast_in_dim3A_0 masked %parallel_loop3A_383 {add = true} : memref<32768xi32, #tpu.memory_space<vmem>>[vector<16xi32>], vector<16xi32>, vector<16xi1>
      scf.yield %parallel_loop3A_366 : vector<16xf32>
    } {sc.loop_unroll_factor = 8 : i64, sc.parallel_access}
    %dma_wait3A_320 = tpu.memref_slice %arg2[%add3A_311] : memref<9633792xf32, #tpu.memory_space<hbm>> -> memref<37632xf32, #tpu.memory_space<hbm>>
    %dma_wait3A_321 = tpu.memref_slice %arg2[%add3A_311] : memref<9633792xf32, #tpu.memory_space<hbm>> -> memref<37632xf32, #tpu.memory_space<hbm>>
    tpu.wait_dma2 semaphore(%arg8 : memref<!tpu.dma_semaphore, #tpu.memory_space<semaphore_mem>>) src(%dma_wait3A_321 : memref<37632xf32, #tpu.memory_space<hbm>>) dst(%arg5 : memref<37632xf32, #tpu.memory_space<vmem>>)
    %parallel_loop3A_322 = arith.constant 0 : i32
    %parallel_loop3A_323 = arith.constant 2352 : i32
    %parallel_loop3A_324 = arith.constant 1 : i32
    %parallel_loop3A_325 = arith.constant 16368 : i32
    %parallel_loop3A_326 = arith.constant 2097151 : i32
    %parallel_loop3A_327 = scf.for %parallel_loop3A_365 = %parallel_loop3A_322 to %parallel_loop3A_323 step %parallel_loop3A_324 iter_args(%parallel_loop3A_366 = %parallel_loop3A_319) -> (vector<16xf32>)  : i32 {
      %parallel_loop3A_367 = arith.constant 16 : i32
      %parallel_loop3A_368 = arith.muli %parallel_loop3A_365, %parallel_loop3A_367 : i32
      %parallel_loop3A_369 = arith.index_cast %parallel_loop3A_368 : i32 to index
      %parallel_loop3A_370 = tpu.vector_load %arg5[%parallel_loop3A_369] {strides = array<i32>} : memref<37632xf32, #tpu.memory_space<vmem>>, vector<16xf32>,
      %parallel_loop3A_371 = vector.bitcast %parallel_loop3A_370 : vector<16xf32> to vector<16xi32>
      %parallel_loop3A_372 = arith.constant 4 : i32
      %parallel_loop3A_373 = vector.broadcast %parallel_loop3A_372 : i32 to vector<16xi32>
      %parallel_loop3A_374 = arith.shli %parallel_loop3A_371, %parallel_loop3A_373 : vector<16xi32>
      %parallel_loop3A_375 = vector.broadcast %parallel_loop3A_325 : i32 to vector<16xi32>
      %parallel_loop3A_376 = arith.andi %parallel_loop3A_374, %parallel_loop3A_375 : vector<16xi32>
      %parallel_loop3A_377 = arith.addi %parallel_loop3A_376, %iota3A : vector<16xi32>
      %parallel_loop3A_378 = arith.constant 10 : i32
      %parallel_loop3A_379 = vector.broadcast %parallel_loop3A_378 : i32 to vector<16xi32>
      %parallel_loop3A_380 = arith.shrsi %parallel_loop3A_371, %parallel_loop3A_379 : vector<16xi32>
      %parallel_loop3A_381 = vector.broadcast %parallel_loop3A_326 : i32 to vector<16xi32>
      %parallel_loop3A_382 = arith.andi %parallel_loop3A_380, %parallel_loop3A_381 : vector<16xi32>
      %parallel_loop3A_383 = arith.cmpi eq, %parallel_loop3A_382, %broadcast_in_dim3A_231 : vector<16xi32>
      tpu.vector_store_idx %arg6[%parallel_loop3A_377], %broadcast_in_dim3A_0 masked %parallel_loop3A_383 {add = true} : memref<32768xi32, #tpu.memory_space<vmem>>[vector<16xi32>], vector<16xi32>, vector<16xi1>
      scf.yield %parallel_loop3A_366 : vector<16xf32>
    } {sc.loop_unroll_factor = 8 : i64, sc.parallel_access}
    %scan3A_328 = arith.constant -1 : i32
    %scan3A_329 = arith.constant 0 : i32
    %scan3A_330 = arith.constant 0 : i32
    %scan3A_331 = arith.constant 0 : i32
    %scan3A_332 = arith.constant 1024 : i32
    %scan3A_333 = arith.addi %scan3A_331, %scan3A_332 : i32
    %scan3A_334 = arith.constant 1 : i32
    %scan3A_335:3 = scf.for %scan3A_365 = %scan3A_331 to %scan3A_333 step %scan3A_334 iter_args(%scan3A_366 = %scan3A_328, %scan3A_367 = %scan3A_329, %scan3A_368 = %scan3A_330) -> (i32, i32, i32)  : i32 {
      %sub3A_369 = arith.constant 1023 : i32
      %sub3A_370 = arith.subi %sub3A_369, %scan3A_365 : i32
      %mul3A_371 = arith.constant 16 : i32
      %mul3A_372 = arith.muli %sub3A_370, %mul3A_371 : i32
      %get3A = arith.index_cast %mul3A_372 : i32 to index
      %get3A_373 = tpu.vector_load %arg6[%get3A] {strides = array<i32>} : memref<32768xi32, #tpu.memory_space<vmem>>, vector<16xi32>,
      %reduce_sum3A = arith.constant true
      %reduce_sum3A_374 = vector.broadcast %reduce_sum3A : i1 to vector<16xi1>
      %reduce_sum3A_375 = tpu.scan <sum>, %get3A_373 masked %reduce_sum3A_374 : vector<16xi32>, vector<16xi1> -> vector<16xi32>
      %reduce_sum3A_376 = vector.extract %reduce_sum3A_375[15] : i32 from vector<16xi32>
      %add3A_377 = arith.addi %scan3A_368, %reduce_sum3A_376 : i32
      %ge3A = arith.cmpi sge, %add3A_377, %sub3A_221 : i32
      %lt3A = arith.constant 0 : i32
      %lt3A_378 = arith.cmpi slt, %scan3A_366, %lt3A : i32
      %and3A = arith.andi %ge3A, %lt3A_378 : i1
      %select_n3A_379 = arith.select %and3A, %sub3A_370, %scan3A_366 : i32
      %select_n3A_380 = arith.select %and3A, %scan3A_368, %scan3A_367 : i32
      scf.yield %select_n3A_379, %select_n3A_380, %add3A_377 : i32, i32, i32
    }
    %scan3A_336 = arith.constant 1024 : i32
    %sub3A_337 = arith.subi %sub3A_221, %scan3A_335#1 : i32
    %shift_left3A_338 = arith.constant 10 : i32
    %shift_left3A_339 = arith.shli %or3A_224, %shift_left3A_338 : i32
    %or3A_340 = arith.ori %shift_left3A_339, %scan3A_335#0 : i32
    %broadcast_in_dim3A_341 = vector.broadcast %or3A_340 : i32 to vector<16xi32>
    %bitcast3A = vector.bitcast %broadcast_in_dim3A_341 : vector<16xi32> to vector<16xf32>
    %reduce_max3A = arith.constant true
    %reduce_max3A_342 = vector.broadcast %reduce_max3A : i1 to vector<16xi1>
    %reduce_max3A_343 = tpu.scan <max>, %bitcast3A masked %reduce_max3A_342 : vector<16xf32>, vector<16xi1> -> vector<16xf32>
    %reduce_max3A_344 = vector.extract %reduce_max3A_343[15] : f32 from vector<16xf32>
    %reduce_min3A = arith.constant true
    %reduce_min3A_345 = vector.broadcast %reduce_min3A : i1 to vector<16xi1>
    %reduce_min3A_346 = tpu.scan <min>, %parallel_loop3A_327 masked %reduce_min3A_345 : vector<16xf32>, vector<16xi1> -> vector<16xf32>
    %reduce_min3A_347 = vector.extract %reduce_min3A_346[15] : f32 from vector<16xf32>
    %neg3A = arith.constant 0.000000e+00 : f32
    %neg3A_348 = arith.subf %neg3A, %reduce_max3A_344 : f32
    %le3A = arith.cmpf ole, %reduce_min3A_347, %neg3A_348 : f32
    %select_n3A = arith.select %le3A, %reduce_min3A_347, %reduce_max3A_344 : f32
    %broadcast_in_dim3A_349 = vector.broadcast %select_n3A : f32 to vector<16xf32>
    %swap3A = arith.constant 0 : index
    %swap3A_350 = tpu.vector_load %arg7[%swap3A] {strides = array<i32>} : memref<128xf32, #tpu.memory_space<vmem>>, vector<16xf32>,
    tpu.vector_store %arg7[%swap3A], %broadcast_in_dim3A_349 {strides = array<i32>} : memref<128xf32, #tpu.memory_space<vmem>>, vector<16xf32>,
    %swap3A_351 = arith.constant 16 : index
    %swap3A_352 = tpu.vector_load %arg7[%swap3A_351] {strides = array<i32>} : memref<128xf32, #tpu.memory_space<vmem>>, vector<16xf32>,
    tpu.vector_store %arg7[%swap3A_351], %broadcast_in_dim3A_349 {strides = array<i32>} : memref<128xf32, #tpu.memory_space<vmem>>, vector<16xf32>,
    %swap3A_353 = arith.constant 32 : index
    %swap3A_354 = tpu.vector_load %arg7[%swap3A_353] {strides = array<i32>} : memref<128xf32, #tpu.memory_space<vmem>>, vector<16xf32>,
    tpu.vector_store %arg7[%swap3A_353], %broadcast_in_dim3A_349 {strides = array<i32>} : memref<128xf32, #tpu.memory_space<vmem>>, vector<16xf32>,
    %swap3A_355 = arith.constant 48 : index
    %swap3A_356 = tpu.vector_load %arg7[%swap3A_355] {strides = array<i32>} : memref<128xf32, #tpu.memory_space<vmem>>, vector<16xf32>,
    tpu.vector_store %arg7[%swap3A_355], %broadcast_in_dim3A_349 {strides = array<i32>} : memref<128xf32, #tpu.memory_space<vmem>>, vector<16xf32>,
    %swap3A_357 = arith.constant 64 : index
    %swap3A_358 = tpu.vector_load %arg7[%swap3A_357] {strides = array<i32>} : memref<128xf32, #tpu.memory_space<vmem>>, vector<16xf32>,
    tpu.vector_store %arg7[%swap3A_357], %broadcast_in_dim3A_349 {strides = array<i32>} : memref<128xf32, #tpu.memory_space<vmem>>, vector<16xf32>,
    %swap3A_359 = arith.constant 80 : index
    %swap3A_360 = tpu.vector_load %arg7[%swap3A_359] {strides = array<i32>} : memref<128xf32, #tpu.memory_space<vmem>>, vector<16xf32>,
    tpu.vector_store %arg7[%swap3A_359], %broadcast_in_dim3A_349 {strides = array<i32>} : memref<128xf32, #tpu.memory_space<vmem>>, vector<16xf32>,
    %swap3A_361 = arith.constant 96 : index
    %swap3A_362 = tpu.vector_load %arg7[%swap3A_361] {strides = array<i32>} : memref<128xf32, #tpu.memory_space<vmem>>, vector<16xf32>,
    tpu.vector_store %arg7[%swap3A_361], %broadcast_in_dim3A_349 {strides = array<i32>} : memref<128xf32, #tpu.memory_space<vmem>>, vector<16xf32>,
    %swap3A_363 = arith.constant 112 : index
    %swap3A_364 = tpu.vector_load %arg7[%swap3A_363] {strides = array<i32>} : memref<128xf32, #tpu.memory_space<vmem>>, vector<16xf32>,
    tpu.vector_store %arg7[%swap3A_363], %broadcast_in_dim3A_349 {strides = array<i32>} : memref<128xf32, #tpu.memory_space<vmem>>, vector<16xf32>,
    "tpu.region"() ({
      %run_scoped3A = tpu.sem_alloc : memref<!tpu.dma_semaphore, #tpu.memory_space<semaphore_mem>>
      %dma_start3A_365 = arith.constant 0 : i32
      %dma_start3A_366 = tpu.memref_slice %arg3[%add3A, %dma_start3A_365] : memref<32x128xf32, #tpu.memory_space<hbm>> -> memref<1x128xf32, #tpu.memory_space<hbm>>
      %dma_start3A_367 = tpu.memref_squeeze %dma_start3A_366 : memref<1x128xf32, #tpu.memory_space<hbm>> -> memref<128xf32, #tpu.memory_space<hbm>>
      %dma_start3A_368 = arith.constant 0 : i32
      %dma_start3A_369 = tpu.memref_slice %arg3[%add3A, %dma_start3A_368] : memref<32x128xf32, #tpu.memory_space<hbm>> -> memref<1x128xf32, #tpu.memory_space<hbm>>
      %dma_start3A_370 = tpu.memref_squeeze %dma_start3A_369 : memref<1x128xf32, #tpu.memory_space<hbm>> -> memref<128xf32, #tpu.memory_space<hbm>>
      tpu.enqueue_dma source(%arg7 : memref<128xf32, #tpu.memory_space<vmem>>) target(%dma_start3A_370 : memref<128xf32, #tpu.memory_space<hbm>>) target_semaphore(%run_scoped3A : memref<!tpu.dma_semaphore, #tpu.memory_space<semaphore_mem>>)
      %dma_wait3A_371 = arith.constant 0 : i32
      %dma_wait3A_372 = tpu.memref_slice %arg3[%add3A, %dma_wait3A_371] : memref<32x128xf32, #tpu.memory_space<hbm>> -> memref<1x128xf32, #tpu.memory_space<hbm>>
      %dma_wait3A_373 = tpu.memref_squeeze %dma_wait3A_372 : memref<1x128xf32, #tpu.memory_space<hbm>> -> memref<128xf32, #tpu.memory_space<hbm>>
      %dma_wait3A_374 = arith.constant 0 : i32
      %dma_wait3A_375 = tpu.memref_slice %arg3[%add3A, %dma_wait3A_374] : memref<32x128xf32, #tpu.memory_space<hbm>> -> memref<1x128xf32, #tpu.memory_space<hbm>>
      %dma_wait3A_376 = tpu.memref_squeeze %dma_wait3A_375 : memref<1x128xf32, #tpu.memory_space<hbm>> -> memref<128xf32, #tpu.memory_space<hbm>>
      tpu.wait_dma2 semaphore(%run_scoped3A : memref<!tpu.dma_semaphore, #tpu.memory_space<semaphore_mem>>) src(%arg7 : memref<128xf32, #tpu.memory_space<vmem>>) dst(%dma_wait3A_376 : memref<128xf32, #tpu.memory_space<hbm>>)
      tpu.yield
    }) : () -> ()
    return
  }
}

module attributes {stable_mosaic.version = 14 : i64} {
  func.func @_mask_body(%arg0: i32, %arg1: memref<1x96x56x56xf32, #tpu.memory_space<vmem>>, %arg2: memref<1x1x128xf32, #tpu.memory_space<vmem>>, %arg3: memref<1x96x56x56xf32, #tpu.memory_space<vmem>>) attributes {dimension_semantics = [#tpu.dimension_semantics<arbitrary>], iteration_bounds = array<i64: 32>, scalar_prefetch = 0 : i64, scratch_operands = 0 : i64, tpu.core_type = #tpu.core_type<tc>, window_params = [{transform_indices = @transform_0, window_bounds = array<i64: 1, 96, 56, 56>}, {transform_indices = @transform_1, window_bounds = array<i64: 1, 1, 128>}, {transform_indices = @transform_2, window_bounds = array<i64: 1, 96, 56, 56>}]} {
    %get3A = arith.constant 0 : index
    %get3A_0 = arith.constant 0 : index
    %get3A_1 = arith.constant 0 : index
    %get3A_2 = arith.constant 0 : index
    %get3A_3 = vector.load %arg1[%get3A, %get3A_0, %get3A_1, %get3A_2] : memref<1x96x56x56xf32, #tpu.memory_space<vmem>>, vector<1x96x56x56xf32>
    %get3A_4 = arith.constant 0 : index
    %get3A_5 = arith.constant 0 : index
    %get3A_6 = arith.constant 0 : index
    %get3A_7 = vector.load %arg2[%get3A_4, %get3A_5, %get3A_6] : memref<1x1x128xf32, #tpu.memory_space<vmem>>, vector<1x1x1xf32>
    %get3A_8 = vector.extract %get3A_7[0, 0, 0] : f32 from vector<1x1x1xf32>
    %ge3A = vector.broadcast %get3A_8 : f32 to vector<1x96x56x56xf32>
    %ge3A_9 = arith.cmpf oge, %get3A_3, %ge3A : vector<1x96x56x56xf32>
    %jit3A = arith.constant 0.000000e+00 : f32
    %broadcast_in_dim3A = vector.broadcast %jit3A : f32 to vector<1x96x56x56xf32>
    %select_n3A = arith.select %ge3A_9, %get3A_3, %broadcast_in_dim3A : vector<1x96x56x56xi1>, vector<1x96x56x56xf32>
    %swap3A = arith.constant 0 : index
    %swap3A_10 = arith.constant 0 : index
    %swap3A_11 = arith.constant 0 : index
    %swap3A_12 = arith.constant 0 : index
    %swap3A_13 = vector.load %arg3[%swap3A, %swap3A_10, %swap3A_11, %swap3A_12] : memref<1x96x56x56xf32, #tpu.memory_space<vmem>>, vector<1x96x56x56xf32>
    tpu.vector_store %arg3[%swap3A, %swap3A_10, %swap3A_11, %swap3A_12], %select_n3A {strides = array<i32>} : memref<1x96x56x56xf32, #tpu.memory_space<vmem>>, vector<1x96x56x56xf32>,
    return
  }
  func.func @transform_0(%arg0: i32) -> (i32, i32, i32, i32) {
    %c0_i32 = arith.constant 0 : i32
    %c0_i32_0 = arith.constant 0 : i32
    %c0_i32_1 = arith.constant 0 : i32
    %c0_i32_2 = arith.constant 0 : i32
    return %arg0, %c0_i32, %c0_i32_0, %c0_i32_1 : i32, i32, i32, i32
  }
  func.func @transform_1(%arg0: i32) -> (i32, i32, i32) {
    %c0_i32 = arith.constant 0 : i32
    %c0_i32_0 = arith.constant 0 : i32
    %c0_i32_1 = arith.constant 0 : i32
    return %arg0, %c0_i32, %c0_i32_0 : i32, i32, i32
  }
  func.func @transform_2(%arg0: i32) -> (i32, i32, i32, i32) {
    %c0_i32 = arith.constant 0 : i32
    %c0_i32_0 = arith.constant 0 : i32
    %c0_i32_1 = arith.constant 0 : i32
    %c0_i32_2 = arith.constant 0 : i32
    return %arg0, %c0_i32, %c0_i32_0, %c0_i32_1 : i32, i32, i32, i32
  }
}

</mosaic_0001>

<sc_bundles>
// kernel: kernel.4.cloned.1.call-start
scs
__scs_entry_jumppad:
0x0: {  	(pc) =	sbr.rel $0x88, $3  }
0x1: {  	(tag) =	ssettag $0x0;
	lr =	simm.s32 $0x1  }
0x2: {  	[smem:$0x3FA0] =	sst lr;
	_ =	strace $0xD0000000  }
0x3: {  	_ = 	snop  }
0x4: {  	_ = 	snop  }
0x5: {  	_ = 	snop  }
0x6: {  	_ = 	snop  }
0x7: {  	_ = 	snop  }
__scs_overlays_trampoline_lowered:
0x8: {  	[smem:$0x3FAF] =	sst s0  }
0x9: {  	[smem:$0x3FB0] =	sst s1  }
0xa: {  	[smem:$0x3FB1] =	sst s2  }
0xb: {  	[smem:$0x3FB2] =	sst s3  }
0xc: {  	[smem:$0x3FB3] =	sst s4  }
0xd: {  	[smem:$0x3FB4] =	sst s5  }
0xe: {  	[smem:$0x3FB5] =	sst s6  }
0xf: {  	[smem:$0x3FB6] =	sst s7  }
0x10: {  	[smem:$0x3FB7] =	sst s8  }
0x11: {  	[smem:$0x3FB8] =	sst s9;
	s0 =	simm.s32 @!p0 $0x0  }
0x12: {  	s1 =	sld [smem:$0x3F9E];
	s0 =	simm.s32 @p0 $0x1  }
0x13: {  	[smem:$0x3FB9] =	sst s0;
	s0 =	simm.s32 @!p1 $0x0  }
0x14: {  	s2 =	sld [smem:$0x3F9D];
	s0 =	simm.s32 @p1 $0x1  }
0x15: {  	[smem:$0x3FBA] =	sst s0;
	s0 =	simm.s32 @!p2 $0x0  }
0x16: {  	s3 =	sld [smem:$0x3FDB];
	s0 =	simm.s32 @p2 $0x1  }
0x17: {  	s4 =	simm.s32 $0x1BF5;
	[smem:$0x3FBC] =	sst s0  }
0x18: {  	s0 =	sld [smem:$0x3F9F];
	_ =	swait.ge [sflag:s4], $0x0  }
0x19: {  	s7 =	sld [smem:$0x3FA0]  }
0x1a: {  	s8 =	sadd.s32 $0xFFFFE003, lr  }
0x1b: {  	s9 =	sadd.s32 $0xFFFFFEF7, lr;
	s5 =	simm.s32 $0xFFFFFFFF;
	p2 =	slt.u32 s8, $0xFFFFF086  }
0x1c: {  	p1 =	slt.u32 s9, $0xF7A;
	s5 =	simm.s32 @!p2 $0x0  }
0x1d: {  	s5 =	simm.s32 @p1 $0x1;
	p0 =	seq.s32 s7, s2  }
0x1e: {  	s7 =	smul.u32 @!p0 $0xF7A, s2;
	p2 =	seq.s32 @!p0 s5, $0x0  }
0x1f: {  	s9 =	smul.u32 $0xF7A, s1;
	s8 =	simm.s32 @!p0 $0x1BF5;
	p2 =	por !p2, p0  }
0x20: {  	[sflag:s8] =	ssyncset.s32 @!p0 $0xFFFFF086;
	s6 =	sadd.s32 @!p0 s3, s7;
	s7 =	simm.s32 @!p0 $0x108  }
0x21: {  	s3 =	sadd.s32 s3, s9;
	s6 =	sadd.s32 @!p0 $0x88, s6;
	s7 =	simm.s32 @p2 $0x1082  }
0x22: {  	[simem:s7], [sflag:s8] =	dma.local @!p0 [hbm:s6], $0xF7A  }
0x23: {  	s9 =	sor.u32 $0xD0000000, s2;
	s6 =	simm.s32 $0x108;
	_ =	swait.ge @!p0 [sflag:s8], $0x0  }
0x24: {  	s3 =	sadd.s32 $0x88, s3;
	s6 =	simm.s32 @!p1 $0x1082;
	[sflag:s4] =	ssyncset.s32 $0xFFFFF086  }
0x25: {  	[simem:s6], [sflag:s4] =	dma.local [hbm:s3], $0xF7A  }
0x26: {  	[smem:$0x3FA0] =	sst s1;
	(tag) =	ssettag s2;
	_ =	strace s9  }
0x27: {  	s1 =	sld [smem:$0x3FB0]  }
0x28: {  	s2 =	sld [smem:$0x3FB1]  }
0x29: {  	s4 =	sld [smem:$0x3FB3]  }
0x2a: {  	p0 =	seq.s32 s5, $0x0;
	s5 =	sld [smem:$0x3FB4]  }
0x2b: {  	s6 =	sld [smem:$0x3FB5]  }
0x2c: {  	s7 =	sld [smem:$0x3FB6]  }
0x2d: {  	s3 =	simm.s32 $0x108;
	s8 =	sld [smem:$0x3FB7]  }
0x2e: {  	s3 =	simm.s32 @!p0 $0x1082;
	s9 =	sld [smem:$0x3FB8]  }
0x2f: {  	lr =	sadd.s32 s0, s3;
	s0 =	sld [smem:$0x3FAF]  }
0x30: {  	s3 =	sld [smem:$0x3FB2]  }
0x31: {  	[smem:$0x3FBB] =	sst s10  }
0x32: {  	s10 =	sld [smem:$0x3FB9];
	_ =	sdelay $0x3  }
0x33: {  	p0 =	seq.s32 s10, $0x1;
	s10 =	sld [smem:$0x3FBB];
	_ =	sdelay $0x3  }
0x34: {  	[smem:$0x3FBB] =	sst s10  }
0x35: {  	s10 =	sld [smem:$0x3FBA];
	_ =	sdelay $0x3  }
0x36: {  	p1 =	seq.s32 s10, $0x1;
	s10 =	sld [smem:$0x3FBB];
	_ =	sdelay $0x3  }
0x37: {  	[smem:$0x3FBB] =	sst s10  }
0x38: {  	s10 =	sld [smem:$0x3FBC]  }
0x39: {  	_ = 	snop;
	(pc) =	sbr.ind lr, $3  }
0x3a: {  	_ = 	snop  }
0x3b: {  	_ = 	snop  }
0x3c: {  	p2 =	seq.s32 s10, $0x1;
	s10 =	sld [smem:$0x3FBB]  }
0x3d: {  	_ =	shalt  }
0x3e: {  	_ =	shalt  }
0x3f: {  	_ =	shalt  }
0x40: {  	_ =	shalt  }
0x41: {  	_ =	shalt  }
0x42: {  	_ =	shalt  }
0x43: {  	_ =	shalt  }
0x44: {  	_ =	shalt  }
0x45: {  	_ =	shalt  }
0x46: {  	_ =	shalt  }
0x47: {  	_ =	shalt  }
0x48: {  	_ =	shalt  }
0x49: {  	_ =	shalt  }
0x4a: {  	_ =	shalt  }
0x4b: {  	_ =	shalt  }
0x4c: {  	_ =	shalt  }
0x4d: {  	_ =	shalt  }
0x4e: {  	_ =	shalt  }
0x4f: {  	_ =	shalt  }
0x50: {  	_ =	shalt  }
0x51: {  	_ =	shalt  }
0x52: {  	_ =	shalt  }
0x53: {  	_ =	shalt  }
0x54: {  	_ =	shalt  }
0x55: {  	_ =	shalt  }
0x56: {  	_ =	shalt  }
0x57: {  	_ =	shalt  }
0x58: {  	_ =	shalt  }
0x59: {  	_ =	shalt  }
0x5a: {  	_ =	shalt  }
0x5b: {  	_ =	shalt  }
0x5c: {  	_ =	shalt  }
0x5d: {  	_ =	shalt  }
0x5e: {  	_ =	shalt  }
0x5f: {  	_ =	shalt  }
0x60: {  	_ =	shalt  }
0x61: {  	_ =	shalt  }
0x62: {  	_ =	shalt  }
0x63: {  	_ =	shalt  }
0x64: {  	_ =	shalt  }
0x65: {  	_ =	shalt  }
0x66: {  	_ =	shalt  }
0x67: {  	_ =	shalt  }
0x68: {  	_ =	shalt  }
0x69: {  	_ =	shalt  }
0x6a: {  	_ =	shalt  }
0x6b: {  	_ =	shalt  }
0x6c: {  	_ =	shalt  }
0x6d: {  	_ =	shalt  }
0x6e: {  	_ =	shalt  }
0x6f: {  	_ =	shalt  }
0x70: {  	_ =	shalt  }
0x71: {  	_ =	shalt  }
0x72: {  	_ =	shalt  }
0x73: {  	_ =	shalt  }
0x74: {  	_ =	shalt  }
0x75: {  	_ =	shalt  }
0x76: {  	_ =	shalt  }
0x77: {  	_ =	shalt  }
0x78: {  	_ =	shalt  }
0x79: {  	_ =	shalt  }
0x7a: {  	_ =	shalt  }
0x7b: {  	_ =	shalt  }
0x7c: {  	_ =	shalt  }
0x7d: {  	_ =	shalt  }
0x7e: {  	_ =	shalt  }
0x7f: {  	_ =	shalt  }
0x80: {  	_ =	shalt  }
0x81: {  	_ =	shalt  }
0x82: {  	_ =	shalt  }
0x83: {  	_ =	shalt  }
0x84: {  	_ =	shalt  }
0x85: {  	_ =	shalt  }
0x86: {  	_ =	shalt  }
0x87: {  	_ =	shalt  }
.Lfunc_end0:
.L_simem_size_0:
called_computation_lowered:
.L_overlay_start_0:
0x88: {  	s2 =	sld [smem:$0x3FD9]  }
0x89: {  	s3 =	sld [smem:$0x3FFE];
	_ =	sdelay $0x1  }
0x8a: {  	s1 =	srdreg.scid  }
0x8b: {  	s0 =	sand.u32 $0x1, s1  }
0x8c: {  	s17 =	sshll.u32 s0, $0xA;
	s2 =	sadd.s32 s3, s2  }
0x8d: {  	s2 =	sadd.s32 s2, s17  }
0x8e: {  	[smem:$0x3FC7] =	sst s2  }
0x8f: {  	_ = 	snop  }
0x90: {  	s2 =	sld [smem:$0x3FD0];
	(tm) =	ssettm $0x1  }
0x91: {  	s18 =	sld [smem:$0x3FFB];
	_ =	sdelay $0x3  }
0x92: {  	_ =	strace s18  }
0x93: {  	s3 =	sld [smem:$0x3FFC];
	_ =	sdelay $0x3  }
0x94: {  	_ =	strace s3  }
0x95: {  	s3 =	sld [smem:$0x3FFD];
	_ =	sdelay $0x3  }
0x96: {  	_ =	strace s3  }
0x97: {  	_ =	strace $0x8FFFFFFF  }
0x98: {  	s19 =	sld [smem:$0x3FDB];
	_ =	sdelay $0x1  }
0x99: {  	s4 =	simm.s32 $_scs_section_size  }
0x9a: {  	s5 =	simm.s32 $_size__tile_overlayer_lowered;
	s6 =	simm.s32 $_tile_overlayer_lowered  }
0x9b: {  	s22 =	simm.s32 $0x1BFF;
	s21 =	sshll.u32 s6, $0x1;
	s3 =	sadd.s32 s4, s19  }
0x9c: {  	s7 =	simm.s32 $0x0;
	s20 =	sshll.u32 s5, $0x1;
	s5 =	sadd.s32 s21, s3  }
0x9d: {  	[timem:s7], [sflag:s22] =	dma.local [hbm:s5], s20  }
0x9e: {  	_ =	swait.ge [sflag:s22], s20  }
0x9f: {  	s4 =	ssub.s32 $0x0, s20;
	[sflag:s22] =	ssyncset.done $0x0  }
0xa0: {  	[sflag:s22] =	ssyncadd.s32 s4;
	_ =	sdelay $0x1  }
0xa1: {  	s23 =	simm.s32 $0x1B8B  }
0xa2: {  	_ =	swait.ge [sflag:s23], $0x1  }
0xa3: {  	[sflag:s23] =	ssyncset.done $0x0  }
0xa4: {  	s25 =	simm.s32 $0x1B8E;
	s24 =	sld [smem:$0x3FFE];
	[sflag:s23] =	ssyncadd.s32 $0xFFFFFFFF  }
0xa5: {  	s26 =	simm.s32 $execute0_lowered;
	[smem:$0x3FD2] =	sst s25  }
0xa6: {  	s5 =	sshll.u32 s26, $0x1;
	_ =	strace $0x80000046;
	[dreg:$0x1] =	wrdreg $0xFFFFFFFF  }
0xa7: {  	s28 =	simm.s32 $_size_execute0_lowered;
	s3 =	sadd.s32 s3, s5;
	[dreg:$0x0] =	wrdreg $0x0  }
0xa8: {  	s5 =	sshll.u32 s28, $0x1;
	[dreg:$0x2] =	wrdreg s3  }
0xa9: {  	[dreg:$0x3] =	wrdreg s5  }
0xaa: {  	[dreg:$0x4] =	wrdreg $0xC0  }
0xab: {  	_ =	task [dreg:s7], $0x5FFFF  }
0xac: {  	[dreg:$0x1] =	wrdreg $0xFFFFFFFF  }
0xad: {  	[dreg:$0x0] =	wrdreg $0x60  }
0xae: {  	[dreg:$0x2] =	wrdreg s2  }
0xaf: {  	[dreg:$0x3] =	wrdreg s24  }
0xb0: {  	[dreg:$0x4] =	wrdreg $0x9  }
0xb1: {  	_ =	task.clear_ibuf [dreg:s7], $0x5FFFF;
	_ =	strace $0x90000046  }
0xb2: {  	s29 =	simm.s32 $0x9;
	_ =	strace $0x80000048  }
0xb3: {  	_ =	swait.ge [sflag:s29], $0x1  }
0xb4: {  	[sflag:s29] =	ssyncadd.s32 $0xFFFFFFFF  }
0xb5: {  	_ =	strace $0x90000048  }
0xb6: {  	_ =	sfence  }
0xb7: {  	s30 =	sld [smem:$0x0];
	_ =	sdelay $0x2  }
0xb8: {  	s31 =	sshll.u32 s1, $0xD;
	s1 =	sshrl.u32 s1, $0x2  }
0xb9: {  	s3 =	sand.u32 $0x4000, s31;
	s1 =	sadd.s32 s1, s30  }
0xba: {  	s0 =	sor.u32 s3, s0;
	s1 =	sshll.u32 s1, $0x11  }
0xbb: {  	s0 =	sor.u32 s1, s0  }
0xbc: {  	s0 =	sadd.s32 $0x8F2B, s0  }
0xbd: {  	[sflag:s0] =	ssyncadd.remote.s32 $0x1  }
0xbe: {  	_ =	sfence.sel $0xFFFF  }
0xbf: {  	[dreg:$0x0] =	wrdreg $0xFFFFFFFF;
	(pc) =	sbr.abs _section_cstart, $3  }
0xc0: {  	[dreg:$0x1] =	wrdreg $0xFFFFFFFF  }
0xc1: {  	_ =	task.clear_ibuf [dreg:s7], $0x2FFFF;
	_ =	strace $0x9FFFFFFF  }
0xc2: {  	(tm) =	ssettm $0x7FFFFFFF  }
0xc3: {  	_ =	shalt  }
tec
execute0_lowered:
.L_overlay_start_1:
0x0: {  	(tag) =	ssettag $0x1  }
0x1: {  	s1 =	rddreg [dreg:$0x0]  }
0x2: {  	s2 =	srdreg.scid;
	s0 =	stileid.u32  }
0x3: {  	s3 =	rddreg [dreg:$0x1];
	s13 =	simm.s32 $0x1;
	s14 =	simm.s32 $0x9300  }
0x4: {  	s15 =	simm.s32 $0x12600;
	s4 =	sand.u32 $0x1, s2;
	s5 =	sshll.u32 s0, $0x1  }
0x5: {  	s16 =	simm.s32 $0x1A600;
	s2 =	simm.s32 $0x0;
	s5 =	sor.u32 s4, s5  }
0x6: {  	s17 =	simm.s32 $0x2;
	[smem:$0x7FF] =	sst s2;
	s6 =	smul.u32 $0x49800, s5  }
0x7: {  	s18 =	simm.s32 $0x0;
	s4 =	ssub.s32 $0x2, s4;
	_ =	strace $0x80000047  }
0x8: {  	s5 =	sshll.u32 s5, $0x4;
	s7 =	sshrl.u32 s4, $0x1;
	s6 =	sshrl.u32 s6, $0x3  }
0x9: {  	s11 =	sadd.s32 s5, s3;
	s12 =	ssub.s32 s4, s7;
	s3 =	sadd.s32 s1, s6  }
0xa: {  	s11 =	sadd.s32 $0x2A0600, s11;
	s12 =	smax.u32 s12, $0x1;
	s4 =	sadd.s32 $0x1260, s3  }
0xb: {  	s5 =	sadd.s32 $0x24C0, s3;
	s6 =	sadd.s32 $0x3720, s3;
	s7 =	sadd.s32 $0x4980, s3  }
0xc: {  	v0 =	vimm.s32 $0x0;
	v1 =	vlaneseq.u32;
	v2 =	vimm.s32 $0x1;
	s8 =	sadd.s32 $0x5BE0, s3;
	s9 =	sadd.s32 $0x6E40, s3;
	s10 =	sadd.s32 $0x80A0, s3  }
.LBB2_1:
0xd: {  	s19 =	simm.s32 $0x100;
	s1 =	simm.s32 $0x0  }
.LBB2_2:
0xe: {  	p0 =	sne.s32 s19, $0x1FF00;
	[tilespmem:s1+$0x12630] =	vst v0;
	s20 =	smov.u32 s19;
	s19 =	sadd.s32 $0x100, s19  }
.Ltmp0:
0xf: {  	[tilespmem:s1+$0x12620] =	vst v0;
	(pc) =	sbr.rel @p0 .LBB2_2-.Ltmp0, $3  }
0x10: {  	[tilespmem:s1+$0x12600] =	vst v0  }
0x11: {  	[tilespmem:s1+$0x12610] =	vst v0;
	_ =	sdelay $0x1  }
0x12: {  	s1 =	sshra.s32 s20, $0x2  }
0x13: {  	[tilespmem:s1+$0x12630] =	vst v0  }
0x14: {  	[tilespmem:s1+$0x12620] =	vst v0  }
0x15: {  	[tilespmem:s1+$0x12600] =	vst v0  }
0x16: {  	[tilespmem:s1+$0x12610] =	vst v0  }
0x17: {  	[tilespmem:s2], [sflag:$0x1] =	stream.linear.gather [hbm4b:s3+s2], $0x9300, $0x38;
	[tilespmem:$0x1A680] =	vst v63  }
0x18: {  	_ =	swait.ge [sflag:s13], $0x9300  }
0x19: {  	[sflag:s13] =	ssyncset.done $0x0  }
0x1a: {  	s31 =	simm.s32 $0x40;
	[sflag:s13] =	ssyncadd.s32 $0xFFFF6D00  }
0x1b: {  	[tilespmem:s14], [sflag:$0x1] =	stream.linear.gather [hbm4b:s4+s2], $0x9300, $0x38;
	[tilespmem:$0x1A680] =	vst v63  }
0x1c: {  	v4 =	vld [tilespmem:s31+$0x30]  }
0x1d: {  	v9 =	vld [tilespmem:s31+$0xFFFFFFC0]  }
0x1e: {  	v10 =	vld [tilespmem:s31+$0xFFFFFFD0]  }
0x1f: {  	v6 =	vld [tilespmem:s31+$0x20]  }
0x20: {  	v7 =	vld [tilespmem:s31+$0x0]  }
0x21: {  	v5 =	vld [tilespmem:s31+$0xFFFFFFF0];
	v3 =	vshrl.u32 v4, $0x10  }
0x22: {  	v3 =	vand.u32 $0x7FF0, v3  }
0x23: {  	v12 =	vimm.f32 $+Inf;
	v15 =	vor.u32 v1, v3  }
0x24: {  	v13 =	vshrl.u32 v9, $0x10;
	v12 =	vmin.f32 v12, v9;
	v9 =	vld [tilespmem:s31+$0xFFFFFFE0]  }
0x25: {  	v8 =	vld [tilespmem:s31+$0x10];
	v11 =	vshrl.u32 v6, $0x10;
	v14 =	vshrl.u32 v7, $0x10  }
0x26: {  	v16 =	vshrl.u32 v5, $0x10;
	v13 =	vand.u32 $0x7FF0, v13;
	v3 =	vshrl.u32 v10, $0x10  }
0x27: {  	v10 =	vmin.f32 v12, v10;
	v12 =	vor.u32 v1, v13;
	v3 =	vand.u32 $0x7FF0, v3  }
0x28: {  	s19 =	simm.s32 $0x0;
	s20 =	simm.s32 $0xC0;
	v14 =	vand.u32 $0x7FF0, v14;
	v13 =	vand.u32 $0x7FF0, v16;
	v3 =	vor.u32 v1, v3;
	[tilespmem:v15+s15+$0x0] =	vst.idx.add.s32.msk $0xffff, v2  }
.LBB2_4:
0x29: {  	v15 =	vld [tilespmem:s20+$0x30];
	s19 =	sadd.s32 $0x8, s19;
	v16 =	vshrl.u32 v9, $0x10;
	v13 =	vor.u32 v1, v13;
	v14 =	vor.u32 v1, v14  }
0x2a: {  	v18 =	vshrl.u32 v8, $0x10;
	v11 =	vand.u32 $0x7FF0, v11;
	v17 =	vld [tilespmem:s20+$0xFFFFFFC0];
	p0 =	slt.u32 s19, $0x928;
	v16 =	vand.u32 $0x7FF0, v16  }
0x2b: {  	v18 =	vand.u32 $0x7FF0, v18;
	v11 =	vor.u32 v1, v11;
	v19 =	vld [tilespmem:s20+$0xFFFFFFD0];
	v16 =	vor.u32 v1, v16  }
0x2c: {  	[tilespmem:v12+s15+$0x0] =	vst.idx.add.s32.msk $0xffff, v2;
	v12 =	vor.u32 v1, v18  }
0x2d: {  	v18 =	vld [tilespmem:s20+$0x10]  }
0x2e: {  	v20 =	vld [tilespmem:s20+$0x20]  }
0x2f: {  	v9 =	vmin.f32 v10, v9;
	v22 =	vshrl.u32 v15, $0x10;
	v21 =	vld [tilespmem:s20+$0xFFFFFFF0]  }
0x30: {  	v5 =	vmin.f32 v9, v5;
	v10 =	vand.u32 $0x7FF0, v22;
	[tilespmem:v16+s15+$0x0] =	vst.idx.add.s32.msk $0xffff, v2  }
0x31: {  	v5 =	vmin.f32 v5, v7;
	v16 =	vor.u32 v1, v10;
	v7 =	vld [tilespmem:s20+$0x0]  }
0x32: {  	v22 =	vmin.f32 v5, v8;
	v9 =	vshrl.u32 v19, $0x10;
	[tilespmem:v11+s15+$0x0] =	vst.idx.add.s32.msk $0xffff, v2;
	v8 =	vmov v18  }
0x33: {  	v9 =	vand.u32 $0x7FF0, v9;
	v18 =	vmin.f32 v22, v6;
	v11 =	vshrl.u32 v20, $0x10;
	[tilespmem:v3+s15+$0x0] =	vst.idx.add.s32.msk $0xffff, v2;
	v6 =	vmovc v20  }
.Ltmp1:
0x34: {  	v3 =	vor.u32 v1, v9;
	v10 =	vmin.f32 v18, v4;
	v4 =	vmovc v15;
	v9 =	vld [tilespmem:s20+$0xFFFFFFE0];
	v5 =	vmov v21;
	(pc) =	sbr.rel @p0 .LBB2_4-.Ltmp1, $4  }
0x35: {  	v15 =	vshrl.u32 v17, $0x10;
	v10 =	vmin.f32 v10, v17;
	[tilespmem:v12+s15+$0x0] =	vst.idx.add.s32.msk $0xffff, v2  }
0x36: {  	v12 =	vand.u32 $0x7FF0, v15;
	v10 =	vmin.f32 v10, v19;
	v15 =	vshrl.u32 v7, $0x10;
	[tilespmem:v14+s15+$0x0] =	vst.idx.add.s32.msk $0xffff, v2  }
0x37: {  	v12 =	vor.u32 v1, v12;
	v14 =	vshrl.u32 v5, $0x10;
	[tilespmem:v13+s15+$0x0] =	vst.idx.add.s32.msk $0xffff, v2  }
0x38: {  	s20 =	sadd.s32 $0x80, s20;
	v13 =	vand.u32 $0x7FF0, v14;
	v14 =	vand.u32 $0x7FF0, v15;
	[tilespmem:v16+s15+$0x0] =	vst.idx.add.s32.msk $0xffff, v2  }
0x39: {  	_ =	sdelay $0x2  }
0x3a: {  	v14 =	vor.u32 v1, v14  }
0x3b: {  	v15 =	vshrl.u32 v9, $0x10;
	v11 =	vand.u32 $0x7FF0, v11;
	[tilespmem:v12+s15+$0x0] =	vst.idx.add.s32.msk $0xffff, v2;
	v12 =	vor.u32 v1, v13  }
0x3c: {  	v16 =	vshrl.u32 v8, $0x10;
	v15 =	vand.u32 $0x7FF0, v15;
	v11 =	vor.u32 v1, v11  }
0x3d: {  	v16 =	vand.u32 $0x7FF0, v16;
	v15 =	vor.u32 v1, v15  }
0x3e: {  	[tilespmem:v3+s15+$0x0] =	vst.idx.add.s32.msk $0xffff, v2;
	v16 =	vor.u32 v1, v16  }
0x3f: {  	[tilespmem:v14+s15+$0x0] =	vst.idx.add.s32.msk $0xffff, v2  }
0x40: {  	[tilespmem:v12+s15+$0x0] =	vst.idx.add.s32.msk $0xffff, v2  }
0x41: {  	[tilespmem:v11+s15+$0x0] =	vst.idx.add.s32.msk $0xffff, v2  }
0x42: {  	[tilespmem:v15+s15+$0x0] =	vst.idx.add.s32.msk $0xffff, v2  }
0x43: {  	[tilespmem:v16+s15+$0x0] =	vst.idx.add.s32.msk $0xffff, v2  }
0x44: {  	_ =	swait.ge [sflag:s13], $0x9300  }
0x45: {  	[sflag:s13] =	ssyncset.done $0x0  }
0x46: {  	s1 =	simm.s32 $0x9340;
	[sflag:s13] =	ssyncadd.s32 $0xFFFF6D00  }
0x47: {  	[tilespmem:s2], [sflag:$0x1] =	stream.linear.gather [hbm4b:s5+s2], $0x9300, $0x38;
	[tilespmem:$0x1A680] =	vst v63  }
0x48: {  	v3 =	vld [tilespmem:s1+$0x30]  }
0x49: {  	v9 =	vmin.f32 v10, v9  }
0x4a: {  	v9 =	vmin.f32 v9, v5;
	v12 =	vld [tilespmem:s1+$0xFFFFFFC0]  }
0x4b: {  	v7 =	vmin.f32 v9, v7;
	v10 =	vld [tilespmem:s1+$0xFFFFFFD0]  }
0x4c: {  	v8 =	vmin.f32 v7, v8;
	v7 =	vld [tilespmem:s1+$0x0]  }
0x4d: {  	v9 =	vld [tilespmem:s1+$0xFFFFFFF0];
	v11 =	vshrl.u32 v3, $0x10  }
0x4e: {  	v6 =	vmin.f32 v8, v6;
	v11 =	vand.u32 $0x7FF0, v11  }
0x4f: {  	v6 =	vmin.f32 v6, v4;
	v5 =	vld [tilespmem:s1+$0x20];
	v15 =	vor.u32 v1, v11  }
0x50: {  	v13 =	vshrl.u32 v12, $0x10;
	v12 =	vmin.f32 v6, v12;
	v6 =	vld [tilespmem:s1+$0xFFFFFFE0]  }
0x51: {  	v8 =	vld [tilespmem:s1+$0x10];
	v4 =	vshrl.u32 v10, $0x10;
	v14 =	vshrl.u32 v7, $0x10  }
0x52: {  	v63 =	vshrl.u32 v9, $0x10;
	v4 =	vand.u32 $0x7FF0, v4;
	v13 =	vand.u32 $0x7FF0, v13  }
0x53: {  	v10 =	vmin.f32 v12, v10;
	v14 =	vand.u32 $0x7FF0, v14;
	v12 =	vor.u32 v1, v13  }
0x54: {  	s19 =	simm.s32 $0x0;
	s20 =	simm.s32 $0x93C0;
	v11 =	vshrl.u32 v5, $0x10;
	v4 =	vor.u32 v1, v4;
	v13 =	vand.u32 $0x7FF0, v63;
	[tilespmem:v15+s15+$0x0] =	vst.idx.add.s32.msk $0xffff, v2  }
.LBB2_6:
0x55: {  	v15 =	vld [tilespmem:s20+$0x30];
	s19 =	sadd.s32 $0x8, s19;
	v16 =	vshrl.u32 v6, $0x10;
	v13 =	vor.u32 v1, v13;
	v14 =	vor.u32 v1, v14  }
0x56: {  	v18 =	vshrl.u32 v8, $0x10;
	v11 =	vand.u32 $0x7FF0, v11;
	v17 =	vld [tilespmem:s20+$0xFFFFFFC0];
	p0 =	slt.u32 s19, $0x928;
	v16 =	vand.u32 $0x7FF0, v16  }
0x57: {  	v18 =	vand.u32 $0x7FF0, v18;
	v11 =	vor.u32 v1, v11;
	v19 =	vld [tilespmem:s20+$0xFFFFFFD0];
	v16 =	vor.u32 v1, v16  }
0x58: {  	[tilespmem:v12+s15+$0x0] =	vst.idx.add.s32.msk $0xffff, v2;
	v12 =	vor.u32 v1, v18  }
0x59: {  	v18 =	vld [tilespmem:s20+$0x10]  }
0x5a: {  	v20 =	vld [tilespmem:s20+$0x20]  }
0x5b: {  	v6 =	vmin.f32 v10, v6;
	v22 =	vshrl.u32 v15, $0x10;
	v21 =	vld [tilespmem:s20+$0xFFFFFFF0]  }
0x5c: {  	v6 =	vmin.f32 v6, v9;
	v10 =	vand.u32 $0x7FF0, v22;
	[tilespmem:v16+s15+$0x0] =	vst.idx.add.s32.msk $0xffff, v2  }
0x5d: {  	v6 =	vmin.f32 v6, v7;
	v16 =	vor.u32 v1, v10;
	v7 =	vld [tilespmem:s20+$0x0]  }
0x5e: {  	v6 =	vmin.f32 v6, v8;
	v22 =	vshrl.u32 v19, $0x10;
	[tilespmem:v11+s15+$0x0] =	vst.idx.add.s32.msk $0xffff, v2;
	v8 =	vmov v18  }
0x5f: {  	v10 =	vmin.f32 v6, v5;
	v18 =	vand.u32 $0x7FF0, v22;
	v11 =	vshrl.u32 v20, $0x10;
	[tilespmem:v4+s15+$0x0] =	vst.idx.add.s32.msk $0xffff, v2;
	v5 =	vmovc v20  }
.Ltmp2:
0x60: {  	v10 =	vmin.f32 v10, v3;
	v3 =	vmovc v15;
	v4 =	vor.u32 v1, v18;
	v6 =	vld [tilespmem:s20+$0xFFFFFFE0];
	v9 =	vmov v21;
	(pc) =	sbr.rel @p0 .LBB2_6-.Ltmp2, $4  }
0x61: {  	v15 =	vshrl.u32 v17, $0x10;
	v10 =	vmin.f32 v10, v17;
	[tilespmem:v12+s15+$0x0] =	vst.idx.add.s32.msk $0xffff, v2  }
0x62: {  	v10 =	vmin.f32 v10, v19;
	v12 =	vand.u32 $0x7FF0, v15;
	v15 =	vshrl.u32 v7, $0x10;
	[tilespmem:v14+s15+$0x0] =	vst.idx.add.s32.msk $0xffff, v2  }
0x63: {  	v12 =	vor.u32 v1, v12;
	v14 =	vshrl.u32 v9, $0x10;
	[tilespmem:v13+s15+$0x0] =	vst.idx.add.s32.msk $0xffff, v2  }
0x64: {  	s20 =	sadd.s32 $0x80, s20;
	v13 =	vand.u32 $0x7FF0, v14;
	v14 =	vand.u32 $0x7FF0, v15;
	[tilespmem:v16+s15+$0x0] =	vst.idx.add.s32.msk $0xffff, v2  }
0x65: {  	_ =	sdelay $0x2  }
0x66: {  	v14 =	vor.u32 v1, v14  }
0x67: {  	v15 =	vshrl.u32 v6, $0x10;
	v11 =	vand.u32 $0x7FF0, v11;
	[tilespmem:v12+s15+$0x0] =	vst.idx.add.s32.msk $0xffff, v2;
	v12 =	vor.u32 v1, v13  }
0x68: {  	v16 =	vshrl.u32 v8, $0x10;
	v15 =	vand.u32 $0x7FF0, v15;
	v11 =	vor.u32 v1, v11  }
0x69: {  	v16 =	vand.u32 $0x7FF0, v16;
	v15 =	vor.u32 v1, v15  }
0x6a: {  	[tilespmem:v4+s15+$0x0] =	vst.idx.add.s32.msk $0xffff, v2;
	v16 =	vor.u32 v1, v16  }
0x6b: {  	[tilespmem:v14+s15+$0x0] =	vst.idx.add.s32.msk $0xffff, v2  }
0x6c: {  	[tilespmem:v12+s15+$0x0] =	vst.idx.add.s32.msk $0xffff, v2  }
0x6d: {  	[tilespmem:v11+s15+$0x0] =	vst.idx.add.s32.msk $0xffff, v2  }
0x6e: {  	[tilespmem:v15+s15+$0x0] =	vst.idx.add.s32.msk $0xffff, v2  }
0x6f: {  	[tilespmem:v16+s15+$0x0] =	vst.idx.add.s32.msk $0xffff, v2  }
0x70: {  	_ =	swait.ge [sflag:s13], $0x9300  }
0x71: {  	[sflag:s13] =	ssyncset.done $0x0  }
0x72: {  	s1 =	simm.s32 $0x40;
	[sflag:s13] =	ssyncadd.s32 $0xFFFF6D00  }
0x73: {  	[tilespmem:s14], [sflag:$0x1] =	stream.linear.gather [hbm4b:s6+s2], $0x9300, $0x38;
	[tilespmem:$0x1A680] =	vst v63  }
0x74: {  	v4 =	vld [tilespmem:s1+$0x30]  }
0x75: {  	v6 =	vmin.f32 v10, v6  }
0x76: {  	v9 =	vmin.f32 v6, v9;
	v12 =	vld [tilespmem:s1+$0xFFFFFFC0]  }
0x77: {  	v7 =	vmin.f32 v9, v7;
	v10 =	vld [tilespmem:s1+$0xFFFFFFD0]  }
0x78: {  	v8 =	vmin.f32 v7, v8;
	v7 =	vld [tilespmem:s1+$0x0]  }
0x79: {  	v9 =	vld [tilespmem:s1+$0xFFFFFFF0];
	v11 =	vshrl.u32 v4, $0x10  }
0x7a: {  	v5 =	vmin.f32 v8, v5;
	v11 =	vand.u32 $0x7FF0, v11  }
0x7b: {  	v5 =	vmin.f32 v5, v3;
	v6 =	vld [tilespmem:s1+$0x20];
	v15 =	vor.u32 v1, v11  }
0x7c: {  	v13 =	vshrl.u32 v12, $0x10;
	v12 =	vmin.f32 v5, v12;
	v5 =	vld [tilespmem:s1+$0xFFFFFFE0]  }
0x7d: {  	v8 =	vld [tilespmem:s1+$0x10];
	v3 =	vshrl.u32 v10, $0x10;
	v14 =	vshrl.u32 v7, $0x10  }
0x7e: {  	v63 =	vshrl.u32 v9, $0x10;
	v3 =	vand.u32 $0x7FF0, v3;
	v13 =	vand.u32 $0x7FF0, v13  }
0x7f: {  	v10 =	vmin.f32 v12, v10;
	v14 =	vand.u32 $0x7FF0, v14;
	v12 =	vor.u32 v1, v13  }
0x80: {  	s19 =	simm.s32 $0x0;
	s20 =	simm.s32 $0xC0;
	v11 =	vshrl.u32 v6, $0x10;
	v3 =	vor.u32 v1, v3;
	v13 =	vand.u32 $0x7FF0, v63;
	[tilespmem:v15+s15+$0x0] =	vst.idx.add.s32.msk $0xffff, v2  }
.LBB2_8:
0x81: {  	v15 =	vld [tilespmem:s20+$0x30];
	s19 =	sadd.s32 $0x8, s19;
	v16 =	vshrl.u32 v5, $0x10;
	v13 =	vor.u32 v1, v13;
	v14 =	vor.u32 v1, v14  }
0x82: {  	v18 =	vshrl.u32 v8, $0x10;
	v11 =	vand.u32 $0x7FF0, v11;
	v17 =	vld [tilespmem:s20+$0xFFFFFFC0];
	p0 =	slt.u32 s19, $0x928;
	v16 =	vand.u32 $0x7FF0, v16  }
0x83: {  	v18 =	vand.u32 $0x7FF0, v18;
	v11 =	vor.u32 v1, v11;
	v19 =	vld [tilespmem:s20+$0xFFFFFFD0];
	v16 =	vor.u32 v1, v16  }
0x84: {  	[tilespmem:v12+s15+$0x0] =	vst.idx.add.s32.msk $0xffff, v2;
	v12 =	vor.u32 v1, v18  }
0x85: {  	v18 =	vld [tilespmem:s20+$0x10]  }
0x86: {  	v20 =	vld [tilespmem:s20+$0x20]  }
0x87: {  	v5 =	vmin.f32 v10, v5;
	v22 =	vshrl.u32 v15, $0x10;
	v21 =	vld [tilespmem:s20+$0xFFFFFFF0]  }
0x88: {  	v5 =	vmin.f32 v5, v9;
	v10 =	vand.u32 $0x7FF0, v22;
	[tilespmem:v16+s15+$0x0] =	vst.idx.add.s32.msk $0xffff, v2  }
0x89: {  	v5 =	vmin.f32 v5, v7;
	v16 =	vor.u32 v1, v10;
	v7 =	vld [tilespmem:s20+$0x0]  }
0x8a: {  	v5 =	vmin.f32 v5, v8;
	v22 =	vshrl.u32 v19, $0x10;
	[tilespmem:v11+s15+$0x0] =	vst.idx.add.s32.msk $0xffff, v2;
	v8 =	vmov v18  }
0x8b: {  	v10 =	vmin.f32 v5, v6;
	v18 =	vand.u32 $0x7FF0, v22;
	v11 =	vshrl.u32 v20, $0x10;
	[tilespmem:v3+s15+$0x0] =	vst.idx.add.s32.msk $0xffff, v2;
	v6 =	vmovc v20  }
.Ltmp3:
0x8c: {  	v10 =	vmin.f32 v10, v4;
	v4 =	vmovc v15;
	v3 =	vor.u32 v1, v18;
	v5 =	vld [tilespmem:s20+$0xFFFFFFE0];
	v9 =	vmov v21;
	(pc) =	sbr.rel @p0 .LBB2_8-.Ltmp3, $4  }
0x8d: {  	v15 =	vshrl.u32 v17, $0x10;
	v10 =	vmin.f32 v10, v17;
	[tilespmem:v12+s15+$0x0] =	vst.idx.add.s32.msk $0xffff, v2  }
0x8e: {  	v10 =	vmin.f32 v10, v19;
	v12 =	vand.u32 $0x7FF0, v15;
	v15 =	vshrl.u32 v7, $0x10;
	[tilespmem:v14+s15+$0x0] =	vst.idx.add.s32.msk $0xffff, v2  }
0x8f: {  	v12 =	vor.u32 v1, v12;
	v14 =	vshrl.u32 v9, $0x10;
	[tilespmem:v13+s15+$0x0] =	vst.idx.add.s32.msk $0xffff, v2  }
0x90: {  	s20 =	sadd.s32 $0x80, s20;
	v13 =	vand.u32 $0x7FF0, v14;
	v14 =	vand.u32 $0x7FF0, v15;
	[tilespmem:v16+s15+$0x0] =	vst.idx.add.s32.msk $0xffff, v2  }
0x91: {  	_ =	sdelay $0x2  }
0x92: {  	v14 =	vor.u32 v1, v14  }
0x93: {  	v15 =	vshrl.u32 v5, $0x10;
	v11 =	vand.u32 $0x7FF0, v11;
	[tilespmem:v12+s15+$0x0] =	vst.idx.add.s32.msk $0xffff, v2;
	v12 =	vor.u32 v1, v13  }
0x94: {  	v16 =	vshrl.u32 v8, $0x10;
	v15 =	vand.u32 $0x7FF0, v15;
	v11 =	vor.u32 v1, v11  }
0x95: {  	v16 =	vand.u32 $0x7FF0, v16;
	v15 =	vor.u32 v1, v15  }
0x96: {  	[tilespmem:v3+s15+$0x0] =	vst.idx.add.s32.msk $0xffff, v2;
	v16 =	vor.u32 v1, v16  }
0x97: {  	[tilespmem:v14+s15+$0x0] =	vst.idx.add.s32.msk $0xffff, v2  }
0x98: {  	[tilespmem:v12+s15+$0x0] =	vst.idx.add.s32.msk $0xffff, v2  }
0x99: {  	[tilespmem:v11+s15+$0x0] =	vst.idx.add.s32.msk $0xffff, v2  }
0x9a: {  	[tilespmem:v15+s15+$0x0] =	vst.idx.add.s32.msk $0xffff, v2  }
0x9b: {  	[tilespmem:v16+s15+$0x0] =	vst.idx.add.s32.msk $0xffff, v2  }
0x9c: {  	_ =	swait.ge [sflag:s13], $0x9300  }
0x9d: {  	[sflag:s13] =	ssyncset.done $0x0  }
0x9e: {  	s1 =	simm.s32 $0x9340;
	[sflag:s13] =	ssyncadd.s32 $0xFFFF6D00  }
0x9f: {  	[tilespmem:s2], [sflag:$0x1] =	stream.linear.gather [hbm4b:s7+s2], $0x9300, $0x38;
	[tilespmem:$0x1A680] =	vst v63  }
0xa0: {  	v3 =	vld [tilespmem:s1+$0x30]  }
0xa1: {  	v5 =	vmin.f32 v10, v5  }
0xa2: {  	v9 =	vmin.f32 v5, v9;
	v12 =	vld [tilespmem:s1+$0xFFFFFFC0]  }
0xa3: {  	v7 =	vmin.f32 v9, v7;
	v10 =	vld [tilespmem:s1+$0xFFFFFFD0]  }
0xa4: {  	v8 =	vmin.f32 v7, v8;
	v7 =	vld [tilespmem:s1+$0x0]  }
0xa5: {  	v9 =	vld [tilespmem:s1+$0xFFFFFFF0];
	v11 =	vshrl.u32 v3, $0x10  }
0xa6: {  	v6 =	vmin.f32 v8, v6;
	v11 =	vand.u32 $0x7FF0, v11  }
0xa7: {  	v6 =	vmin.f32 v6, v4;
	v5 =	vld [tilespmem:s1+$0x20];
	v15 =	vor.u32 v1, v11  }
0xa8: {  	v13 =	vshrl.u32 v12, $0x10;
	v12 =	vmin.f32 v6, v12;
	v6 =	vld [tilespmem:s1+$0xFFFFFFE0]  }
0xa9: {  	v8 =	vld [tilespmem:s1+$0x10];
	v4 =	vshrl.u32 v10, $0x10;
	v14 =	vshrl.u32 v7, $0x10  }
0xaa: {  	v63 =	vshrl.u32 v9, $0x10;
	v4 =	vand.u32 $0x7FF0, v4;
	v13 =	vand.u32 $0x7FF0, v13  }
0xab: {  	v10 =	vmin.f32 v12, v10;
	v14 =	vand.u32 $0x7FF0, v14;
	v12 =	vor.u32 v1, v13  }
0xac: {  	s19 =	simm.s32 $0x0;
	s20 =	simm.s32 $0x93C0;
	v11 =	vshrl.u32 v5, $0x10;
	v4 =	vor.u32 v1, v4;
	v13 =	vand.u32 $0x7FF0, v63;
	[tilespmem:v15+s15+$0x0] =	vst.idx.add.s32.msk $0xffff, v2  }
.LBB2_10:
0xad: {  	v15 =	vld [tilespmem:s20+$0x30];
	s19 =	sadd.s32 $0x8, s19;
	v16 =	vshrl.u32 v6, $0x10;
	v13 =	vor.u32 v1, v13;
	v14 =	vor.u32 v1, v14  }
0xae: {  	v18 =	vshrl.u32 v8, $0x10;
	v11 =	vand.u32 $0x7FF0, v11;
	v17 =	vld [tilespmem:s20+$0xFFFFFFC0];
	p0 =	slt.u32 s19, $0x928;
	v16 =	vand.u32 $0x7FF0, v16  }
0xaf: {  	v18 =	vand.u32 $0x7FF0, v18;
	v11 =	vor.u32 v1, v11;
	v19 =	vld [tilespmem:s20+$0xFFFFFFD0];
	v16 =	vor.u32 v1, v16  }
0xb0: {  	[tilespmem:v12+s15+$0x0] =	vst.idx.add.s32.msk $0xffff, v2;
	v12 =	vor.u32 v1, v18  }
0xb1: {  	v18 =	vld [tilespmem:s20+$0x10]  }
0xb2: {  	v20 =	vld [tilespmem:s20+$0x20]  }
0xb3: {  	v6 =	vmin.f32 v10, v6;
	v22 =	vshrl.u32 v15, $0x10;
	v21 =	vld [tilespmem:s20+$0xFFFFFFF0]  }
0xb4: {  	v6 =	vmin.f32 v6, v9;
	v10 =	vand.u32 $0x7FF0, v22;
	[tilespmem:v16+s15+$0x0] =	vst.idx.add.s32.msk $0xffff, v2  }
0xb5: {  	v6 =	vmin.f32 v6, v7;
	v16 =	vor.u32 v1, v10;
	v7 =	vld [tilespmem:s20+$0x0]  }
0xb6: {  	v6 =	vmin.f32 v6, v8;
	v22 =	vshrl.u32 v19, $0x10;
	[tilespmem:v11+s15+$0x0] =	vst.idx.add.s32.msk $0xffff, v2;
	v8 =	vmov v18  }
0xb7: {  	v10 =	vmin.f32 v6, v5;
	v18 =	vand.u32 $0x7FF0, v22;
	v11 =	vshrl.u32 v20, $0x10;
	[tilespmem:v4+s15+$0x0] =	vst.idx.add.s32.msk $0xffff, v2;
	v5 =	vmovc v20  }
.Ltmp4:
0xb8: {  	v10 =	vmin.f32 v10, v3;
	v3 =	vmovc v15;
	v4 =	vor.u32 v1, v18;
	v6 =	vld [tilespmem:s20+$0xFFFFFFE0];
	v9 =	vmov v21;
	(pc) =	sbr.rel @p0 .LBB2_10-.Ltmp4, $4  }
0xb9: {  	v15 =	vshrl.u32 v17, $0x10;
	v10 =	vmin.f32 v10, v17;
	[tilespmem:v12+s15+$0x0] =	vst.idx.add.s32.msk $0xffff, v2  }
0xba: {  	v10 =	vmin.f32 v10, v19;
	v12 =	vand.u32 $0x7FF0, v15;
	v15 =	vshrl.u32 v7, $0x10;
	[tilespmem:v14+s15+$0x0] =	vst.idx.add.s32.msk $0xffff, v2  }
0xbb: {  	v12 =	vor.u32 v1, v12;
	v14 =	vshrl.u32 v9, $0x10;
	[tilespmem:v13+s15+$0x0] =	vst.idx.add.s32.msk $0xffff, v2  }
0xbc: {  	s20 =	sadd.s32 $0x80, s20;
	v13 =	vand.u32 $0x7FF0, v14;
	v14 =	vand.u32 $0x7FF0, v15;
	[tilespmem:v16+s15+$0x0] =	vst.idx.add.s32.msk $0xffff, v2  }
0xbd: {  	_ =	sdelay $0x2  }
0xbe: {  	v14 =	vor.u32 v1, v14  }
0xbf: {  	v15 =	vshrl.u32 v6, $0x10;
	v11 =	vand.u32 $0x7FF0, v11;
	[tilespmem:v12+s15+$0x0] =	vst.idx.add.s32.msk $0xffff, v2;
	v12 =	vor.u32 v1, v13  }
0xc0: {  	v16 =	vshrl.u32 v8, $0x10;
	v15 =	vand.u32 $0x7FF0, v15;
	v11 =	vor.u32 v1, v11  }
0xc1: {  	v16 =	vand.u32 $0x7FF0, v16;
	v15 =	vor.u32 v1, v15  }
0xc2: {  	[tilespmem:v4+s15+$0x0] =	vst.idx.add.s32.msk $0xffff, v2;
	v16 =	vor.u32 v1, v16  }
0xc3: {  	[tilespmem:v14+s15+$0x0] =	vst.idx.add.s32.msk $0xffff, v2  }
0xc4: {  	[tilespmem:v12+s15+$0x0] =	vst.idx.add.s32.msk $0xffff, v2  }
0xc5: {  	[tilespmem:v11+s15+$0x0] =	vst.idx.add.s32.msk $0xffff, v2  }
0xc6: {  	[tilespmem:v15+s15+$0x0] =	vst.idx.add.s32.msk $0xffff, v2  }
0xc7: {  	[tilespmem:v16+s15+$0x0] =	vst.idx.add.s32.msk $0xffff, v2  }
0xc8: {  	_ =	swait.ge [sflag:s13], $0x9300  }
0xc9: {  	[sflag:s13] =	ssyncset.done $0x0  }
0xca: {  	s1 =	simm.s32 $0x40;
	[sflag:s13] =	ssyncadd.s32 $0xFFFF6D00  }
0xcb: {  	[tilespmem:s14], [sflag:$0x1] =	stream.linear.gather [hbm4b:s8+s2], $0x9300, $0x38;
	[tilespmem:$0x1A680] =	vst v63  }
0xcc: {  	v4 =	vld [tilespmem:s1+$0x30]  }
0xcd: {  	v6 =	vmin.f32 v10, v6  }
0xce: {  	v9 =	vmin.f32 v6, v9;
	v12 =	vld [tilespmem:s1+$0xFFFFFFC0]  }
0xcf: {  	v7 =	vmin.f32 v9, v7;
	v10 =	vld [tilespmem:s1+$0xFFFFFFD0]  }
0xd0: {  	v8 =	vmin.f32 v7, v8;
	v7 =	vld [tilespmem:s1+$0x0]  }
0xd1: {  	v9 =	vld [tilespmem:s1+$0xFFFFFFF0];
	v11 =	vshrl.u32 v4, $0x10  }
0xd2: {  	v5 =	vmin.f32 v8, v5;
	v11 =	vand.u32 $0x7FF0, v11  }
0xd3: {  	v5 =	vmin.f32 v5, v3;
	v6 =	vld [tilespmem:s1+$0x20];
	v15 =	vor.u32 v1, v11  }
0xd4: {  	v13 =	vshrl.u32 v12, $0x10;
	v12 =	vmin.f32 v5, v12;
	v5 =	vld [tilespmem:s1+$0xFFFFFFE0]  }
0xd5: {  	v8 =	vld [tilespmem:s1+$0x10];
	v3 =	vshrl.u32 v10, $0x10;
	v14 =	vshrl.u32 v7, $0x10  }
0xd6: {  	v63 =	vshrl.u32 v9, $0x10;
	v3 =	vand.u32 $0x7FF0, v3;
	v13 =	vand.u32 $0x7FF0, v13  }
0xd7: {  	v10 =	vmin.f32 v12, v10;
	v14 =	vand.u32 $0x7FF0, v14;
	v12 =	vor.u32 v1, v13  }
0xd8: {  	s19 =	simm.s32 $0x0;
	s20 =	simm.s32 $0xC0;
	v11 =	vshrl.u32 v6, $0x10;
	v3 =	vor.u32 v1, v3;
	v13 =	vand.u32 $0x7FF0, v63;
	[tilespmem:v15+s15+$0x0] =	vst.idx.add.s32.msk $0xffff, v2  }
.LBB2_12:
0xd9: {  	v15 =	vld [tilespmem:s20+$0x30];
	s19 =	sadd.s32 $0x8, s19;
	v16 =	vshrl.u32 v5, $0x10;
	v13 =	vor.u32 v1, v13;
	v14 =	vor.u32 v1, v14  }
0xda: {  	v18 =	vshrl.u32 v8, $0x10;
	v11 =	vand.u32 $0x7FF0, v11;
	v17 =	vld [tilespmem:s20+$0xFFFFFFC0];
	p0 =	slt.u32 s19, $0x928;
	v16 =	vand.u32 $0x7FF0, v16  }
0xdb: {  	v18 =	vand.u32 $0x7FF0, v18;
	v11 =	vor.u32 v1, v11;
	v19 =	vld [tilespmem:s20+$0xFFFFFFD0];
	v16 =	vor.u32 v1, v16  }
0xdc: {  	[tilespmem:v12+s15+$0x0] =	vst.idx.add.s32.msk $0xffff, v2;
	v12 =	vor.u32 v1, v18  }
0xdd: {  	v18 =	vld [tilespmem:s20+$0x10]  }
0xde: {  	v20 =	vld [tilespmem:s20+$0x20]  }
0xdf: {  	v5 =	vmin.f32 v10, v5;
	v22 =	vshrl.u32 v15, $0x10;
	v21 =	vld [tilespmem:s20+$0xFFFFFFF0]  }
0xe0: {  	v5 =	vmin.f32 v5, v9;
	v10 =	vand.u32 $0x7FF0, v22;
	[tilespmem:v16+s15+$0x0] =	vst.idx.add.s32.msk $0xffff, v2  }
0xe1: {  	v5 =	vmin.f32 v5, v7;
	v16 =	vor.u32 v1, v10;
	v7 =	vld [tilespmem:s20+$0x0]  }
0xe2: {  	v5 =	vmin.f32 v5, v8;
	v22 =	vshrl.u32 v19, $0x10;
	[tilespmem:v11+s15+$0x0] =	vst.idx.add.s32.msk $0xffff, v2;
	v8 =	vmov v18  }
0xe3: {  	v10 =	vmin.f32 v5, v6;
	v18 =	vand.u32 $0x7FF0, v22;
	v11 =	vshrl.u32 v20, $0x10;
	[tilespmem:v3+s15+$0x0] =	vst.idx.add.s32.msk $0xffff, v2;
	v6 =	vmovc v20  }
.Ltmp5:
0xe4: {  	v10 =	vmin.f32 v10, v4;
	v4 =	vmovc v15;
	v3 =	vor.u32 v1, v18;
	v5 =	vld [tilespmem:s20+$0xFFFFFFE0];
	v9 =	vmov v21;
	(pc) =	sbr.rel @p0 .LBB2_12-.Ltmp5, $4  }
0xe5: {  	v15 =	vshrl.u32 v17, $0x10;
	v10 =	vmin.f32 v10, v17;
	[tilespmem:v12+s15+$0x0] =	vst.idx.add.s32.msk $0xffff, v2  }
0xe6: {  	v10 =	vmin.f32 v10, v19;
	v12 =	vand.u32 $0x7FF0, v15;
	v15 =	vshrl.u32 v7, $0x10;
	[tilespmem:v14+s15+$0x0] =	vst.idx.add.s32.msk $0xffff, v2  }
0xe7: {  	v12 =	vor.u32 v1, v12;
	v14 =	vshrl.u32 v9, $0x10;
	[tilespmem:v13+s15+$0x0] =	vst.idx.add.s32.msk $0xffff, v2  }
0xe8: {  	s20 =	sadd.s32 $0x80, s20;
	v13 =	vand.u32 $0x7FF0, v14;
	v14 =	vand.u32 $0x7FF0, v15;
	[tilespmem:v16+s15+$0x0] =	vst.idx.add.s32.msk $0xffff, v2  }
0xe9: {  	_ =	sdelay $0x2  }
0xea: {  	v14 =	vor.u32 v1, v14  }
0xeb: {  	v15 =	vshrl.u32 v5, $0x10;
	v11 =	vand.u32 $0x7FF0, v11;
	[tilespmem:v12+s15+$0x0] =	vst.idx.add.s32.msk $0xffff, v2;
	v12 =	vor.u32 v1, v13  }
0xec: {  	v16 =	vshrl.u32 v8, $0x10;
	v15 =	vand.u32 $0x7FF0, v15;
	v11 =	vor.u32 v1, v11  }
0xed: {  	v16 =	vand.u32 $0x7FF0, v16;
	v15 =	vor.u32 v1, v15  }
0xee: {  	[tilespmem:v3+s15+$0x0] =	vst.idx.add.s32.msk $0xffff, v2;
	v16 =	vor.u32 v1, v16  }
0xef: {  	[tilespmem:v14+s15+$0x0] =	vst.idx.add.s32.msk $0xffff, v2  }
0xf0: {  	[tilespmem:v12+s15+$0x0] =	vst.idx.add.s32.msk $0xffff, v2  }
0xf1: {  	[tilespmem:v11+s15+$0x0] =	vst.idx.add.s32.msk $0xffff, v2  }
0xf2: {  	[tilespmem:v15+s15+$0x0] =	vst.idx.add.s32.msk $0xffff, v2  }
0xf3: {  	[tilespmem:v16+s15+$0x0] =	vst.idx.add.s32.msk $0xffff, v2  }
0xf4: {  	_ =	swait.ge [sflag:s13], $0x9300  }
0xf5: {  	[sflag:s13] =	ssyncset.done $0x0  }
0xf6: {  	s1 =	simm.s32 $0x9340;
	[sflag:s13] =	ssyncadd.s32 $0xFFFF6D00  }
0xf7: {  	[tilespmem:s2], [sflag:$0x1] =	stream.linear.gather [hbm4b:s9+s2], $0x9300, $0x38;
	[tilespmem:$0x1A680] =	vst v63  }
0xf8: {  	v3 =	vld [tilespmem:s1+$0x30]  }
0xf9: {  	v5 =	vmin.f32 v10, v5  }
0xfa: {  	v9 =	vmin.f32 v5, v9;
	v12 =	vld [tilespmem:s1+$0xFFFFFFC0]  }
0xfb: {  	v7 =	vmin.f32 v9, v7;
	v10 =	vld [tilespmem:s1+$0xFFFFFFD0]  }
0xfc: {  	v8 =	vmin.f32 v7, v8;
	v7 =	vld [tilespmem:s1+$0x0]  }
0xfd: {  	v9 =	vld [tilespmem:s1+$0xFFFFFFF0];
	v11 =	vshrl.u32 v3, $0x10  }
0xfe: {  	v6 =	vmin.f32 v8, v6;
	v11 =	vand.u32 $0x7FF0, v11  }
0xff: {  	v6 =	vmin.f32 v6, v4;
	v5 =	vld [tilespmem:s1+$0x20];
	v15 =	vor.u32 v1, v11  }
0x100: {  	v13 =	vshrl.u32 v12, $0x10;
	v12 =	vmin.f32 v6, v12;
	v6 =	vld [tilespmem:s1+$0xFFFFFFE0]  }
0x101: {  	v8 =	vld [tilespmem:s1+$0x10];
	v4 =	vshrl.u32 v10, $0x10;
	v14 =	vshrl.u32 v7, $0x10  }
0x102: {  	v63 =	vshrl.u32 v9, $0x10;
	v4 =	vand.u32 $0x7FF0, v4;
	v13 =	vand.u32 $0x7FF0, v13  }
0x103: {  	v10 =	vmin.f32 v12, v10;
	v14 =	vand.u32 $0x7FF0, v14;
	v12 =	vor.u32 v1, v13  }
0x104: {  	s19 =	simm.s32 $0x0;
	s20 =	simm.s32 $0x93C0;
	v11 =	vshrl.u32 v5, $0x10;
	v4 =	vor.u32 v1, v4;
	v13 =	vand.u32 $0x7FF0, v63;
	[tilespmem:v15+s15+$0x0] =	vst.idx.add.s32.msk $0xffff, v2  }
.LBB2_14:
0x105: {  	v15 =	vld [tilespmem:s20+$0x30];
	s19 =	sadd.s32 $0x8, s19;
	v16 =	vshrl.u32 v6, $0x10;
	v13 =	vor.u32 v1, v13;
	v14 =	vor.u32 v1, v14  }
0x106: {  	v18 =	vshrl.u32 v8, $0x10;
	v11 =	vand.u32 $0x7FF0, v11;
	v17 =	vld [tilespmem:s20+$0xFFFFFFC0];
	p0 =	slt.u32 s19, $0x928;
	v16 =	vand.u32 $0x7FF0, v16  }
0x107: {  	v18 =	vand.u32 $0x7FF0, v18;
	v11 =	vor.u32 v1, v11;
	v19 =	vld [tilespmem:s20+$0xFFFFFFD0];
	v16 =	vor.u32 v1, v16  }
0x108: {  	[tilespmem:v12+s15+$0x0] =	vst.idx.add.s32.msk $0xffff, v2;
	v12 =	vor.u32 v1, v18  }
0x109: {  	v18 =	vld [tilespmem:s20+$0x10]  }
0x10a: {  	v20 =	vld [tilespmem:s20+$0x20]  }
0x10b: {  	v6 =	vmin.f32 v10, v6;
	v22 =	vshrl.u32 v15, $0x10;
	v21 =	vld [tilespmem:s20+$0xFFFFFFF0]  }
0x10c: {  	v6 =	vmin.f32 v6, v9;
	v10 =	vand.u32 $0x7FF0, v22;
	[tilespmem:v16+s15+$0x0] =	vst.idx.add.s32.msk $0xffff, v2  }
0x10d: {  	v6 =	vmin.f32 v6, v7;
	v16 =	vor.u32 v1, v10;
	v7 =	vld [tilespmem:s20+$0x0]  }
0x10e: {  	v6 =	vmin.f32 v6, v8;
	v22 =	vshrl.u32 v19, $0x10;
	[tilespmem:v11+s15+$0x0] =	vst.idx.add.s32.msk $0xffff, v2;
	v8 =	vmov v18  }
0x10f: {  	v10 =	vmin.f32 v6, v5;
	v18 =	vand.u32 $0x7FF0, v22;
	v11 =	vshrl.u32 v20, $0x10;
	[tilespmem:v4+s15+$0x0] =	vst.idx.add.s32.msk $0xffff, v2;
	v5 =	vmovc v20  }
.Ltmp6:
0x110: {  	v10 =	vmin.f32 v10, v3;
	v3 =	vmovc v15;
	v4 =	vor.u32 v1, v18;
	v6 =	vld [tilespmem:s20+$0xFFFFFFE0];
	v9 =	vmov v21;
	(pc) =	sbr.rel @p0 .LBB2_14-.Ltmp6, $4  }
0x111: {  	v15 =	vshrl.u32 v17, $0x10;
	v10 =	vmin.f32 v10, v17;
	[tilespmem:v12+s15+$0x0] =	vst.idx.add.s32.msk $0xffff, v2  }
0x112: {  	v10 =	vmin.f32 v10, v19;
	v12 =	vand.u32 $0x7FF0, v15;
	v15 =	vshrl.u32 v7, $0x10;
	[tilespmem:v14+s15+$0x0] =	vst.idx.add.s32.msk $0xffff, v2  }
0x113: {  	v12 =	vor.u32 v1, v12;
	v14 =	vshrl.u32 v9, $0x10;
	[tilespmem:v13+s15+$0x0] =	vst.idx.add.s32.msk $0xffff, v2  }
0x114: {  	s20 =	sadd.s32 $0x80, s20;
	v13 =	vand.u32 $0x7FF0, v14;
	v14 =	vand.u32 $0x7FF0, v15;
	[tilespmem:v16+s15+$0x0] =	vst.idx.add.s32.msk $0xffff, v2  }
0x115: {  	_ =	sdelay $0x2  }
0x116: {  	v14 =	vor.u32 v1, v14  }
0x117: {  	v15 =	vshrl.u32 v6, $0x10;
	v11 =	vand.u32 $0x7FF0, v11;
	[tilespmem:v12+s15+$0x0] =	vst.idx.add.s32.msk $0xffff, v2;
	v12 =	vor.u32 v1, v13  }
0x118: {  	v16 =	vshrl.u32 v8, $0x10;
	v15 =	vand.u32 $0x7FF0, v15;
	v11 =	vor.u32 v1, v11  }
0x119: {  	v16 =	vand.u32 $0x7FF0, v16;
	v15 =	vor.u32 v1, v15  }
0x11a: {  	[tilespmem:v4+s15+$0x0] =	vst.idx.add.s32.msk $0xffff, v2;
	v16 =	vor.u32 v1, v16  }
0x11b: {  	[tilespmem:v14+s15+$0x0] =	vst.idx.add.s32.msk $0xffff, v2  }
0x11c: {  	[tilespmem:v12+s15+$0x0] =	vst.idx.add.s32.msk $0xffff, v2  }
0x11d: {  	[tilespmem:v11+s15+$0x0] =	vst.idx.add.s32.msk $0xffff, v2  }
0x11e: {  	[tilespmem:v15+s15+$0x0] =	vst.idx.add.s32.msk $0xffff, v2  }
0x11f: {  	[tilespmem:v16+s15+$0x0] =	vst.idx.add.s32.msk $0xffff, v2  }
0x120: {  	_ =	swait.ge [sflag:s13], $0x9300  }
0x121: {  	[sflag:s13] =	ssyncset.done $0x0  }
0x122: {  	s1 =	simm.s32 $0x40;
	[sflag:s13] =	ssyncadd.s32 $0xFFFF6D00  }
0x123: {  	[tilespmem:s14], [sflag:$0x1] =	stream.linear.gather [hbm4b:s10+s2], $0x9300, $0x38;
	[tilespmem:$0x1A680] =	vst v63  }
0x124: {  	v4 =	vld [tilespmem:s1+$0x30];
	_ =	sdelay $0x1  }
0x125: {  	v6 =	vmin.f32 v10, v6;
	v13 =	vld [tilespmem:s1+$0xFFFFFFC0]  }
0x126: {  	v9 =	vmin.f32 v6, v9;
	v14 =	vld [tilespmem:s1+$0xFFFFFFD0]  }
0x127: {  	v7 =	vmin.f32 v9, v7;
	v6 =	vld [tilespmem:s1+$0x20]  }
0x128: {  	v7 =	vmin.f32 v7, v8;
	v12 =	vld [tilespmem:s1+$0xFFFFFFF0];
	v9 =	vshrl.u32 v4, $0x10  }
0x129: {  	v5 =	vmin.f32 v7, v5;
	v10 =	vld [tilespmem:s1+$0x0];
	v8 =	vand.u32 $0x7FF0, v9  }
0x12a: {  	v5 =	vmin.f32 v5, v3;
	v15 =	vor.u32 v1, v8  }
0x12b: {  	v9 =	vmin.f32 v5, v13;
	v5 =	vld [tilespmem:s1+$0xFFFFFFE0]  }
0x12c: {  	v11 =	vld [tilespmem:s1+$0x10];
	v3 =	vshrl.u32 v14, $0x10;
	v7 =	vshrl.u32 v6, $0x10;
	v8 =	vshrl.u32 v13, $0x10  }
0x12d: {  	v63 =	vshrl.u32 v12, $0x10;
	v3 =	vand.u32 $0x7FF0, v3;
	v13 =	vand.u32 $0x7FF0, v8  }
0x12e: {  	v8 =	vmin.f32 v9, v14;
	v14 =	vshrl.u32 v10, $0x10;
	v9 =	vor.u32 v1, v13  }
0x12f: {  	s19 =	simm.s32 $0x0;
	s20 =	simm.s32 $0xC0;
	v3 =	vor.u32 v1, v3;
	v13 =	vand.u32 $0x7FF0, v63;
	v14 =	vand.u32 $0x7FF0, v14;
	[tilespmem:v15+s15+$0x0] =	vst.idx.add.s32.msk $0xffff, v2  }
.LBB2_16:
0x130: {  	v15 =	vld [tilespmem:s20+$0x30];
	s19 =	sadd.s32 $0x8, s19;
	v16 =	vshrl.u32 v5, $0x10;
	v13 =	vor.u32 v1, v13;
	v14 =	vor.u32 v1, v14  }
0x131: {  	v18 =	vshrl.u32 v11, $0x10;
	v7 =	vand.u32 $0x7FF0, v7;
	v17 =	vld [tilespmem:s20+$0xFFFFFFC0];
	p0 =	slt.u32 s19, $0x928;
	v16 =	vand.u32 $0x7FF0, v16  }
0x132: {  	v18 =	vand.u32 $0x7FF0, v18;
	v7 =	vor.u32 v1, v7;
	v19 =	vld [tilespmem:s20+$0xFFFFFFD0];
	v16 =	vor.u32 v1, v16  }
0x133: {  	[tilespmem:v9+s15+$0x0] =	vst.idx.add.s32.msk $0xffff, v2;
	v9 =	vor.u32 v1, v18  }
0x134: {  	v18 =	vld [tilespmem:s20+$0x10]  }
0x135: {  	v20 =	vld [tilespmem:s20+$0x20]  }
0x136: {  	v5 =	vmin.f32 v8, v5;
	v22 =	vshrl.u32 v15, $0x10;
	v21 =	vld [tilespmem:s20+$0xFFFFFFF0]  }
0x137: {  	v5 =	vmin.f32 v5, v12;
	v8 =	vand.u32 $0x7FF0, v22;
	[tilespmem:v16+s15+$0x0] =	vst.idx.add.s32.msk $0xffff, v2  }
0x138: {  	v5 =	vmin.f32 v5, v10;
	v16 =	vor.u32 v1, v8;
	v10 =	vld [tilespmem:s20+$0x0]  }
0x139: {  	v5 =	vmin.f32 v5, v11;
	v8 =	vshrl.u32 v19, $0x10;
	[tilespmem:v7+s15+$0x0] =	vst.idx.add.s32.msk $0xffff, v2;
	v11 =	vmov v18  }
0x13a: {  	v8 =	vand.u32 $0x7FF0, v8;
	v18 =	vmin.f32 v5, v6;
	v7 =	vshrl.u32 v20, $0x10;
	[tilespmem:v3+s15+$0x0] =	vst.idx.add.s32.msk $0xffff, v2;
	v6 =	vmovc v20  }
.Ltmp7:
0x13b: {  	v3 =	vor.u32 v1, v8;
	v8 =	vmin.f32 v18, v4;
	v4 =	vmovc v15;
	v5 =	vld [tilespmem:s20+$0xFFFFFFE0];
	v12 =	vmov v21;
	(pc) =	sbr.rel @p0 .LBB2_16-.Ltmp7, $4  }
0x13c: {  	v15 =	vshrl.u32 v17, $0x10;
	v8 =	vmin.f32 v8, v17;
	[tilespmem:v9+s15+$0x0] =	vst.idx.add.s32.msk $0xffff, v2  }
0x13d: {  	v9 =	vand.u32 $0x7FF0, v15;
	v8 =	vmin.f32 v8, v19;
	v15 =	vshrl.u32 v10, $0x10;
	[tilespmem:v14+s15+$0x0] =	vst.idx.add.s32.msk $0xffff, v2  }
0x13e: {  	v9 =	vor.u32 v1, v9;
	v14 =	vshrl.u32 v12, $0x10;
	[tilespmem:v13+s15+$0x0] =	vst.idx.add.s32.msk $0xffff, v2  }
0x13f: {  	s20 =	sadd.s32 $0x80, s20;
	v13 =	vand.u32 $0x7FF0, v14;
	v14 =	vand.u32 $0x7FF0, v15;
	[tilespmem:v16+s15+$0x0] =	vst.idx.add.s32.msk $0xffff, v2  }
0x140: {  	_ =	sdelay $0x2  }
0x141: {  	v14 =	vor.u32 v1, v14  }
0x142: {  	v15 =	vshrl.u32 v5, $0x10;
	v7 =	vand.u32 $0x7FF0, v7;
	[tilespmem:v9+s15+$0x0] =	vst.idx.add.s32.msk $0xffff, v2;
	v9 =	vor.u32 v1, v13  }
0x143: {  	v16 =	vshrl.u32 v11, $0x10;
	v15 =	vand.u32 $0x7FF0, v15;
	v7 =	vor.u32 v1, v7  }
0x144: {  	v16 =	vand.u32 $0x7FF0, v16;
	v15 =	vor.u32 v1, v15  }
0x145: {  	[tilespmem:v3+s15+$0x0] =	vst.idx.add.s32.msk $0xffff, v2;
	v16 =	vor.u32 v1, v16  }
0x146: {  	[tilespmem:v14+s15+$0x0] =	vst.idx.add.s32.msk $0xffff, v2  }
0x147: {  	[tilespmem:v9+s15+$0x0] =	vst.idx.add.s32.msk $0xffff, v2  }
0x148: {  	[tilespmem:v7+s15+$0x0] =	vst.idx.add.s32.msk $0xffff, v2  }
0x149: {  	[tilespmem:v15+s15+$0x0] =	vst.idx.add.s32.msk $0xffff, v2  }
0x14a: {  	[tilespmem:v16+s15+$0x0] =	vst.idx.add.s32.msk $0xffff, v2  }
0x14b: {  	_ =	swait.ge [sflag:s13], $0x9300  }
0x14c: {  	[sflag:s13] =	ssyncset.done $0x0  }
0x14d: {  	s1 =	simm.s32 $0x9340;
	[sflag:s13] =	ssyncadd.s32 $0xFFFF6D00  }
0x14e: {  	v3 =	vld [tilespmem:s1+$0x20]  }
0x14f: {  	v7 =	vld [tilespmem:s1+$0xFFFFFFE0];
	_ =	sdelay $0x1  }
0x150: {  	v8 =	vmin.f32 v8, v5;
	v5 =	vld [tilespmem:s1+$0x30];
	_ =	sdelay $0x1  }
0x151: {  	v12 =	vmin.f32 v8, v12;
	v9 =	vld [tilespmem:s1+$0xFFFFFFF0];
	v13 =	vshrl.u32 v3, $0x10  }
0x152: {  	v10 =	vmin.f32 v12, v10;
	v8 =	vld [tilespmem:s1+$0x10];
	v14 =	vshrl.u32 v7, $0x10;
	v13 =	vand.u32 $0x7FF0, v13  }
0x153: {  	v11 =	vmin.f32 v10, v11;
	v12 =	vand.u32 $0x7FF0, v14;
	v13 =	vor.u32 v1, v13  }
0x154: {  	v6 =	vmin.f32 v11, v6;
	v10 =	vld [tilespmem:s1+$0xFFFFFFC0];
	v11 =	vshrl.u32 v5, $0x10;
	v12 =	vor.u32 v1, v12  }
0x155: {  	v14 =	vand.u32 $0x7FF0, v11  }
0x156: {  	v6 =	vmin.f32 v6, v4;
	v4 =	vld [tilespmem:s1+$0xFFFFFFD0];
	v14 =	vor.u32 v1, v14  }
0x157: {  	v15 =	vshrl.u32 v8, $0x10;
	v16 =	vshrl.u32 v9, $0x10;
	v11 =	vld [tilespmem:s1+$0x0]  }
0x158: {  	s22 =	simm.s32 $0x0;
	v15 =	vand.u32 $0x7FF0, v15;
	v16 =	vand.u32 $0x7FF0, v16;
	[tilespmem:v13+s15+$0x0] =	vst.idx.add.s32.msk $0xffff, v2  }
0x159: {  	s23 =	simm.s32 $0x93C0;
	s21 =	simm.s32 $0x7FF;
	s20 =	simm.s32 $0x1A5F0;
	v13 =	vor.u32 v1, v15;
	v15 =	vshrl.u32 v10, $0x10;
	[tilespmem:v12+s15+$0x0] =	vst.idx.add.s32.msk $0xffff, v2;
	v12 =	vor.u32 v1, v16  }
.LBB2_18:
0x15a: {  	v16 =	vld [tilespmem:s23+$0xFFFFFFF0];
	s22 =	sadd.s32 $0x8, s22;
	v15 =	vand.u32 $0x7FF0, v15;
	v6 =	vmin.f32 v6, v10;
	s19 =	simm.s32 $0xFFFFFFFF  }
0x15b: {  	v10 =	vshrl.u32 v4, $0x10;
	p0 =	slt.u32 s22, $0x928;
	v15 =	vor.u32 v1, v15;
	v4 =	vmin.f32 v6, v4;
	[tilespmem:v14+s15+$0x0] =	vst.idx.add.s32.msk $0xffff, v2  }
0x15c: {  	v6 =	vand.u32 $0x7FF0, v10;
	v14 =	vld [tilespmem:s23+$0x20];
	v4 =	vmin.f32 v4, v7;
	v10 =	vshrl.u32 v11, $0x10  }
0x15d: {  	v17 =	vor.u32 v1, v6;
	v7 =	vld [tilespmem:s23+$0xFFFFFFE0];
	v4 =	vmin.f32 v4, v9;
	v6 =	vand.u32 $0x7FF0, v10  }
0x15e: {  	v18 =	vld [tilespmem:s23+$0x30];
	v4 =	vmin.f32 v4, v11  }
0x15f: {  	[tilespmem:v13+s15+$0x0] =	vst.idx.add.s32.msk $0xffff, v2;
	v8 =	vmin.f32 v4, v8;
	v9 =	vmov v16  }
0x160: {  	v11 =	vor.u32 v1, v6;
	v4 =	vld [tilespmem:s23+$0xFFFFFFD0];
	v10 =	vmin.f32 v8, v3  }
0x161: {  	v8 =	vld [tilespmem:s23+$0x10];
	v13 =	vshrl.u32 v14, $0x10;
	v6 =	vmin.f32 v10, v5;
	v3 =	vmov v14  }
0x162: {  	v10 =	vld [tilespmem:s23+$0xFFFFFFC0];
	v19 =	vshrl.u32 v7, $0x10;
	v13 =	vand.u32 $0x7FF0, v13  }
0x163: {  	v14 =	vand.u32 $0x7FF0, v19;
	v16 =	vor.u32 v1, v13;
	v13 =	vshrl.u32 v18, $0x10;
	[tilespmem:v17+s15+$0x0] =	vst.idx.add.s32.msk $0xffff, v2;
	v5 =	vmovc v18  }
0x164: {  	v17 =	vor.u32 v1, v14;
	v13 =	vand.u32 $0x7FF0, v13;
	[tilespmem:v15+s15+$0x0] =	vst.idx.add.s32.msk $0xffff, v2  }
.Ltmp8:
0x165: {  	[tilespmem:v11+s15+$0x0] =	vst.idx.add.s32.msk $0xffff, v2;
	(pc) =	sbr.rel @p0 .LBB2_18-.Ltmp8, $4  }
0x166: {  	v14 =	vor.u32 v1, v13;
	v15 =	vshrl.u32 v8, $0x10;
	[tilespmem:v12+s15+$0x0] =	vst.idx.add.s32.msk $0xffff, v2  }
0x167: {  	v12 =	vshrl.u32 v9, $0x10;
	v11 =	vld [tilespmem:s23+$0x0];
	v13 =	vand.u32 $0x7FF0, v15  }
0x168: {  	v12 =	vand.u32 $0x7FF0, v12;
	v13 =	vor.u32 v1, v13;
	[tilespmem:v16+s15+$0x0] =	vst.idx.add.s32.msk $0xffff, v2  }
0x169: {  	v15 =	vshrl.u32 v10, $0x10;
	s23 =	sadd.s32 $0x80, s23;
	v12 =	vor.u32 v1, v12;
	[tilespmem:v17+s15+$0x0] =	vst.idx.add.s32.msk $0xffff, v2  }
0x16a: {  	_ = 	snop  }
0x16b: {  	v16 =	vshrl.u32 v4, $0x10;
	v15 =	vand.u32 $0x7FF0, v15  }
0x16c: {  	v16 =	vand.u32 $0x7FF0, v16;
	v15 =	vor.u32 v1, v15;
	v17 =	vshrl.u32 v11, $0x10  }
0x16d: {  	v16 =	vor.u32 v1, v16;
	v17 =	vand.u32 $0x7FF0, v17  }
0x16e: {  	[tilespmem:v14+s15+$0x0] =	vst.idx.add.s32.msk $0xffff, v2;
	v17 =	vor.u32 v1, v17  }
0x16f: {  	[tilespmem:v13+s15+$0x0] =	vst.idx.add.s32.msk $0xffff, v2  }
0x170: {  	[tilespmem:v12+s15+$0x0] =	vst.idx.add.s32.msk $0xffff, v2  }
0x171: {  	[tilespmem:v15+s15+$0x0] =	vst.idx.add.s32.msk $0xffff, v2  }
0x172: {  	[tilespmem:v16+s15+$0x0] =	vst.idx.add.s32.msk $0xffff, v2  }
0x173: {  	[tilespmem:v17+s15+$0x0] =	vst.idx.add.s32.msk $0xffff, v2  }
0x174: {  	v12 =	vld [tilespmem:s20+$0x0];
	_ =	sdelay $0x4  }
0x175: {  	(xrf0) =	vadd.scan.msk.s32 $0xffff, v12;
	_ =	sdelay $0x5  }
0x176: {  	v12, _, _ =	vpop (xrf0)  }
0x177: {  	(v2sf) =	vpush v12, $0xF;
	_ =	sdelay $0x1  }
0x178: {  	s1 =	simm.s32 $0x1A5E0  }
0x179: {  	v63 =	vld [tilespmem:s1+$0x0];
	_ =	sdelay $0x2  }
0x17a: {  	s25 =	simm.s32 $0x1A5D0  }
0x17b: {  	v13 =	vld [tilespmem:s25+$0x0]  }
0x17c: {  	(xrf0) =	vadd.scan.msk.s32 $0xffff, v63;
	_ =	sdelay $0x1  }
0x17d: {  	v6 =	vmin.f32 v6, v10  }
0x17e: {  	v4 =	vmin.f32 v6, v4  }
0x17f: {  	v4 =	vmin.f32 v4, v7;
	(xrf0) =	vadd.scan.msk.s32 $0xffff, v13  }
0x180: {  	v4 =	vmin.f32 v4, v9  }
0x181: {  	v4 =	vmin.f32 v4, v11;
	v7, _, _ =	vpop (xrf0)  }
0x182: {  	v4 =	vmin.f32 v4, v8;
	s31 =	spop (v2sf);
	(v2sf) =	vpush v7, $0xF  }
0x183: {  	s26 =	simm.s32 $0x1A5C0  }
0x184: {  	v6 =	vld [tilespmem:s26+$0x0]  }
0x185: {  	v3 =	vmin.f32 v4, v3;
	v4, _, _ =	vpop (xrf0)  }
0x186: {  	(v2sf) =	vpush v4, $0xF;
	_ =	sdelay $0x2  }
0x187: {  	s24 =	simm.s32 $0x7FD;
	(xrf0) =	vadd.scan.msk.s32 $0xffff, v6  }
0x188: {  	p1 =	por $0x1, $0x1;
	s29 =	simm.s32 $0x1A5B0;
	s22 =	sadd.s32 $0x0, s31  }
0x189: {  	s23 =	simm.s32 $0x7FB;
	s30 =	simm.s32 $0x7FA;
	v4 =	vld [tilespmem:s29+$0x0];
	p0 =	sgt.s32 s22, $0x7598  }
0x18a: {  	s28 =	simm.s32 $0x0;
	s20 =	simm.s32 $0x0;
	p0 =	por !p1, !p0  }
0x18b: {  	v3 =	vmin.f32 v3, v5;
	s26 =	simm.s32 $0x7FE;
	s25 =	simm.s32 $0x7FC;
	p0 =	por !p0, !p0  }
.LBB2_20:
0x18c: {  	p1 =	sne.s32 s30, $0x0;
	s19 =	smov.u32 @p0 s21;
	s20 =	smov.u32 @p0 s28  }
0x18d: {  	v5, _, _ =	vpop (xrf0);
	s21 =	smov.u32 s26;
	s26 =	smov.u32 s24;
	s24 =	smov.u32 s25  }
0x18e: {  	s25 =	smov.u32 s23;
	s23 =	smov.u32 s30;
	s30 =	sadd.s32 $0xFFFFFFFF, s30;
	(xrf0) =	vadd.scan.msk.s32 $0xffff, v4;
	(v2sf) =	vpush v5, $0xF  }
.Ltmp9:
0x18f: {  	s29 =	sadd.s32 $0xFFFFFFF0, s29;
	s1 =	spop (v2sf);
	(pc) =	sbr.rel @p1 .LBB2_20-.Ltmp9, $4  }
0x190: {  	s28 =	smov.u32 s22;
	v4 =	vld [tilespmem:s29+$0x0];
	s22 =	sadd.s32 s22, s1  }
0x191: {  	p2 =	slt.s32 s19, $0x0;
	p0 =	sgt.s32 s22, $0x7598  }
0x192: {  	p0 =	por !p2, !p0  }
0x193: {  	p0 =	por !p0, !p0  }
0x194: {  	_ = 	snop  }
0x195: {  	(xrf0) =	vadd.scan.msk.s32 $0xffff, v4;
	_ =	sdelay $0x1  }
0x196: {  	v4, _, _ =	vpop (xrf0)  }
0x197: {  	(v2sf) =	vpush v4, $0xF;
	_ =	sdelay $0x2  }
0x198: {  	v4, _, _ =	vpop (xrf0)  }
0x199: {  	(v2sf) =	vpush v4, $0xF;
	_ =	sdelay $0x2  }
0x19a: {  	s1 =	spop (v2sf)  }
0x19b: {  	s19 =	smov.u32 @p0 s21;
	s1 =	sadd.s32 s22, s1  }
0x19c: {  	p2 =	slt.s32 s19, $0x0;
	p1 =	sgt.s32 s1, $0x7598  }
0x19d: {  	p1 =	por !p2, !p1  }
0x19e: {  	p1 =	por !p1, !p1;
	s0 =	spop (v2sf)  }
0x19f: {  	s19 =	smov.u32 @p1 s26;
	s21 =	sadd.s32 s1, s0  }
0x1a0: {  	p3 =	slt.s32 s19, $0x0;
	p5 =	sgt.s32 s21, $0x7598  }
0x1a1: {  	p2 =	por !p3, !p5  }
0x1a2: {  	p2 =	por !p2, !p2;
	s29 =	spop (v2sf)  }
0x1a3: {  	s19 =	smov.u32 @p2 s24;
	s24 =	sadd.s32 s21, s29  }
0x1a4: {  	p4 =	slt.s32 s19, $0x0;
	p6 =	sgt.s32 s24, $0x7598  }
0x1a5: {  	p3 =	por !p4, !p6  }
0x1a6: {  	p3 =	por !p3, !p3;
	s30 =	spop (v2sf)  }
0x1a7: {  	s20 =	smov.u32 @p0 s28;
	s19 =	smov.u32 @p3 s25;
	s31 =	sadd.s32 s24, s30  }
0x1a8: {  	s20 =	smov.u32 @p1 s22;
	p6 =	slt.s32 s19, $0x0;
	p5 =	sgt.s32 s31, $0x7598  }
0x1a9: {  	s20 =	smov.u32 @p2 s1;
	p0 =	por !p6, !p5  }
0x1aa: {  	s1 =	simm.s32 $0x0;
	s20 =	smov.u32 @p3 s21;
	p0 =	por !p0, !p0  }
0x1ab: {  	s21 =	simm.s32 $0x100;
	s19 =	smov.u32 @p0 s23;
	s20 =	smov.u32 @p0 s24  }
.LBB2_22:
0x1ac: {  	p0 =	sne.s32 s21, $0xFF00;
	[tilespmem:s1+$0x12630] =	vst v0;
	s22 =	smov.u32 s21;
	s21 =	sadd.s32 $0x100, s21  }
.Ltmp10:
0x1ad: {  	[tilespmem:s1+$0x12620] =	vst v0;
	(pc) =	sbr.rel @p0 .LBB2_22-.Ltmp10, $3  }
0x1ae: {  	[tilespmem:s1+$0x12600] =	vst v0  }
0x1af: {  	[tilespmem:s1+$0x12610] =	vst v0;
	_ =	sdelay $0x1  }
0x1b0: {  	s1 =	sshra.s32 s22, $0x2  }
0x1b1: {  	[tilespmem:s1+$0x12630] =	vst v0  }
0x1b2: {  	[tilespmem:s1+$0x12620] =	vst v0  }
0x1b3: {  	[tilespmem:s1+$0x12600] =	vst v0  }
0x1b4: {  	[tilespmem:s1+$0x12610] =	vst v0  }
0x1b5: {  	[tilespmem:s2], [sflag:$0x1] =	stream.linear.gather [hbm4b:s3+s2], $0x9300, $0x38;
	[tilespmem:$0x1A680] =	vst v63  }
0x1b6: {  	_ =	swait.ge [sflag:s13], $0x9300  }
0x1b7: {  	[sflag:s13] =	ssyncset.done $0x0  }
0x1b8: {  	s31 =	simm.s32 $0x40;
	[sflag:s13] =	ssyncadd.s32 $0xFFFF6D00  }
0x1b9: {  	[tilespmem:s14], [sflag:$0x1] =	stream.linear.gather [hbm4b:s4+s2], $0x9300, $0x38;
	[tilespmem:$0x1A680] =	vst v63  }
0x1ba: {  	v5 =	vld [tilespmem:s31+$0x30]  }
0x1bb: {  	v6 =	vld [tilespmem:s31+$0xFFFFFFD0]  }
0x1bc: {  	v7 =	vld [tilespmem:s31+$0xFFFFFFE0]  }
0x1bd: {  	v8 =	vld [tilespmem:s31+$0xFFFFFFF0]  }
0x1be: {  	v9 =	vld [tilespmem:s31+$0x0]  }
0x1bf: {  	v10 =	vld [tilespmem:s31+$0x10]  }
0x1c0: {  	v4 =	vmov s19;
	v13 =	vld [tilespmem:s31+$0x20];
	v11 =	vshrl.u32 v5, $0x14  }
0x1c1: {  	v14 =	vld [tilespmem:s31+$0xFFFFFFC0];
	v12 =	vshrl.u32 v6, $0x14;
	v5 =	vshrl.u32 v5, $0x6;
	v15 =	vshrl.u32 v7, $0x14  }
0x1c2: {  	v16 =	vshrl.u32 v6, $0x6;
	v18 =	vshrl.u32 v8, $0x14;
	v20 =	vshrl.u32 v7, $0x6  }
0x1c3: {  	v21 =	vshrl.u32 v8, $0x6;
	v22 =	vshrl.u32 v9, $0x14;
	v11 =	vand.u32 $0x7FF, v11  }
0x1c4: {  	v6 =	vshrl.u32 v9, $0x6;
	v5 =	vand.u32 $0x3FF0, v5;
	vm0 =	veq.s32 v11, v4  }
0x1c5: {  	v9 =	vshrl.u32 v10, $0x14;
	v7 =	vshrl.u32 v13, $0x6;
	v19 =	vor.u32 v1, v5  }
0x1c6: {  	v23 =	vshrl.u32 v13, $0x14;
	v13 =	vshrl.u32 v14, $0x6;
	v8 =	vand.u32 $0x7FF, v12  }
0x1c7: {  	v12 =	vand.u32 $0x7FF, v18;
	v18 =	vand.u32 $0x3FF0, v16;
	v16 =	vand.u32 $0x3FF0, v20  }
0x1c8: {  	v5 =	vshrl.u32 v10, $0x6;
	v10 =	vshrl.u32 v14, $0x14;
	v11 =	vand.u32 $0x7FF, v15  }
0x1c9: {  	v14 =	vand.u32 $0x3FF0, v13;
	v13 =	vand.u32 $0x7FF, v9;
	v9 =	vand.u32 $0x7FF, v23  }
0x1ca: {  	s21 =	simm.s32 $0x0;
	s22 =	simm.s32 $0xC0;
	v15 =	vand.u32 $0x3FF0, v21;
	v17 =	vand.u32 $0x7FF, v10;
	v10 =	vand.u32 $0x7FF, v22;
	[tilespmem:v19+s15+$0x0] =	vst.idx.add.s32.msk vm0, v2  }
.LBB2_24:
0x1cb: {  	v19 =	vld [tilespmem:s22+$0x30];
	s21 =	sadd.s32 $0x8, s21;
	v6 =	vand.u32 $0x3FF0, v6;
	v5 =	vand.u32 $0x3FF0, v5;
	v7 =	vand.u32 $0x3FF0, v7  }
0x1cc: {  	vm6 =	veq.s32 v17, v4;
	vm5 =	veq.s32 v8, v4;
	vm4 =	veq.s32 v11, v4;
	v20 =	vld [tilespmem:s22+$0xFFFFFFD0];
	p0 =	slt.u32 s21, $0x928  }
0x1cd: {  	vm3 =	veq.s32 v12, v4;
	vm2 =	veq.s32 v10, v4;
	vm1 =	veq.s32 v13, v4;
	v8 =	vld [tilespmem:s22+$0xFFFFFFE0]  }
0x1ce: {  	v11 =	vor.u32 v1, v14;
	v12 =	vor.u32 v1, v18;
	vm0 =	veq.s32 v9, v4;
	v10 =	vld [tilespmem:s22+$0xFFFFFFF0]  }
0x1cf: {  	v13 =	vor.u32 v1, v16;
	v14 =	vor.u32 v1, v15;
	v15 =	vor.u32 v1, v6;
	v9 =	vld [tilespmem:s22+$0x0]  }
0x1d0: {  	v18 =	vor.u32 v1, v5;
	v21 =	vor.u32 v1, v7;
	v16 =	vld [tilespmem:s22+$0x10];
	v6 =	vshrl.u32 v19, $0x14  }
0x1d1: {  	v5 =	vshrl.u32 v19, $0x6;
	v7 =	vshrl.u32 v20, $0x14;
	v17 =	vld [tilespmem:s22+$0x20];
	v6 =	vand.u32 $0x7FF, v6  }
0x1d2: {  	v5 =	vand.u32 $0x3FF0, v5;
	v19 =	vld [tilespmem:s22+$0xFFFFFFC0];
	v22 =	vshrl.u32 v8, $0x14;
	vm7 =	veq.s32 v6, v4  }
0x1d3: {  	v20 =	vshrl.u32 v20, $0x6;
	v24 =	vor.u32 v1, v5;
	v23 =	vshrl.u32 v10, $0x14;
	[tilespmem:v11+s15+$0x0] =	vst.idx.add.s32.msk vm6, v2  }
0x1d4: {  	v25 =	vshrl.u32 v8, $0x6;
	v26 =	vshrl.u32 v10, $0x6;
	v10 =	vshrl.u32 v9, $0x14;
	[tilespmem:v12+s15+$0x0] =	vst.idx.add.s32.msk vm5, v2  }
0x1d5: {  	v6 =	vshrl.u32 v9, $0x6;
	v5 =	vshrl.u32 v16, $0x6;
	v9 =	vshrl.u32 v16, $0x14;
	[tilespmem:v13+s15+$0x0] =	vst.idx.add.s32.msk vm4, v2  }
.Ltmp11:
0x1d6: {  	v8 =	vand.u32 $0x7FF, v7;
	v7 =	vshrl.u32 v17, $0x6;
	v16 =	vshrl.u32 v17, $0x14;
	[tilespmem:v14+s15+$0x0] =	vst.idx.add.s32.msk vm3, v2;
	(pc) =	sbr.rel @p0 .LBB2_24-.Ltmp11, $4  }
0x1d7: {  	v11 =	vand.u32 $0x7FF, v22;
	v13 =	vshrl.u32 v19, $0x6;
	v12 =	vshrl.u32 v19, $0x14;
	[tilespmem:v15+s15+$0x0] =	vst.idx.add.s32.msk vm2, v2  }
0x1d8: {  	v10 =	vand.u32 $0x7FF, v10;
	v17 =	vand.u32 $0x7FF, v12;
	v12 =	vand.u32 $0x7FF, v23;
	[tilespmem:v24+s15+$0x0] =	vst.idx.add.s32.msk vm7, v2  }
0x1d9: {  	v14 =	vand.u32 $0x3FF0, v13;
	v13 =	vand.u32 $0x7FF, v9;
	v9 =	vand.u32 $0x7FF, v16;
	[tilespmem:v18+s15+$0x0] =	vst.idx.add.s32.msk vm1, v2  }
0x1da: {  	s22 =	sadd.s32 $0x80, s22;
	v15 =	vand.u32 $0x3FF0, v26;
	v16 =	vand.u32 $0x3FF0, v25;
	v18 =	vand.u32 $0x3FF0, v20;
	[tilespmem:v21+s15+$0x0] =	vst.idx.add.s32.msk vm0, v2  }
0x1db: {  	vm0 =	veq.s32 v17, v4  }
0x1dc: {  	vm1 =	veq.s32 v8, v4;
	v8 =	vor.u32 v1, v14  }
0x1dd: {  	vm2 =	veq.s32 v11, v4;
	v11 =	vor.u32 v1, v18  }
0x1de: {  	vm3 =	veq.s32 v12, v4;
	v12 =	vor.u32 v1, v16  }
0x1df: {  	v6 =	vand.u32 $0x3FF0, v6;
	vm4 =	veq.s32 v10, v4;
	v10 =	vor.u32 v1, v15  }
0x1e0: {  	v5 =	vand.u32 $0x3FF0, v5;
	vm5 =	veq.s32 v13, v4;
	v6 =	vor.u32 v1, v6  }
0x1e1: {  	v7 =	vand.u32 $0x3FF0, v7;
	vm6 =	veq.s32 v9, v4;
	v5 =	vor.u32 v1, v5;
	[tilespmem:v8+s15+$0x0] =	vst.idx.add.s32.msk vm0, v2  }
0x1e2: {  	v7 =	vor.u32 v1, v7;
	[tilespmem:v11+s15+$0x0] =	vst.idx.add.s32.msk vm1, v2  }
0x1e3: {  	[tilespmem:v12+s15+$0x0] =	vst.idx.add.s32.msk vm2, v2  }
0x1e4: {  	[tilespmem:v10+s15+$0x0] =	vst.idx.add.s32.msk vm3, v2  }
0x1e5: {  	[tilespmem:v6+s15+$0x0] =	vst.idx.add.s32.msk vm4, v2  }
0x1e6: {  	[tilespmem:v5+s15+$0x0] =	vst.idx.add.s32.msk vm5, v2  }
0x1e7: {  	[tilespmem:v7+s15+$0x0] =	vst.idx.add.s32.msk vm6, v2  }
0x1e8: {  	_ =	swait.ge [sflag:s13], $0x9300  }
0x1e9: {  	[sflag:s13] =	ssyncset.done $0x0  }
0x1ea: {  	s1 =	simm.s32 $0x9340;
	[sflag:s13] =	ssyncadd.s32 $0xFFFF6D00  }
0x1eb: {  	[tilespmem:s2], [sflag:$0x1] =	stream.linear.gather [hbm4b:s5+s2], $0x9300, $0x38;
	[tilespmem:$0x1A680] =	vst v63  }
0x1ec: {  	v5 =	vld [tilespmem:s1+$0x30]  }
0x1ed: {  	v6 =	vld [tilespmem:s1+$0xFFFFFFD0]  }
0x1ee: {  	v7 =	vld [tilespmem:s1+$0xFFFFFFE0]  }
0x1ef: {  	v8 =	vld [tilespmem:s1+$0xFFFFFFF0]  }
0x1f0: {  	v9 =	vld [tilespmem:s1+$0x0]  }
0x1f1: {  	v10 =	vld [tilespmem:s1+$0x10]  }
0x1f2: {  	v13 =	vld [tilespmem:s1+$0x20];
	v11 =	vshrl.u32 v5, $0x14  }
0x1f3: {  	v14 =	vld [tilespmem:s1+$0xFFFFFFC0];
	v12 =	vshrl.u32 v6, $0x14;
	v5 =	vshrl.u32 v5, $0x6;
	v15 =	vshrl.u32 v7, $0x14  }
0x1f4: {  	v16 =	vshrl.u32 v6, $0x6;
	v18 =	vshrl.u32 v8, $0x14;
	v20 =	vshrl.u32 v7, $0x6  }
0x1f5: {  	v21 =	vshrl.u32 v8, $0x6;
	v22 =	vshrl.u32 v9, $0x14;
	v11 =	vand.u32 $0x7FF, v11  }
0x1f6: {  	v6 =	vshrl.u32 v9, $0x6;
	v5 =	vand.u32 $0x3FF0, v5;
	vm15 =	veq.s32 v11, v4  }
0x1f7: {  	v9 =	vshrl.u32 v10, $0x14;
	v7 =	vshrl.u32 v13, $0x6;
	v19 =	vor.u32 v1, v5  }
0x1f8: {  	v23 =	vshrl.u32 v13, $0x14;
	v13 =	vshrl.u32 v14, $0x6;
	v8 =	vand.u32 $0x7FF, v12  }
0x1f9: {  	v12 =	vand.u32 $0x7FF, v18;
	v18 =	vand.u32 $0x3FF0, v16;
	v16 =	vand.u32 $0x3FF0, v20  }
0x1fa: {  	v5 =	vshrl.u32 v10, $0x6;
	v10 =	vshrl.u32 v14, $0x14;
	v11 =	vand.u32 $0x7FF, v15  }
0x1fb: {  	v14 =	vand.u32 $0x3FF0, v13;
	v13 =	vand.u32 $0x7FF, v9;
	v9 =	vand.u32 $0x7FF, v23  }
0x1fc: {  	s21 =	simm.s32 $0x0;
	s22 =	simm.s32 $0x93C0;
	v15 =	vand.u32 $0x3FF0, v21;
	v17 =	vand.u32 $0x7FF, v10;
	v10 =	vand.u32 $0x7FF, v22;
	[tilespmem:v19+s15+$0x0] =	vst.idx.add.s32.msk vm15, v2  }
.LBB2_26:
0x1fd: {  	v19 =	vld [tilespmem:s22+$0x30];
	s21 =	sadd.s32 $0x8, s21;
	v6 =	vand.u32 $0x3FF0, v6;
	v5 =	vand.u32 $0x3FF0, v5;
	v7 =	vand.u32 $0x3FF0, v7  }
0x1fe: {  	vm6 =	veq.s32 v17, v4;
	vm5 =	veq.s32 v8, v4;
	vm4 =	veq.s32 v11, v4;
	v20 =	vld [tilespmem:s22+$0xFFFFFFD0];
	p0 =	slt.u32 s21, $0x928  }
0x1ff: {  	vm3 =	veq.s32 v12, v4;
	vm2 =	veq.s32 v10, v4;
	vm1 =	veq.s32 v13, v4;
	v8 =	vld [tilespmem:s22+$0xFFFFFFE0]  }
0x200: {  	v11 =	vor.u32 v1, v14;
	v12 =	vor.u32 v1, v18;
	vm0 =	veq.s32 v9, v4;
	v10 =	vld [tilespmem:s22+$0xFFFFFFF0]  }
0x201: {  	v13 =	vor.u32 v1, v16;
	v14 =	vor.u32 v1, v15;
	v15 =	vor.u32 v1, v6;
	v9 =	vld [tilespmem:s22+$0x0]  }
0x202: {  	v18 =	vor.u32 v1, v5;
	v21 =	vor.u32 v1, v7;
	v16 =	vld [tilespmem:s22+$0x10];
	v6 =	vshrl.u32 v19, $0x14  }
0x203: {  	v5 =	vshrl.u32 v19, $0x6;
	v7 =	vshrl.u32 v20, $0x14;
	v17 =	vld [tilespmem:s22+$0x20];
	v6 =	vand.u32 $0x7FF, v6  }
0x204: {  	v5 =	vand.u32 $0x3FF0, v5;
	v19 =	vld [tilespmem:s22+$0xFFFFFFC0];
	v22 =	vshrl.u32 v8, $0x14;
	vm7 =	veq.s32 v6, v4  }
0x205: {  	v20 =	vshrl.u32 v20, $0x6;
	v24 =	vor.u32 v1, v5;
	v23 =	vshrl.u32 v10, $0x14;
	[tilespmem:v11+s15+$0x0] =	vst.idx.add.s32.msk vm6, v2  }
0x206: {  	v25 =	vshrl.u32 v8, $0x6;
	v26 =	vshrl.u32 v10, $0x6;
	v10 =	vshrl.u32 v9, $0x14;
	[tilespmem:v12+s15+$0x0] =	vst.idx.add.s32.msk vm5, v2  }
0x207: {  	v6 =	vshrl.u32 v9, $0x6;
	v5 =	vshrl.u32 v16, $0x6;
	v9 =	vshrl.u32 v16, $0x14;
	[tilespmem:v13+s15+$0x0] =	vst.idx.add.s32.msk vm4, v2  }
.Ltmp12:
0x208: {  	v8 =	vand.u32 $0x7FF, v7;
	v7 =	vshrl.u32 v17, $0x6;
	v16 =	vshrl.u32 v17, $0x14;
	[tilespmem:v14+s15+$0x0] =	vst.idx.add.s32.msk vm3, v2;
	(pc) =	sbr.rel @p0 .LBB2_26-.Ltmp12, $4  }
0x209: {  	v11 =	vand.u32 $0x7FF, v22;
	v13 =	vshrl.u32 v19, $0x6;
	v12 =	vshrl.u32 v19, $0x14;
	[tilespmem:v15+s15+$0x0] =	vst.idx.add.s32.msk vm2, v2  }
0x20a: {  	v10 =	vand.u32 $0x7FF, v10;
	v17 =	vand.u32 $0x7FF, v12;
	v12 =	vand.u32 $0x7FF, v23;
	[tilespmem:v24+s15+$0x0] =	vst.idx.add.s32.msk vm7, v2  }
0x20b: {  	v14 =	vand.u32 $0x3FF0, v13;
	v13 =	vand.u32 $0x7FF, v9;
	v9 =	vand.u32 $0x7FF, v16;
	[tilespmem:v18+s15+$0x0] =	vst.idx.add.s32.msk vm1, v2  }
0x20c: {  	s22 =	sadd.s32 $0x80, s22;
	v15 =	vand.u32 $0x3FF0, v26;
	v16 =	vand.u32 $0x3FF0, v25;
	v18 =	vand.u32 $0x3FF0, v20;
	[tilespmem:v21+s15+$0x0] =	vst.idx.add.s32.msk vm0, v2  }
0x20d: {  	vm0 =	veq.s32 v17, v4  }
0x20e: {  	vm1 =	veq.s32 v8, v4;
	v8 =	vor.u32 v1, v14  }
0x20f: {  	vm2 =	veq.s32 v11, v4;
	v11 =	vor.u32 v1, v18  }
0x210: {  	vm3 =	veq.s32 v12, v4;
	v12 =	vor.u32 v1, v16  }
0x211: {  	v6 =	vand.u32 $0x3FF0, v6;
	vm4 =	veq.s32 v10, v4;
	v10 =	vor.u32 v1, v15  }
0x212: {  	v5 =	vand.u32 $0x3FF0, v5;
	vm5 =	veq.s32 v13, v4;
	v6 =	vor.u32 v1, v6  }
0x213: {  	v7 =	vand.u32 $0x3FF0, v7;
	vm6 =	veq.s32 v9, v4;
	v5 =	vor.u32 v1, v5;
	[tilespmem:v8+s15+$0x0] =	vst.idx.add.s32.msk vm0, v2  }
0x214: {  	v7 =	vor.u32 v1, v7;
	[tilespmem:v11+s15+$0x0] =	vst.idx.add.s32.msk vm1, v2  }
0x215: {  	[tilespmem:v12+s15+$0x0] =	vst.idx.add.s32.msk vm2, v2  }
0x216: {  	[tilespmem:v10+s15+$0x0] =	vst.idx.add.s32.msk vm3, v2  }
0x217: {  	[tilespmem:v6+s15+$0x0] =	vst.idx.add.s32.msk vm4, v2  }
0x218: {  	[tilespmem:v5+s15+$0x0] =	vst.idx.add.s32.msk vm5, v2  }
0x219: {  	[tilespmem:v7+s15+$0x0] =	vst.idx.add.s32.msk vm6, v2  }
0x21a: {  	_ =	swait.ge [sflag:s13], $0x9300  }
0x21b: {  	[sflag:s13] =	ssyncset.done $0x0  }
0x21c: {  	s1 =	simm.s32 $0x40;
	[sflag:s13] =	ssyncadd.s32 $0xFFFF6D00  }
0x21d: {  	[tilespmem:s14], [sflag:$0x1] =	stream.linear.gather [hbm4b:s6+s2], $0x9300, $0x38;
	[tilespmem:$0x1A680] =	vst v63  }
0x21e: {  	v5 =	vld [tilespmem:s1+$0x30]  }
0x21f: {  	v6 =	vld [tilespmem:s1+$0xFFFFFFD0]  }
0x220: {  	v7 =	vld [tilespmem:s1+$0xFFFFFFE0]  }
0x221: {  	v8 =	vld [tilespmem:s1+$0xFFFFFFF0]  }
0x222: {  	v9 =	vld [tilespmem:s1+$0x0]  }
0x223: {  	v10 =	vld [tilespmem:s1+$0x10]  }
0x224: {  	v13 =	vld [tilespmem:s1+$0x20];
	v11 =	vshrl.u32 v5, $0x14  }
0x225: {  	v14 =	vld [tilespmem:s1+$0xFFFFFFC0];
	v12 =	vshrl.u32 v6, $0x14;
	v5 =	vshrl.u32 v5, $0x6;
	v15 =	vshrl.u32 v7, $0x14  }
0x226: {  	v16 =	vshrl.u32 v6, $0x6;
	v18 =	vshrl.u32 v8, $0x14;
	v20 =	vshrl.u32 v7, $0x6  }
0x227: {  	v21 =	vshrl.u32 v8, $0x6;
	v22 =	vshrl.u32 v9, $0x14;
	v11 =	vand.u32 $0x7FF, v11  }
0x228: {  	v6 =	vshrl.u32 v9, $0x6;
	v5 =	vand.u32 $0x3FF0, v5;
	vm15 =	veq.s32 v11, v4  }
0x229: {  	v9 =	vshrl.u32 v10, $0x14;
	v7 =	vshrl.u32 v13, $0x6;
	v19 =	vor.u32 v1, v5  }
0x22a: {  	v23 =	vshrl.u32 v13, $0x14;
	v13 =	vshrl.u32 v14, $0x6;
	v8 =	vand.u32 $0x7FF, v12  }
0x22b: {  	v12 =	vand.u32 $0x7FF, v18;
	v18 =	vand.u32 $0x3FF0, v16;
	v16 =	vand.u32 $0x3FF0, v20  }
0x22c: {  	v5 =	vshrl.u32 v10, $0x6;
	v10 =	vshrl.u32 v14, $0x14;
	v11 =	vand.u32 $0x7FF, v15  }
0x22d: {  	v14 =	vand.u32 $0x3FF0, v13;
	v13 =	vand.u32 $0x7FF, v9;
	v9 =	vand.u32 $0x7FF, v23  }
0x22e: {  	s21 =	simm.s32 $0x0;
	s22 =	simm.s32 $0xC0;
	v15 =	vand.u32 $0x3FF0, v21;
	v17 =	vand.u32 $0x7FF, v10;
	v10 =	vand.u32 $0x7FF, v22;
	[tilespmem:v19+s15+$0x0] =	vst.idx.add.s32.msk vm15, v2  }
.LBB2_28:
0x22f: {  	v19 =	vld [tilespmem:s22+$0x30];
	s21 =	sadd.s32 $0x8, s21;
	v6 =	vand.u32 $0x3FF0, v6;
	v5 =	vand.u32 $0x3FF0, v5;
	v7 =	vand.u32 $0x3FF0, v7  }
0x230: {  	vm6 =	veq.s32 v17, v4;
	vm5 =	veq.s32 v8, v4;
	vm4 =	veq.s32 v11, v4;
	v20 =	vld [tilespmem:s22+$0xFFFFFFD0];
	p0 =	slt.u32 s21, $0x928  }
0x231: {  	vm3 =	veq.s32 v12, v4;
	vm2 =	veq.s32 v10, v4;
	vm1 =	veq.s32 v13, v4;
	v8 =	vld [tilespmem:s22+$0xFFFFFFE0]  }
0x232: {  	v11 =	vor.u32 v1, v14;
	v12 =	vor.u32 v1, v18;
	vm0 =	veq.s32 v9, v4;
	v10 =	vld [tilespmem:s22+$0xFFFFFFF0]  }
0x233: {  	v13 =	vor.u32 v1, v16;
	v14 =	vor.u32 v1, v15;
	v15 =	vor.u32 v1, v6;
	v9 =	vld [tilespmem:s22+$0x0]  }
0x234: {  	v18 =	vor.u32 v1, v5;
	v21 =	vor.u32 v1, v7;
	v16 =	vld [tilespmem:s22+$0x10];
	v6 =	vshrl.u32 v19, $0x14  }
0x235: {  	v5 =	vshrl.u32 v19, $0x6;
	v7 =	vshrl.u32 v20, $0x14;
	v17 =	vld [tilespmem:s22+$0x20];
	v6 =	vand.u32 $0x7FF, v6  }
0x236: {  	v5 =	vand.u32 $0x3FF0, v5;
	v19 =	vld [tilespmem:s22+$0xFFFFFFC0];
	v22 =	vshrl.u32 v8, $0x14;
	vm7 =	veq.s32 v6, v4  }
0x237: {  	v20 =	vshrl.u32 v20, $0x6;
	v24 =	vor.u32 v1, v5;
	v23 =	vshrl.u32 v10, $0x14;
	[tilespmem:v11+s15+$0x0] =	vst.idx.add.s32.msk vm6, v2  }
0x238: {  	v25 =	vshrl.u32 v8, $0x6;
	v26 =	vshrl.u32 v10, $0x6;
	v10 =	vshrl.u32 v9, $0x14;
	[tilespmem:v12+s15+$0x0] =	vst.idx.add.s32.msk vm5, v2  }
0x239: {  	v6 =	vshrl.u32 v9, $0x6;
	v5 =	vshrl.u32 v16, $0x6;
	v9 =	vshrl.u32 v16, $0x14;
	[tilespmem:v13+s15+$0x0] =	vst.idx.add.s32.msk vm4, v2  }
.Ltmp13:
0x23a: {  	v8 =	vand.u32 $0x7FF, v7;
	v7 =	vshrl.u32 v17, $0x6;
	v16 =	vshrl.u32 v17, $0x14;
	[tilespmem:v14+s15+$0x0] =	vst.idx.add.s32.msk vm3, v2;
	(pc) =	sbr.rel @p0 .LBB2_28-.Ltmp13, $4  }
0x23b: {  	v11 =	vand.u32 $0x7FF, v22;
	v13 =	vshrl.u32 v19, $0x6;
	v12 =	vshrl.u32 v19, $0x14;
	[tilespmem:v15+s15+$0x0] =	vst.idx.add.s32.msk vm2, v2  }
0x23c: {  	v10 =	vand.u32 $0x7FF, v10;
	v17 =	vand.u32 $0x7FF, v12;
	v12 =	vand.u32 $0x7FF, v23;
	[tilespmem:v24+s15+$0x0] =	vst.idx.add.s32.msk vm7, v2  }
0x23d: {  	v14 =	vand.u32 $0x3FF0, v13;
	v13 =	vand.u32 $0x7FF, v9;
	v9 =	vand.u32 $0x7FF, v16;
	[tilespmem:v18+s15+$0x0] =	vst.idx.add.s32.msk vm1, v2  }
0x23e: {  	s22 =	sadd.s32 $0x80, s22;
	v15 =	vand.u32 $0x3FF0, v26;
	v16 =	vand.u32 $0x3FF0, v25;
	v18 =	vand.u32 $0x3FF0, v20;
	[tilespmem:v21+s15+$0x0] =	vst.idx.add.s32.msk vm0, v2  }
0x23f: {  	vm0 =	veq.s32 v17, v4  }
0x240: {  	vm1 =	veq.s32 v8, v4;
	v8 =	vor.u32 v1, v14  }
0x241: {  	vm2 =	veq.s32 v11, v4;
	v11 =	vor.u32 v1, v18  }
0x242: {  	vm3 =	veq.s32 v12, v4;
	v12 =	vor.u32 v1, v16  }
0x243: {  	v6 =	vand.u32 $0x3FF0, v6;
	vm4 =	veq.s32 v10, v4;
	v10 =	vor.u32 v1, v15  }
0x244: {  	v5 =	vand.u32 $0x3FF0, v5;
	vm5 =	veq.s32 v13, v4;
	v6 =	vor.u32 v1, v6  }
0x245: {  	v7 =	vand.u32 $0x3FF0, v7;
	vm6 =	veq.s32 v9, v4;
	v5 =	vor.u32 v1, v5;
	[tilespmem:v8+s15+$0x0] =	vst.idx.add.s32.msk vm0, v2  }
0x246: {  	v7 =	vor.u32 v1, v7;
	[tilespmem:v11+s15+$0x0] =	vst.idx.add.s32.msk vm1, v2  }
0x247: {  	[tilespmem:v12+s15+$0x0] =	vst.idx.add.s32.msk vm2, v2  }
0x248: {  	[tilespmem:v10+s15+$0x0] =	vst.idx.add.s32.msk vm3, v2  }
0x249: {  	[tilespmem:v6+s15+$0x0] =	vst.idx.add.s32.msk vm4, v2  }
0x24a: {  	[tilespmem:v5+s15+$0x0] =	vst.idx.add.s32.msk vm5, v2  }
0x24b: {  	[tilespmem:v7+s15+$0x0] =	vst.idx.add.s32.msk vm6, v2  }
0x24c: {  	_ =	swait.ge [sflag:s13], $0x9300  }
0x24d: {  	[sflag:s13] =	ssyncset.done $0x0  }
0x24e: {  	s1 =	simm.s32 $0x9340;
	[sflag:s13] =	ssyncadd.s32 $0xFFFF6D00  }
0x24f: {  	[tilespmem:s2], [sflag:$0x1] =	stream.linear.gather [hbm4b:s7+s2], $0x9300, $0x38;
	[tilespmem:$0x1A680] =	vst v63  }
0x250: {  	v5 =	vld [tilespmem:s1+$0x30]  }
0x251: {  	v6 =	vld [tilespmem:s1+$0xFFFFFFD0]  }
0x252: {  	v7 =	vld [tilespmem:s1+$0xFFFFFFE0]  }
0x253: {  	v8 =	vld [tilespmem:s1+$0xFFFFFFF0]  }
0x254: {  	v9 =	vld [tilespmem:s1+$0x0]  }
0x255: {  	v10 =	vld [tilespmem:s1+$0x10]  }
0x256: {  	v13 =	vld [tilespmem:s1+$0x20];
	v11 =	vshrl.u32 v5, $0x14  }
0x257: {  	v14 =	vld [tilespmem:s1+$0xFFFFFFC0];
	v12 =	vshrl.u32 v6, $0x14;
	v5 =	vshrl.u32 v5, $0x6;
	v15 =	vshrl.u32 v7, $0x14  }
0x258: {  	v16 =	vshrl.u32 v6, $0x6;
	v18 =	vshrl.u32 v8, $0x14;
	v20 =	vshrl.u32 v7, $0x6  }
0x259: {  	v21 =	vshrl.u32 v8, $0x6;
	v22 =	vshrl.u32 v9, $0x14;
	v11 =	vand.u32 $0x7FF, v11  }
0x25a: {  	v6 =	vshrl.u32 v9, $0x6;
	v5 =	vand.u32 $0x3FF0, v5;
	vm15 =	veq.s32 v11, v4  }
0x25b: {  	v9 =	vshrl.u32 v10, $0x14;
	v7 =	vshrl.u32 v13, $0x6;
	v19 =	vor.u32 v1, v5  }
0x25c: {  	v23 =	vshrl.u32 v13, $0x14;
	v13 =	vshrl.u32 v14, $0x6;
	v8 =	vand.u32 $0x7FF, v12  }
0x25d: {  	v12 =	vand.u32 $0x7FF, v18;
	v18 =	vand.u32 $0x3FF0, v16;
	v16 =	vand.u32 $0x3FF0, v20  }
0x25e: {  	v5 =	vshrl.u32 v10, $0x6;
	v10 =	vshrl.u32 v14, $0x14;
	v11 =	vand.u32 $0x7FF, v15  }
0x25f: {  	v14 =	vand.u32 $0x3FF0, v13;
	v13 =	vand.u32 $0x7FF, v9;
	v9 =	vand.u32 $0x7FF, v23  }
0x260: {  	s21 =	simm.s32 $0x0;
	s22 =	simm.s32 $0x93C0;
	v15 =	vand.u32 $0x3FF0, v21;
	v17 =	vand.u32 $0x7FF, v10;
	v10 =	vand.u32 $0x7FF, v22;
	[tilespmem:v19+s15+$0x0] =	vst.idx.add.s32.msk vm15, v2  }
.LBB2_30:
0x261: {  	v19 =	vld [tilespmem:s22+$0x30];
	s21 =	sadd.s32 $0x8, s21;
	v6 =	vand.u32 $0x3FF0, v6;
	v5 =	vand.u32 $0x3FF0, v5;
	v7 =	vand.u32 $0x3FF0, v7  }
0x262: {  	vm6 =	veq.s32 v17, v4;
	vm5 =	veq.s32 v8, v4;
	vm4 =	veq.s32 v11, v4;
	v20 =	vld [tilespmem:s22+$0xFFFFFFD0];
	p0 =	slt.u32 s21, $0x928  }
0x263: {  	vm3 =	veq.s32 v12, v4;
	vm2 =	veq.s32 v10, v4;
	vm1 =	veq.s32 v13, v4;
	v8 =	vld [tilespmem:s22+$0xFFFFFFE0]  }
0x264: {  	v11 =	vor.u32 v1, v14;
	v12 =	vor.u32 v1, v18;
	vm0 =	veq.s32 v9, v4;
	v10 =	vld [tilespmem:s22+$0xFFFFFFF0]  }
0x265: {  	v13 =	vor.u32 v1, v16;
	v14 =	vor.u32 v1, v15;
	v15 =	vor.u32 v1, v6;
	v9 =	vld [tilespmem:s22+$0x0]  }
0x266: {  	v18 =	vor.u32 v1, v5;
	v21 =	vor.u32 v1, v7;
	v16 =	vld [tilespmem:s22+$0x10];
	v6 =	vshrl.u32 v19, $0x14  }
0x267: {  	v5 =	vshrl.u32 v19, $0x6;
	v7 =	vshrl.u32 v20, $0x14;
	v17 =	vld [tilespmem:s22+$0x20];
	v6 =	vand.u32 $0x7FF, v6  }
0x268: {  	v5 =	vand.u32 $0x3FF0, v5;
	v19 =	vld [tilespmem:s22+$0xFFFFFFC0];
	v22 =	vshrl.u32 v8, $0x14;
	vm7 =	veq.s32 v6, v4  }
0x269: {  	v20 =	vshrl.u32 v20, $0x6;
	v24 =	vor.u32 v1, v5;
	v23 =	vshrl.u32 v10, $0x14;
	[tilespmem:v11+s15+$0x0] =	vst.idx.add.s32.msk vm6, v2  }
0x26a: {  	v25 =	vshrl.u32 v8, $0x6;
	v26 =	vshrl.u32 v10, $0x6;
	v10 =	vshrl.u32 v9, $0x14;
	[tilespmem:v12+s15+$0x0] =	vst.idx.add.s32.msk vm5, v2  }
0x26b: {  	v6 =	vshrl.u32 v9, $0x6;
	v5 =	vshrl.u32 v16, $0x6;
	v9 =	vshrl.u32 v16, $0x14;
	[tilespmem:v13+s15+$0x0] =	vst.idx.add.s32.msk vm4, v2  }
.Ltmp14:
0x26c: {  	v8 =	vand.u32 $0x7FF, v7;
	v7 =	vshrl.u32 v17, $0x6;
	v16 =	vshrl.u32 v17, $0x14;
	[tilespmem:v14+s15+$0x0] =	vst.idx.add.s32.msk vm3, v2;
	(pc) =	sbr.rel @p0 .LBB2_30-.Ltmp14, $4  }
0x26d: {  	v11 =	vand.u32 $0x7FF, v22;
	v13 =	vshrl.u32 v19, $0x6;
	v12 =	vshrl.u32 v19, $0x14;
	[tilespmem:v15+s15+$0x0] =	vst.idx.add.s32.msk vm2, v2  }
0x26e: {  	v10 =	vand.u32 $0x7FF, v10;
	v17 =	vand.u32 $0x7FF, v12;
	v12 =	vand.u32 $0x7FF, v23;
	[tilespmem:v24+s15+$0x0] =	vst.idx.add.s32.msk vm7, v2  }
0x26f: {  	v14 =	vand.u32 $0x3FF0, v13;
	v13 =	vand.u32 $0x7FF, v9;
	v9 =	vand.u32 $0x7FF, v16;
	[tilespmem:v18+s15+$0x0] =	vst.idx.add.s32.msk vm1, v2  }
0x270: {  	s22 =	sadd.s32 $0x80, s22;
	v15 =	vand.u32 $0x3FF0, v26;
	v16 =	vand.u32 $0x3FF0, v25;
	v18 =	vand.u32 $0x3FF0, v20;
	[tilespmem:v21+s15+$0x0] =	vst.idx.add.s32.msk vm0, v2  }
0x271: {  	vm0 =	veq.s32 v17, v4  }
0x272: {  	vm1 =	veq.s32 v8, v4;
	v8 =	vor.u32 v1, v14  }
0x273: {  	vm2 =	veq.s32 v11, v4;
	v11 =	vor.u32 v1, v18  }
0x274: {  	vm3 =	veq.s32 v12, v4;
	v12 =	vor.u32 v1, v16  }
0x275: {  	v6 =	vand.u32 $0x3FF0, v6;
	vm4 =	veq.s32 v10, v4;
	v10 =	vor.u32 v1, v15  }
0x276: {  	v5 =	vand.u32 $0x3FF0, v5;
	vm5 =	veq.s32 v13, v4;
	v6 =	vor.u32 v1, v6  }
0x277: {  	v7 =	vand.u32 $0x3FF0, v7;
	vm6 =	veq.s32 v9, v4;
	v5 =	vor.u32 v1, v5;
	[tilespmem:v8+s15+$0x0] =	vst.idx.add.s32.msk vm0, v2  }
0x278: {  	v7 =	vor.u32 v1, v7;
	[tilespmem:v11+s15+$0x0] =	vst.idx.add.s32.msk vm1, v2  }
0x279: {  	[tilespmem:v12+s15+$0x0] =	vst.idx.add.s32.msk vm2, v2  }
0x27a: {  	[tilespmem:v10+s15+$0x0] =	vst.idx.add.s32.msk vm3, v2  }
0x27b: {  	[tilespmem:v6+s15+$0x0] =	vst.idx.add.s32.msk vm4, v2  }
0x27c: {  	[tilespmem:v5+s15+$0x0] =	vst.idx.add.s32.msk vm5, v2  }
0x27d: {  	[tilespmem:v7+s15+$0x0] =	vst.idx.add.s32.msk vm6, v2  }
0x27e: {  	_ =	swait.ge [sflag:s13], $0x9300  }
0x27f: {  	[sflag:s13] =	ssyncset.done $0x0  }
0x280: {  	s1 =	simm.s32 $0x40;
	[sflag:s13] =	ssyncadd.s32 $0xFFFF6D00  }
0x281: {  	[tilespmem:s14], [sflag:$0x1] =	stream.linear.gather [hbm4b:s8+s2], $0x9300, $0x38;
	[tilespmem:$0x1A680] =	vst v63  }
0x282: {  	v5 =	vld [tilespmem:s1+$0x30]  }
0x283: {  	v6 =	vld [tilespmem:s1+$0xFFFFFFD0]  }
0x284: {  	v7 =	vld [tilespmem:s1+$0xFFFFFFE0]  }
0x285: {  	v8 =	vld [tilespmem:s1+$0xFFFFFFF0]  }
0x286: {  	v9 =	vld [tilespmem:s1+$0x0]  }
0x287: {  	v10 =	vld [tilespmem:s1+$0x10]  }
0x288: {  	v13 =	vld [tilespmem:s1+$0x20];
	v11 =	vshrl.u32 v5, $0x14  }
0x289: {  	v14 =	vld [tilespmem:s1+$0xFFFFFFC0];
	v12 =	vshrl.u32 v6, $0x14;
	v5 =	vshrl.u32 v5, $0x6;
	v15 =	vshrl.u32 v7, $0x14  }
0x28a: {  	v16 =	vshrl.u32 v6, $0x6;
	v18 =	vshrl.u32 v8, $0x14;
	v20 =	vshrl.u32 v7, $0x6  }
0x28b: {  	v21 =	vshrl.u32 v8, $0x6;
	v22 =	vshrl.u32 v9, $0x14;
	v11 =	vand.u32 $0x7FF, v11  }
0x28c: {  	v6 =	vshrl.u32 v9, $0x6;
	v5 =	vand.u32 $0x3FF0, v5;
	vm15 =	veq.s32 v11, v4  }
0x28d: {  	v9 =	vshrl.u32 v10, $0x14;
	v7 =	vshrl.u32 v13, $0x6;
	v19 =	vor.u32 v1, v5  }
0x28e: {  	v23 =	vshrl.u32 v13, $0x14;
	v13 =	vshrl.u32 v14, $0x6;
	v8 =	vand.u32 $0x7FF, v12  }
0x28f: {  	v12 =	vand.u32 $0x7FF, v18;
	v18 =	vand.u32 $0x3FF0, v16;
	v16 =	vand.u32 $0x3FF0, v20  }
0x290: {  	v5 =	vshrl.u32 v10, $0x6;
	v10 =	vshrl.u32 v14, $0x14;
	v11 =	vand.u32 $0x7FF, v15  }
0x291: {  	v14 =	vand.u32 $0x3FF0, v13;
	v13 =	vand.u32 $0x7FF, v9;
	v9 =	vand.u32 $0x7FF, v23  }
0x292: {  	s21 =	simm.s32 $0x0;
	s22 =	simm.s32 $0xC0;
	v15 =	vand.u32 $0x3FF0, v21;
	v17 =	vand.u32 $0x7FF, v10;
	v10 =	vand.u32 $0x7FF, v22;
	[tilespmem:v19+s15+$0x0] =	vst.idx.add.s32.msk vm15, v2  }
.LBB2_32:
0x293: {  	v19 =	vld [tilespmem:s22+$0x30];
	s21 =	sadd.s32 $0x8, s21;
	v6 =	vand.u32 $0x3FF0, v6;
	v5 =	vand.u32 $0x3FF0, v5;
	v7 =	vand.u32 $0x3FF0, v7  }
0x294: {  	vm6 =	veq.s32 v17, v4;
	vm5 =	veq.s32 v8, v4;
	vm4 =	veq.s32 v11, v4;
	v20 =	vld [tilespmem:s22+$0xFFFFFFD0];
	p0 =	slt.u32 s21, $0x928  }
0x295: {  	vm3 =	veq.s32 v12, v4;
	vm2 =	veq.s32 v10, v4;
	vm1 =	veq.s32 v13, v4;
	v8 =	vld [tilespmem:s22+$0xFFFFFFE0]  }
0x296: {  	v11 =	vor.u32 v1, v14;
	v12 =	vor.u32 v1, v18;
	vm0 =	veq.s32 v9, v4;
	v10 =	vld [tilespmem:s22+$0xFFFFFFF0]  }
0x297: {  	v13 =	vor.u32 v1, v16;
	v14 =	vor.u32 v1, v15;
	v15 =	vor.u32 v1, v6;
	v9 =	vld [tilespmem:s22+$0x0]  }
0x298: {  	v18 =	vor.u32 v1, v5;
	v21 =	vor.u32 v1, v7;
	v16 =	vld [tilespmem:s22+$0x10];
	v6 =	vshrl.u32 v19, $0x14  }
0x299: {  	v5 =	vshrl.u32 v19, $0x6;
	v7 =	vshrl.u32 v20, $0x14;
	v17 =	vld [tilespmem:s22+$0x20];
	v6 =	vand.u32 $0x7FF, v6  }
0x29a: {  	v5 =	vand.u32 $0x3FF0, v5;
	v19 =	vld [tilespmem:s22+$0xFFFFFFC0];
	v22 =	vshrl.u32 v8, $0x14;
	vm7 =	veq.s32 v6, v4  }
0x29b: {  	v20 =	vshrl.u32 v20, $0x6;
	v24 =	vor.u32 v1, v5;
	v23 =	vshrl.u32 v10, $0x14;
	[tilespmem:v11+s15+$0x0] =	vst.idx.add.s32.msk vm6, v2  }
0x29c: {  	v25 =	vshrl.u32 v8, $0x6;
	v26 =	vshrl.u32 v10, $0x6;
	v10 =	vshrl.u32 v9, $0x14;
	[tilespmem:v12+s15+$0x0] =	vst.idx.add.s32.msk vm5, v2  }
0x29d: {  	v6 =	vshrl.u32 v9, $0x6;
	v5 =	vshrl.u32 v16, $0x6;
	v9 =	vshrl.u32 v16, $0x14;
	[tilespmem:v13+s15+$0x0] =	vst.idx.add.s32.msk vm4, v2  }
.Ltmp15:
0x29e: {  	v8 =	vand.u32 $0x7FF, v7;
	v7 =	vshrl.u32 v17, $0x6;
	v16 =	vshrl.u32 v17, $0x14;
	[tilespmem:v14+s15+$0x0] =	vst.idx.add.s32.msk vm3, v2;
	(pc) =	sbr.rel @p0 .LBB2_32-.Ltmp15, $4  }
0x29f: {  	v11 =	vand.u32 $0x7FF, v22;
	v13 =	vshrl.u32 v19, $0x6;
	v12 =	vshrl.u32 v19, $0x14;
	[tilespmem:v15+s15+$0x0] =	vst.idx.add.s32.msk vm2, v2  }
0x2a0: {  	v10 =	vand.u32 $0x7FF, v10;
	v17 =	vand.u32 $0x7FF, v12;
	v12 =	vand.u32 $0x7FF, v23;
	[tilespmem:v24+s15+$0x0] =	vst.idx.add.s32.msk vm7, v2  }
0x2a1: {  	v14 =	vand.u32 $0x3FF0, v13;
	v13 =	vand.u32 $0x7FF, v9;
	v9 =	vand.u32 $0x7FF, v16;
	[tilespmem:v18+s15+$0x0] =	vst.idx.add.s32.msk vm1, v2  }
0x2a2: {  	s22 =	sadd.s32 $0x80, s22;
	v15 =	vand.u32 $0x3FF0, v26;
	v16 =	vand.u32 $0x3FF0, v25;
	v18 =	vand.u32 $0x3FF0, v20;
	[tilespmem:v21+s15+$0x0] =	vst.idx.add.s32.msk vm0, v2  }
0x2a3: {  	vm0 =	veq.s32 v17, v4  }
0x2a4: {  	vm1 =	veq.s32 v8, v4;
	v8 =	vor.u32 v1, v14  }
0x2a5: {  	vm2 =	veq.s32 v11, v4;
	v11 =	vor.u32 v1, v18  }
0x2a6: {  	vm3 =	veq.s32 v12, v4;
	v12 =	vor.u32 v1, v16  }
0x2a7: {  	v6 =	vand.u32 $0x3FF0, v6;
	vm4 =	veq.s32 v10, v4;
	v10 =	vor.u32 v1, v15  }
0x2a8: {  	v5 =	vand.u32 $0x3FF0, v5;
	vm5 =	veq.s32 v13, v4;
	v6 =	vor.u32 v1, v6  }
0x2a9: {  	v7 =	vand.u32 $0x3FF0, v7;
	vm6 =	veq.s32 v9, v4;
	v5 =	vor.u32 v1, v5;
	[tilespmem:v8+s15+$0x0] =	vst.idx.add.s32.msk vm0, v2  }
0x2aa: {  	v7 =	vor.u32 v1, v7;
	[tilespmem:v11+s15+$0x0] =	vst.idx.add.s32.msk vm1, v2  }
0x2ab: {  	[tilespmem:v12+s15+$0x0] =	vst.idx.add.s32.msk vm2, v2  }
0x2ac: {  	[tilespmem:v10+s15+$0x0] =	vst.idx.add.s32.msk vm3, v2  }
0x2ad: {  	[tilespmem:v6+s15+$0x0] =	vst.idx.add.s32.msk vm4, v2  }
0x2ae: {  	[tilespmem:v5+s15+$0x0] =	vst.idx.add.s32.msk vm5, v2  }
0x2af: {  	[tilespmem:v7+s15+$0x0] =	vst.idx.add.s32.msk vm6, v2  }
0x2b0: {  	_ =	swait.ge [sflag:s13], $0x9300  }
0x2b1: {  	[sflag:s13] =	ssyncset.done $0x0  }
0x2b2: {  	s1 =	simm.s32 $0x9340;
	[sflag:s13] =	ssyncadd.s32 $0xFFFF6D00  }
0x2b3: {  	[tilespmem:s2], [sflag:$0x1] =	stream.linear.gather [hbm4b:s9+s2], $0x9300, $0x38;
	[tilespmem:$0x1A680] =	vst v63  }
0x2b4: {  	v5 =	vld [tilespmem:s1+$0x30]  }
0x2b5: {  	v6 =	vld [tilespmem:s1+$0xFFFFFFD0]  }
0x2b6: {  	v7 =	vld [tilespmem:s1+$0xFFFFFFE0]  }
0x2b7: {  	v8 =	vld [tilespmem:s1+$0xFFFFFFF0]  }
0x2b8: {  	v9 =	vld [tilespmem:s1+$0x0]  }
0x2b9: {  	v10 =	vld [tilespmem:s1+$0x10]  }
0x2ba: {  	v13 =	vld [tilespmem:s1+$0x20];
	v11 =	vshrl.u32 v5, $0x14  }
0x2bb: {  	v14 =	vld [tilespmem:s1+$0xFFFFFFC0];
	v12 =	vshrl.u32 v6, $0x14;
	v5 =	vshrl.u32 v5, $0x6;
	v15 =	vshrl.u32 v7, $0x14  }
0x2bc: {  	v16 =	vshrl.u32 v6, $0x6;
	v18 =	vshrl.u32 v8, $0x14;
	v20 =	vshrl.u32 v7, $0x6  }
0x2bd: {  	v21 =	vshrl.u32 v8, $0x6;
	v22 =	vshrl.u32 v9, $0x14;
	v11 =	vand.u32 $0x7FF, v11  }
0x2be: {  	v6 =	vshrl.u32 v9, $0x6;
	v5 =	vand.u32 $0x3FF0, v5;
	vm15 =	veq.s32 v11, v4  }
0x2bf: {  	v9 =	vshrl.u32 v10, $0x14;
	v7 =	vshrl.u32 v13, $0x6;
	v19 =	vor.u32 v1, v5  }
0x2c0: {  	v23 =	vshrl.u32 v13, $0x14;
	v13 =	vshrl.u32 v14, $0x6;
	v8 =	vand.u32 $0x7FF, v12  }
0x2c1: {  	v12 =	vand.u32 $0x7FF, v18;
	v18 =	vand.u32 $0x3FF0, v16;
	v16 =	vand.u32 $0x3FF0, v20  }
0x2c2: {  	v5 =	vshrl.u32 v10, $0x6;
	v10 =	vshrl.u32 v14, $0x14;
	v11 =	vand.u32 $0x7FF, v15  }
0x2c3: {  	v14 =	vand.u32 $0x3FF0, v13;
	v13 =	vand.u32 $0x7FF, v9;
	v9 =	vand.u32 $0x7FF, v23  }
0x2c4: {  	s21 =	simm.s32 $0x0;
	s22 =	simm.s32 $0x93C0;
	v15 =	vand.u32 $0x3FF0, v21;
	v17 =	vand.u32 $0x7FF, v10;
	v10 =	vand.u32 $0x7FF, v22;
	[tilespmem:v19+s15+$0x0] =	vst.idx.add.s32.msk vm15, v2  }
.LBB2_34:
0x2c5: {  	v19 =	vld [tilespmem:s22+$0x30];
	s21 =	sadd.s32 $0x8, s21;
	v6 =	vand.u32 $0x3FF0, v6;
	v5 =	vand.u32 $0x3FF0, v5;
	v7 =	vand.u32 $0x3FF0, v7  }
0x2c6: {  	vm6 =	veq.s32 v17, v4;
	vm5 =	veq.s32 v8, v4;
	vm4 =	veq.s32 v11, v4;
	v20 =	vld [tilespmem:s22+$0xFFFFFFD0];
	p0 =	slt.u32 s21, $0x928  }
0x2c7: {  	vm3 =	veq.s32 v12, v4;
	vm2 =	veq.s32 v10, v4;
	vm1 =	veq.s32 v13, v4;
	v8 =	vld [tilespmem:s22+$0xFFFFFFE0]  }
0x2c8: {  	v11 =	vor.u32 v1, v14;
	v12 =	vor.u32 v1, v18;
	vm0 =	veq.s32 v9, v4;
	v10 =	vld [tilespmem:s22+$0xFFFFFFF0]  }
0x2c9: {  	v13 =	vor.u32 v1, v16;
	v14 =	vor.u32 v1, v15;
	v15 =	vor.u32 v1, v6;
	v9 =	vld [tilespmem:s22+$0x0]  }
0x2ca: {  	v18 =	vor.u32 v1, v5;
	v21 =	vor.u32 v1, v7;
	v16 =	vld [tilespmem:s22+$0x10];
	v6 =	vshrl.u32 v19, $0x14  }
0x2cb: {  	v5 =	vshrl.u32 v19, $0x6;
	v7 =	vshrl.u32 v20, $0x14;
	v17 =	vld [tilespmem:s22+$0x20];
	v6 =	vand.u32 $0x7FF, v6  }
0x2cc: {  	v5 =	vand.u32 $0x3FF0, v5;
	v19 =	vld [tilespmem:s22+$0xFFFFFFC0];
	v22 =	vshrl.u32 v8, $0x14;
	vm7 =	veq.s32 v6, v4  }
0x2cd: {  	v20 =	vshrl.u32 v20, $0x6;
	v24 =	vor.u32 v1, v5;
	v23 =	vshrl.u32 v10, $0x14;
	[tilespmem:v11+s15+$0x0] =	vst.idx.add.s32.msk vm6, v2  }
0x2ce: {  	v25 =	vshrl.u32 v8, $0x6;
	v26 =	vshrl.u32 v10, $0x6;
	v10 =	vshrl.u32 v9, $0x14;
	[tilespmem:v12+s15+$0x0] =	vst.idx.add.s32.msk vm5, v2  }
0x2cf: {  	v6 =	vshrl.u32 v9, $0x6;
	v5 =	vshrl.u32 v16, $0x6;
	v9 =	vshrl.u32 v16, $0x14;
	[tilespmem:v13+s15+$0x0] =	vst.idx.add.s32.msk vm4, v2  }
.Ltmp16:
0x2d0: {  	v8 =	vand.u32 $0x7FF, v7;
	v7 =	vshrl.u32 v17, $0x6;
	v16 =	vshrl.u32 v17, $0x14;
	[tilespmem:v14+s15+$0x0] =	vst.idx.add.s32.msk vm3, v2;
	(pc) =	sbr.rel @p0 .LBB2_34-.Ltmp16, $4  }
0x2d1: {  	v11 =	vand.u32 $0x7FF, v22;
	v13 =	vshrl.u32 v19, $0x6;
	v12 =	vshrl.u32 v19, $0x14;
	[tilespmem:v15+s15+$0x0] =	vst.idx.add.s32.msk vm2, v2  }
0x2d2: {  	v10 =	vand.u32 $0x7FF, v10;
	v17 =	vand.u32 $0x7FF, v12;
	v12 =	vand.u32 $0x7FF, v23;
	[tilespmem:v24+s15+$0x0] =	vst.idx.add.s32.msk vm7, v2  }
0x2d3: {  	v14 =	vand.u32 $0x3FF0, v13;
	v13 =	vand.u32 $0x7FF, v9;
	v9 =	vand.u32 $0x7FF, v16;
	[tilespmem:v18+s15+$0x0] =	vst.idx.add.s32.msk vm1, v2  }
0x2d4: {  	s22 =	sadd.s32 $0x80, s22;
	v15 =	vand.u32 $0x3FF0, v26;
	v16 =	vand.u32 $0x3FF0, v25;
	v18 =	vand.u32 $0x3FF0, v20;
	[tilespmem:v21+s15+$0x0] =	vst.idx.add.s32.msk vm0, v2  }
0x2d5: {  	vm0 =	veq.s32 v17, v4  }
0x2d6: {  	vm1 =	veq.s32 v8, v4;
	v8 =	vor.u32 v1, v14  }
0x2d7: {  	vm2 =	veq.s32 v11, v4;
	v11 =	vor.u32 v1, v18  }
0x2d8: {  	vm3 =	veq.s32 v12, v4;
	v12 =	vor.u32 v1, v16  }
0x2d9: {  	v6 =	vand.u32 $0x3FF0, v6;
	vm4 =	veq.s32 v10, v4;
	v10 =	vor.u32 v1, v15  }
0x2da: {  	v5 =	vand.u32 $0x3FF0, v5;
	vm5 =	veq.s32 v13, v4;
	v6 =	vor.u32 v1, v6  }
0x2db: {  	v7 =	vand.u32 $0x3FF0, v7;
	vm6 =	veq.s32 v9, v4;
	v5 =	vor.u32 v1, v5;
	[tilespmem:v8+s15+$0x0] =	vst.idx.add.s32.msk vm0, v2  }
0x2dc: {  	v7 =	vor.u32 v1, v7;
	[tilespmem:v11+s15+$0x0] =	vst.idx.add.s32.msk vm1, v2  }
0x2dd: {  	[tilespmem:v12+s15+$0x0] =	vst.idx.add.s32.msk vm2, v2  }
0x2de: {  	[tilespmem:v10+s15+$0x0] =	vst.idx.add.s32.msk vm3, v2  }
0x2df: {  	[tilespmem:v6+s15+$0x0] =	vst.idx.add.s32.msk vm4, v2  }
0x2e0: {  	[tilespmem:v5+s15+$0x0] =	vst.idx.add.s32.msk vm5, v2  }
0x2e1: {  	[tilespmem:v7+s15+$0x0] =	vst.idx.add.s32.msk vm6, v2  }
0x2e2: {  	_ =	swait.ge [sflag:s13], $0x9300  }
0x2e3: {  	[sflag:s13] =	ssyncset.done $0x0  }
0x2e4: {  	s1 =	simm.s32 $0x40;
	[sflag:s13] =	ssyncadd.s32 $0xFFFF6D00  }
0x2e5: {  	[tilespmem:s14], [sflag:$0x1] =	stream.linear.gather [hbm4b:s10+s2], $0x9300, $0x38;
	[tilespmem:$0x1A680] =	vst v63  }
0x2e6: {  	v5 =	vld [tilespmem:s1+$0x30]  }
0x2e7: {  	v6 =	vld [tilespmem:s1+$0xFFFFFFD0]  }
0x2e8: {  	v7 =	vld [tilespmem:s1+$0xFFFFFFE0]  }
0x2e9: {  	v8 =	vld [tilespmem:s1+$0xFFFFFFF0]  }
0x2ea: {  	v9 =	vld [tilespmem:s1+$0x0]  }
0x2eb: {  	v10 =	vld [tilespmem:s1+$0x10]  }
0x2ec: {  	v13 =	vld [tilespmem:s1+$0x20];
	v11 =	vshrl.u32 v5, $0x14  }
0x2ed: {  	v14 =	vld [tilespmem:s1+$0xFFFFFFC0];
	v12 =	vshrl.u32 v6, $0x14;
	v5 =	vshrl.u32 v5, $0x6;
	v15 =	vshrl.u32 v7, $0x14  }
0x2ee: {  	v16 =	vshrl.u32 v6, $0x6;
	v18 =	vshrl.u32 v8, $0x14;
	v20 =	vshrl.u32 v7, $0x6  }
0x2ef: {  	v21 =	vshrl.u32 v8, $0x6;
	v22 =	vshrl.u32 v9, $0x14;
	v11 =	vand.u32 $0x7FF, v11  }
0x2f0: {  	v6 =	vshrl.u32 v9, $0x6;
	v5 =	vand.u32 $0x3FF0, v5;
	vm15 =	veq.s32 v11, v4  }
0x2f1: {  	v9 =	vshrl.u32 v10, $0x14;
	v7 =	vshrl.u32 v13, $0x6;
	v19 =	vor.u32 v1, v5  }
0x2f2: {  	v23 =	vshrl.u32 v13, $0x14;
	v13 =	vshrl.u32 v14, $0x6;
	v8 =	vand.u32 $0x7FF, v12  }
0x2f3: {  	v12 =	vand.u32 $0x7FF, v18;
	v18 =	vand.u32 $0x3FF0, v16;
	v16 =	vand.u32 $0x3FF0, v20  }
0x2f4: {  	v5 =	vshrl.u32 v10, $0x6;
	v10 =	vshrl.u32 v14, $0x14;
	v11 =	vand.u32 $0x7FF, v15  }
0x2f5: {  	v14 =	vand.u32 $0x3FF0, v13;
	v13 =	vand.u32 $0x7FF, v9;
	v9 =	vand.u32 $0x7FF, v23  }
0x2f6: {  	s21 =	simm.s32 $0x0;
	s22 =	simm.s32 $0xC0;
	v15 =	vand.u32 $0x3FF0, v21;
	v17 =	vand.u32 $0x7FF, v10;
	v10 =	vand.u32 $0x7FF, v22;
	[tilespmem:v19+s15+$0x0] =	vst.idx.add.s32.msk vm15, v2  }
.LBB2_36:
0x2f7: {  	v19 =	vld [tilespmem:s22+$0x30];
	s21 =	sadd.s32 $0x8, s21;
	v6 =	vand.u32 $0x3FF0, v6;
	v5 =	vand.u32 $0x3FF0, v5;
	v7 =	vand.u32 $0x3FF0, v7  }
0x2f8: {  	vm6 =	veq.s32 v17, v4;
	vm5 =	veq.s32 v8, v4;
	vm4 =	veq.s32 v11, v4;
	v20 =	vld [tilespmem:s22+$0xFFFFFFD0];
	p0 =	slt.u32 s21, $0x928  }
0x2f9: {  	vm3 =	veq.s32 v12, v4;
	vm2 =	veq.s32 v10, v4;
	vm1 =	veq.s32 v13, v4;
	v8 =	vld [tilespmem:s22+$0xFFFFFFE0]  }
0x2fa: {  	v11 =	vor.u32 v1, v14;
	v12 =	vor.u32 v1, v18;
	vm0 =	veq.s32 v9, v4;
	v10 =	vld [tilespmem:s22+$0xFFFFFFF0]  }
0x2fb: {  	v13 =	vor.u32 v1, v16;
	v14 =	vor.u32 v1, v15;
	v15 =	vor.u32 v1, v6;
	v9 =	vld [tilespmem:s22+$0x0]  }
0x2fc: {  	v18 =	vor.u32 v1, v5;
	v21 =	vor.u32 v1, v7;
	v16 =	vld [tilespmem:s22+$0x10];
	v6 =	vshrl.u32 v19, $0x14  }
0x2fd: {  	v5 =	vshrl.u32 v19, $0x6;
	v7 =	vshrl.u32 v20, $0x14;
	v17 =	vld [tilespmem:s22+$0x20];
	v6 =	vand.u32 $0x7FF, v6  }
0x2fe: {  	v5 =	vand.u32 $0x3FF0, v5;
	v19 =	vld [tilespmem:s22+$0xFFFFFFC0];
	v22 =	vshrl.u32 v8, $0x14;
	vm7 =	veq.s32 v6, v4  }
0x2ff: {  	v20 =	vshrl.u32 v20, $0x6;
	v24 =	vor.u32 v1, v5;
	v23 =	vshrl.u32 v10, $0x14;
	[tilespmem:v11+s15+$0x0] =	vst.idx.add.s32.msk vm6, v2  }
0x300: {  	v25 =	vshrl.u32 v8, $0x6;
	v26 =	vshrl.u32 v10, $0x6;
	v10 =	vshrl.u32 v9, $0x14;
	[tilespmem:v12+s15+$0x0] =	vst.idx.add.s32.msk vm5, v2  }
0x301: {  	v6 =	vshrl.u32 v9, $0x6;
	v5 =	vshrl.u32 v16, $0x6;
	v9 =	vshrl.u32 v16, $0x14;
	[tilespmem:v13+s15+$0x0] =	vst.idx.add.s32.msk vm4, v2  }
.Ltmp17:
0x302: {  	v8 =	vand.u32 $0x7FF, v7;
	v7 =	vshrl.u32 v17, $0x6;
	v16 =	vshrl.u32 v17, $0x14;
	[tilespmem:v14+s15+$0x0] =	vst.idx.add.s32.msk vm3, v2;
	(pc) =	sbr.rel @p0 .LBB2_36-.Ltmp17, $4  }
0x303: {  	v11 =	vand.u32 $0x7FF, v22;
	v13 =	vshrl.u32 v19, $0x6;
	v12 =	vshrl.u32 v19, $0x14;
	[tilespmem:v15+s15+$0x0] =	vst.idx.add.s32.msk vm2, v2  }
0x304: {  	v10 =	vand.u32 $0x7FF, v10;
	v17 =	vand.u32 $0x7FF, v12;
	v12 =	vand.u32 $0x7FF, v23;
	[tilespmem:v24+s15+$0x0] =	vst.idx.add.s32.msk vm7, v2  }
0x305: {  	v14 =	vand.u32 $0x3FF0, v13;
	v13 =	vand.u32 $0x7FF, v9;
	v9 =	vand.u32 $0x7FF, v16;
	[tilespmem:v18+s15+$0x0] =	vst.idx.add.s32.msk vm1, v2  }
0x306: {  	s22 =	sadd.s32 $0x80, s22;
	v15 =	vand.u32 $0x3FF0, v26;
	v16 =	vand.u32 $0x3FF0, v25;
	v18 =	vand.u32 $0x3FF0, v20;
	[tilespmem:v21+s15+$0x0] =	vst.idx.add.s32.msk vm0, v2  }
0x307: {  	vm0 =	veq.s32 v17, v4  }
0x308: {  	vm1 =	veq.s32 v8, v4;
	v8 =	vor.u32 v1, v14  }
0x309: {  	vm2 =	veq.s32 v11, v4;
	v11 =	vor.u32 v1, v18  }
0x30a: {  	vm3 =	veq.s32 v12, v4;
	v12 =	vor.u32 v1, v16  }
0x30b: {  	v6 =	vand.u32 $0x3FF0, v6;
	vm4 =	veq.s32 v10, v4;
	v10 =	vor.u32 v1, v15  }
0x30c: {  	v5 =	vand.u32 $0x3FF0, v5;
	vm5 =	veq.s32 v13, v4;
	v6 =	vor.u32 v1, v6  }
0x30d: {  	v7 =	vand.u32 $0x3FF0, v7;
	vm6 =	veq.s32 v9, v4;
	v5 =	vor.u32 v1, v5;
	[tilespmem:v8+s15+$0x0] =	vst.idx.add.s32.msk vm0, v2  }
0x30e: {  	v7 =	vor.u32 v1, v7;
	[tilespmem:v11+s15+$0x0] =	vst.idx.add.s32.msk vm1, v2  }
0x30f: {  	[tilespmem:v12+s15+$0x0] =	vst.idx.add.s32.msk vm2, v2  }
0x310: {  	[tilespmem:v10+s15+$0x0] =	vst.idx.add.s32.msk vm3, v2  }
0x311: {  	[tilespmem:v6+s15+$0x0] =	vst.idx.add.s32.msk vm4, v2  }
0x312: {  	[tilespmem:v5+s15+$0x0] =	vst.idx.add.s32.msk vm5, v2  }
0x313: {  	[tilespmem:v7+s15+$0x0] =	vst.idx.add.s32.msk vm6, v2  }
0x314: {  	_ =	swait.ge [sflag:s13], $0x9300  }
0x315: {  	[sflag:s13] =	ssyncset.done $0x0  }
0x316: {  	s1 =	simm.s32 $0x9340;
	[sflag:s13] =	ssyncadd.s32 $0xFFFF6D00  }
0x317: {  	v5 =	vld [tilespmem:s1+$0x30]  }
0x318: {  	v6 =	vld [tilespmem:s1+$0xFFFFFFD0]  }
0x319: {  	v7 =	vld [tilespmem:s1+$0xFFFFFFE0]  }
0x31a: {  	v8 =	vld [tilespmem:s1+$0xFFFFFFF0]  }
0x31b: {  	v9 =	vld [tilespmem:s1+$0x0]  }
0x31c: {  	v10 =	vld [tilespmem:s1+$0x10]  }
0x31d: {  	v13 =	vld [tilespmem:s1+$0x20];
	v11 =	vshrl.u32 v5, $0x14  }
0x31e: {  	v14 =	vld [tilespmem:s1+$0xFFFFFFC0];
	v12 =	vshrl.u32 v6, $0x14;
	v5 =	vshrl.u32 v5, $0x6;
	v15 =	vshrl.u32 v7, $0x14  }
0x31f: {  	v16 =	vshrl.u32 v6, $0x6;
	v18 =	vshrl.u32 v8, $0x14;
	v20 =	vshrl.u32 v7, $0x6  }
0x320: {  	v21 =	vshrl.u32 v8, $0x6;
	v22 =	vshrl.u32 v9, $0x14;
	v11 =	vand.u32 $0x7FF, v11  }
0x321: {  	v6 =	vshrl.u32 v9, $0x6;
	v5 =	vand.u32 $0x3FF0, v5;
	vm15 =	veq.s32 v11, v4  }
0x322: {  	v9 =	vshrl.u32 v10, $0x14;
	v7 =	vshrl.u32 v13, $0x6;
	v19 =	vor.u32 v1, v5  }
0x323: {  	v23 =	vshrl.u32 v13, $0x14;
	v13 =	vshrl.u32 v14, $0x6;
	v8 =	vand.u32 $0x7FF, v12  }
0x324: {  	v12 =	vand.u32 $0x7FF, v18;
	v18 =	vand.u32 $0x3FF0, v16;
	v16 =	vand.u32 $0x3FF0, v20  }
0x325: {  	v5 =	vshrl.u32 v10, $0x6;
	v10 =	vshrl.u32 v14, $0x14;
	v11 =	vand.u32 $0x7FF, v15  }
0x326: {  	v14 =	vand.u32 $0x3FF0, v13;
	v13 =	vand.u32 $0x7FF, v9;
	v9 =	vand.u32 $0x7FF, v23  }
0x327: {  	s21 =	simm.s32 $0x0;
	s22 =	simm.s32 $0x93C0;
	v15 =	vand.u32 $0x3FF0, v21;
	v17 =	vand.u32 $0x7FF, v10;
	v10 =	vand.u32 $0x7FF, v22;
	[tilespmem:v19+s15+$0x0] =	vst.idx.add.s32.msk vm15, v2  }
.LBB2_38:
0x328: {  	v19 =	vld [tilespmem:s22+$0x30];
	s21 =	sadd.s32 $0x8, s21;
	v6 =	vand.u32 $0x3FF0, v6;
	v5 =	vand.u32 $0x3FF0, v5;
	v7 =	vand.u32 $0x3FF0, v7  }
0x329: {  	vm6 =	veq.s32 v17, v4;
	vm5 =	veq.s32 v8, v4;
	vm4 =	veq.s32 v11, v4;
	v20 =	vld [tilespmem:s22+$0xFFFFFFD0];
	p0 =	slt.u32 s21, $0x928  }
0x32a: {  	vm3 =	veq.s32 v12, v4;
	vm2 =	veq.s32 v10, v4;
	vm1 =	veq.s32 v13, v4;
	v8 =	vld [tilespmem:s22+$0xFFFFFFE0]  }
0x32b: {  	v11 =	vor.u32 v1, v14;
	v12 =	vor.u32 v1, v18;
	vm0 =	veq.s32 v9, v4;
	v10 =	vld [tilespmem:s22+$0xFFFFFFF0]  }
0x32c: {  	v13 =	vor.u32 v1, v16;
	v14 =	vor.u32 v1, v15;
	v15 =	vor.u32 v1, v6;
	v9 =	vld [tilespmem:s22+$0x0]  }
0x32d: {  	v18 =	vor.u32 v1, v5;
	v21 =	vor.u32 v1, v7;
	v16 =	vld [tilespmem:s22+$0x10];
	v6 =	vshrl.u32 v19, $0x14  }
0x32e: {  	v5 =	vshrl.u32 v19, $0x6;
	v7 =	vshrl.u32 v20, $0x14;
	v17 =	vld [tilespmem:s22+$0x20];
	v6 =	vand.u32 $0x7FF, v6  }
0x32f: {  	v5 =	vand.u32 $0x3FF0, v5;
	v19 =	vld [tilespmem:s22+$0xFFFFFFC0];
	v22 =	vshrl.u32 v8, $0x14;
	vm7 =	veq.s32 v6, v4  }
0x330: {  	v20 =	vshrl.u32 v20, $0x6;
	v24 =	vor.u32 v1, v5;
	v23 =	vshrl.u32 v10, $0x14;
	[tilespmem:v11+s15+$0x0] =	vst.idx.add.s32.msk vm6, v2  }
0x331: {  	v25 =	vshrl.u32 v8, $0x6;
	v26 =	vshrl.u32 v10, $0x6;
	v10 =	vshrl.u32 v9, $0x14;
	[tilespmem:v12+s15+$0x0] =	vst.idx.add.s32.msk vm5, v2  }
0x332: {  	v6 =	vshrl.u32 v9, $0x6;
	v5 =	vshrl.u32 v16, $0x6;
	v9 =	vshrl.u32 v16, $0x14;
	[tilespmem:v13+s15+$0x0] =	vst.idx.add.s32.msk vm4, v2  }
.Ltmp18:
0x333: {  	v8 =	vand.u32 $0x7FF, v7;
	v7 =	vshrl.u32 v17, $0x6;
	v16 =	vshrl.u32 v17, $0x14;
	[tilespmem:v14+s15+$0x0] =	vst.idx.add.s32.msk vm3, v2;
	(pc) =	sbr.rel @p0 .LBB2_38-.Ltmp18, $4  }
0x334: {  	v11 =	vand.u32 $0x7FF, v22;
	v13 =	vshrl.u32 v19, $0x6;
	v12 =	vshrl.u32 v19, $0x14;
	[tilespmem:v15+s15+$0x0] =	vst.idx.add.s32.msk vm2, v2  }
0x335: {  	v10 =	vand.u32 $0x7FF, v10;
	v17 =	vand.u32 $0x7FF, v12;
	v12 =	vand.u32 $0x7FF, v23;
	[tilespmem:v24+s15+$0x0] =	vst.idx.add.s32.msk vm7, v2  }
0x336: {  	v14 =	vand.u32 $0x3FF0, v13;
	v13 =	vand.u32 $0x7FF, v9;
	v9 =	vand.u32 $0x7FF, v16;
	[tilespmem:v18+s15+$0x0] =	vst.idx.add.s32.msk vm1, v2  }
0x337: {  	s22 =	sadd.s32 $0x80, s22;
	v15 =	vand.u32 $0x3FF0, v26;
	v16 =	vand.u32 $0x3FF0, v25;
	v18 =	vand.u32 $0x3FF0, v20;
	[tilespmem:v21+s15+$0x0] =	vst.idx.add.s32.msk vm0, v2  }
0x338: {  	vm0 =	veq.s32 v17, v4  }
0x339: {  	vm1 =	veq.s32 v8, v4;
	v60 =	vor.u32 v1, v14  }
0x33a: {  	vm2 =	veq.s32 v11, v4;
	v61 =	vor.u32 v1, v18  }
0x33b: {  	vm3 =	veq.s32 v12, v4;
	v62 =	vor.u32 v1, v16  }
0x33c: {  	v6 =	vand.u32 $0x3FF0, v6;
	vm4 =	veq.s32 v10, v4;
	v63 =	vor.u32 v1, v15  }
0x33d: {  	v5 =	vand.u32 $0x3FF0, v5;
	vm5 =	veq.s32 v13, v4;
	v6 =	vor.u32 v1, v6  }
0x33e: {  	v7 =	vand.u32 $0x3FF0, v7;
	vm6 =	veq.s32 v9, v4;
	v4 =	vor.u32 v1, v5;
	[tilespmem:v60+s15+$0x0] =	vst.idx.add.s32.msk vm0, v2  }
0x33f: {  	v5 =	vor.u32 v1, v7;
	[tilespmem:v61+s15+$0x0] =	vst.idx.add.s32.msk vm1, v2  }
0x340: {  	[tilespmem:v62+s15+$0x0] =	vst.idx.add.s32.msk vm2, v2  }
0x341: {  	[tilespmem:v63+s15+$0x0] =	vst.idx.add.s32.msk vm3, v2  }
0x342: {  	[tilespmem:v6+s15+$0x0] =	vst.idx.add.s32.msk vm4, v2  }
0x343: {  	[tilespmem:v4+s15+$0x0] =	vst.idx.add.s32.msk vm5, v2  }
0x344: {  	s1 =	simm.s32 $0x165F0;
	[tilespmem:v5+s15+$0x0] =	vst.idx.add.s32.msk vm6, v2  }
0x345: {  	v4 =	vld [tilespmem:s1+$0x0];
	_ =	sdelay $0x4  }
0x346: {  	(xrf0) =	vadd.scan.msk.s32 $0xffff, v4;
	_ =	sdelay $0x5  }
0x347: {  	v4, _, _ =	vpop (xrf0)  }
0x348: {  	(v2sf) =	vpush v4, $0xF;
	_ =	sdelay $0x1  }
0x349: {  	s22 =	simm.s32 $0x165E0  }
0x34a: {  	v4 =	vld [tilespmem:s22+$0x0];
	_ =	sdelay $0x2  }
0x34b: {  	s23 =	simm.s32 $0x165D0  }
0x34c: {  	v5 =	vld [tilespmem:s23+$0x0]  }
0x34d: {  	(xrf0) =	vadd.scan.msk.s32 $0xffff, v4;
	_ =	sdelay $0x3  }
0x34e: {  	(xrf0) =	vadd.scan.msk.s32 $0xffff, v5;
	_ =	sdelay $0x1  }
0x34f: {  	v5, _, _ =	vpop (xrf0)  }
0x350: {  	s25 =	spop (v2sf);
	(v2sf) =	vpush v5, $0xF  }
0x351: {  	s24 =	simm.s32 $0x165C0  }
0x352: {  	v4 =	vld [tilespmem:s24+$0x0]  }
0x353: {  	v5, _, _ =	vpop (xrf0)  }
0x354: {  	(v2sf) =	vpush v5, $0xF;
	_ =	sdelay $0x1  }
0x355: {  	s20 =	ssub.s32 $0x7599, s20  }
0x356: {  	s21 =	simm.s32 $0x0;
	s29 =	simm.s32 $0x3FF;
	s28 =	simm.s32 $0x3FE;
	(xrf0) =	vadd.scan.msk.s32 $0xffff, v4  }
0x357: {  	s26 =	simm.s32 $0x3FD;
	s31 =	simm.s32 $0x165B0;
	s23 =	sadd.s32 $0x0, s25  }
0x358: {  	p1 =	por $0x1, $0x1;
	s30 =	simm.s32 $0x0;
	v4 =	vld [tilespmem:s31+$0x0];
	p0 =	sge.s32 s23, s20  }
0x359: {  	s1 =	simm.s32 $0x3FA;
	s22 =	simm.s32 $0xFFFFFFFF;
	p0 =	por !p1, !p0  }
0x35a: {  	s24 =	simm.s32 $0x3FB;
	s25 =	simm.s32 $0x3FC;
	p0 =	por !p0, !p0  }
.LBB2_40:
0x35b: {  	p1 =	sne.s32 s1, $0x0;
	s22 =	smov.u32 @p0 s29;
	s21 =	smov.u32 @p0 s30  }
0x35c: {  	v5, _, _ =	vpop (xrf0);
	s29 =	smov.u32 s28;
	s28 =	smov.u32 s26;
	s26 =	smov.u32 s25  }
0x35d: {  	s25 =	smov.u32 s24;
	s24 =	smov.u32 s1;
	s1 =	sadd.s32 $0xFFFFFFFF, s1;
	(xrf0) =	vadd.scan.msk.s32 $0xffff, v4;
	(v2sf) =	vpush v5, $0xF  }
.Ltmp19:
0x35e: {  	s31 =	sadd.s32 $0xFFFFFFF0, s31;
	s0 =	spop (v2sf);
	(pc) =	sbr.rel @p1 .LBB2_40-.Ltmp19, $4  }
0x35f: {  	s30 =	smov.u32 s23;
	v4 =	vld [tilespmem:s31+$0x0];
	s23 =	sadd.s32 s23, s0  }
0x360: {  	p2 =	slt.s32 s22, $0x0;
	p0 =	sge.s32 s23, s20  }
0x361: {  	p0 =	por !p2, !p0  }
0x362: {  	p0 =	por !p0, !p0  }
0x363: {  	_ = 	snop  }
0x364: {  	(xrf0) =	vadd.scan.msk.s32 $0xffff, v4;
	_ =	sdelay $0x1  }
0x365: {  	v4, _, _ =	vpop (xrf0)  }
0x366: {  	(v2sf) =	vpush v4, $0xF;
	_ =	sdelay $0x2  }
0x367: {  	v4, _, _ =	vpop (xrf0)  }
0x368: {  	(v2sf) =	vpush v4, $0xF;
	_ =	sdelay $0x2  }
0x369: {  	s0 =	spop (v2sf)  }
0x36a: {  	s22 =	smov.u32 @p0 s29;
	s0 =	sadd.s32 s23, s0  }
0x36b: {  	p2 =	slt.s32 s22, $0x0;
	p1 =	sge.s32 s0, s20  }
0x36c: {  	p1 =	por !p2, !p1  }
0x36d: {  	p1 =	por !p1, !p1;
	s1 =	spop (v2sf)  }
0x36e: {  	s22 =	smov.u32 @p1 s28;
	s1 =	sadd.s32 s0, s1  }
0x36f: {  	p3 =	slt.s32 s22, $0x0;
	p5 =	sge.s32 s1, s20  }
0x370: {  	p2 =	por !p3, !p5  }
0x371: {  	p2 =	por !p2, !p2;
	s31 =	spop (v2sf)  }
0x372: {  	s22 =	smov.u32 @p2 s26;
	s26 =	sadd.s32 s1, s31  }
0x373: {  	p4 =	slt.s32 s22, $0x0;
	p6 =	sge.s32 s26, s20  }
0x374: {  	p3 =	por !p4, !p6  }
0x375: {  	p3 =	por !p3, !p3;
	s29 =	spop (v2sf)  }
0x376: {  	s21 =	smov.u32 @p0 s30;
	s22 =	smov.u32 @p3 s25;
	s31 =	sadd.s32 s26, s29  }
0x377: {  	s21 =	smov.u32 @p1 s23;
	p6 =	slt.s32 s22, $0x0;
	p5 =	sge.s32 s31, s20  }
0x378: {  	s21 =	smov.u32 @p2 s0;
	p0 =	por !p6, !p5  }
0x379: {  	s23 =	simm.s32 $0x100;
	s21 =	smov.u32 @p3 s1;
	p0 =	por !p0, !p0  }
0x37a: {  	s1 =	simm.s32 $0x0;
	s22 =	smov.u32 @p0 s24;
	s21 =	smov.u32 @p0 s26  }
.LBB2_42:
0x37b: {  	p0 =	sne.s32 s23, $0xFF00;
	[tilespmem:s1+$0x12630] =	vst v0;
	s0 =	smov.u32 s23;
	s23 =	sadd.s32 $0x100, s23  }
.Ltmp20:
0x37c: {  	[tilespmem:s1+$0x12620] =	vst v0;
	(pc) =	sbr.rel @p0 .LBB2_42-.Ltmp20, $3  }
0x37d: {  	[tilespmem:s1+$0x12600] =	vst v0  }
0x37e: {  	[tilespmem:s1+$0x12610] =	vst v0;
	_ =	sdelay $0x1  }
0x37f: {  	s1 =	sshra.s32 s0, $0x2  }
0x380: {  	[tilespmem:s1+$0x12630] =	vst v0  }
0x381: {  	[tilespmem:s1+$0x12620] =	vst v0  }
0x382: {  	[tilespmem:s1+$0x12600] =	vst v0  }
0x383: {  	[tilespmem:s1+$0x12610] =	vst v0  }
0x384: {  	[tilespmem:s2], [sflag:$0x1] =	stream.linear.gather [hbm4b:s3+s2], $0x9300, $0x38;
	[tilespmem:$0x1A680] =	vst v63  }
0x385: {  	_ =	swait.ge [sflag:s13], $0x9300  }
0x386: {  	[sflag:s13] =	ssyncset.done $0x0  }
0x387: {  	s0 =	simm.s32 $0x40;
	[sflag:s13] =	ssyncadd.s32 $0xFFFF6D00  }
0x388: {  	[tilespmem:s14], [sflag:$0x1] =	stream.linear.gather [hbm4b:s4+s2], $0x9300, $0x38;
	[tilespmem:$0x1A680] =	vst v63  }
0x389: {  	v7 =	vld [tilespmem:s0+$0xFFFFFFD0]  }
0x38a: {  	v9 =	vld [tilespmem:s0+$0x0]  }
0x38b: {  	v5 =	vld [tilespmem:s0+$0x30]  }
0x38c: {  	s31 =	sshll.u32 s19, $0xA;
	v6 =	vld [tilespmem:s0+$0xFFFFFFC0]  }
0x38d: {  	s19 =	sor.u32 s31, s22;
	v10 =	vld [tilespmem:s0+$0xFFFFFFE0]  }
0x38e: {  	v4 =	vmov s19  }
0x38f: {  	v17 =	vld [tilespmem:s0+$0x10];
	v8 =	vshll.u32 v7, $0x4;
	v7 =	vshrl.u32 v7, $0xA;
	v11 =	vshrl.u32 v9, $0xA  }
0x390: {  	v14 =	vshll.u32 v5, $0x4;
	v9 =	vshll.u32 v9, $0x4;
	v7 =	vand.u32 $0x1FFFFF, v7  }
0x391: {  	v13 =	vld [tilespmem:s0+$0xFFFFFFF0];
	v8 =	vor.u32 v1, v8;
	vm1 =	veq.s32 v7, v4;
	v7 =	vshrl.u32 v6, $0xA  }
0x392: {  	v12 =	vand.u32 $0x3FFF, v8;
	v16 =	vand.u32 $0x1FFFFF, v7;
	v7 =	vshll.u32 v10, $0x4  }
0x393: {  	v8 =	vor.u32 v1, v14;
	v14 =	vshrl.u32 v10, $0xA;
	v18 =	vor.u32 v1, v7;
	v7 =	vld [tilespmem:s0+$0x20]  }
0x394: {  	v11 =	vand.u32 $0x1FFFFF, v11;
	v15 =	vand.u32 $0x1FFFFF, v14;
	v14 =	vshrl.u32 v17, $0xA  }
0x395: {  	vm0 =	veq.s32 v11, v4;
	v17 =	vshll.u32 v17, $0x4;
	v10 =	vand.u32 $0x1FFFFF, v14  }
0x396: {  	s23 =	simm.s32 $0xC0;
	s22 =	simm.s32 $0x0;
	v14 =	vshll.u32 v13, $0x4;
	v13 =	vshrl.u32 v13, $0xA;
	v11 =	vand.u32 $0x3FFF, v18  }
.LBB2_44:
0x397: {  	s22 =	sadd.s32 $0x8, s22;
	v6 =	vshll.u32 v6, $0x4;
	[tilespmem:v12+s15+$0x0] =	vst.idx.add.s32.msk vm1, v2;
	vm1 =	veq.s32 v15, v4;
	v12 =	vor.u32 v1, v17  }
0x398: {  	vm3 =	veq.s32 v16, v4;
	v14 =	vor.u32 v1, v14;
	v16 =	vshll.u32 v7, $0x4;
	v15 =	vld [tilespmem:s23+$0xFFFFFFD0];
	p0 =	slt.u32 s22, $0x928  }
0x399: {  	v5 =	vshrl.u32 v5, $0xA;
	v18 =	vor.u32 v1, v6;
	v19 =	vand.u32 $0x3FFF, v14;
	v17 =	vld [tilespmem:s23+$0xFFFFFFE0]  }
0x39a: {  	v7 =	vshrl.u32 v7, $0xA;
	v6 =	vor.u32 v1, v16;
	v16 =	vand.u32 $0x1FFFFF, v5;
	v14 =	vld [tilespmem:s23+$0x0]  }
0x39b: {  	v20 =	vand.u32 $0x3FFF, v6;
	vm4 =	veq.s32 v16, v4;
	v16 =	vand.u32 $0x3FFF, v8;
	v5 =	vld [tilespmem:s23+$0x30]  }
0x39c: {  	v18 =	vand.u32 $0x3FFF, v18;
	v8 =	vand.u32 $0x1FFFFF, v13;
	v13 =	vand.u32 $0x1FFFFF, v7;
	v6 =	vld [tilespmem:s23+$0xFFFFFFC0]  }
0x39d: {  	v21 =	vand.u32 $0x3FFF, v12;
	vm2 =	veq.s32 v8, v4;
	v8 =	vor.u32 v1, v9;
	v7 =	vld [tilespmem:s23+$0x20]  }
0x39e: {  	vm6 =	veq.s32 v10, v4;
	vm5 =	veq.s32 v13, v4;
	v23 =	vand.u32 $0x3FFF, v8;
	v22 =	vld [tilespmem:s23+$0x10]  }
0x39f: {  	v8 =	vshll.u32 v15, $0x4;
	v9 =	vshrl.u32 v15, $0xA;
	v10 =	vshrl.u32 v14, $0xA;
	[tilespmem:v11+s15+$0x0] =	vst.idx.add.s32.msk vm1, v2  }
0x3a0: {  	v8 =	vor.u32 v1, v8;
	v9 =	vand.u32 $0x1FFFFF, v9;
	v13 =	vld [tilespmem:s23+$0xFFFFFFF0];
	v11 =	vshll.u32 v5, $0x4  }
0x3a1: {  	vm1 =	veq.s32 v9, v4;
	v12 =	vand.u32 $0x3FFF, v8;
	v8 =	vor.u32 v1, v11;
	[tilespmem:v18+s15+$0x0] =	vst.idx.add.s32.msk vm3, v2  }
.Ltmp21:
0x3a2: {  	v9 =	vshrl.u32 v17, $0xA;
	v11 =	vshrl.u32 v6, $0xA;
	v18 =	vand.u32 $0x1FFFFF, v10;
	[tilespmem:v16+s15+$0x0] =	vst.idx.add.s32.msk vm4, v2;
	(pc) =	sbr.rel @p0 .LBB2_44-.Ltmp21, $4  }
0x3a3: {  	v15 =	vand.u32 $0x1FFFFF, v9;
	v9 =	vshll.u32 v14, $0x4;
	v10 =	vshrl.u32 v22, $0xA;
	[tilespmem:v23+s15+$0x0] =	vst.idx.add.s32.msk vm0, v2  }
0x3a4: {  	v16 =	vand.u32 $0x1FFFFF, v11;
	v11 =	vshll.u32 v17, $0x4;
	v10 =	vand.u32 $0x1FFFFF, v10;
	[tilespmem:v21+s15+$0x0] =	vst.idx.add.s32.msk vm6, v2  }
0x3a5: {  	v11 =	vor.u32 v1, v11;
	vm0 =	veq.s32 v18, v4;
	v14 =	vshll.u32 v13, $0x4;
	[tilespmem:v20+s15+$0x0] =	vst.idx.add.s32.msk vm5, v2  }
0x3a6: {  	s23 =	sadd.s32 $0x80, s23;
	v17 =	vshll.u32 v22, $0x4;
	v11 =	vand.u32 $0x3FFF, v11;
	v13 =	vshrl.u32 v13, $0xA;
	[tilespmem:v19+s15+$0x0] =	vst.idx.add.s32.msk vm2, v2  }
0x3a7: {  	v6 =	vshll.u32 v6, $0x4;
	vm2 =	veq.s32 v15, v4  }
0x3a8: {  	v15 =	vor.u32 v1, v17;
	vm3 =	veq.s32 v16, v4;
	v5 =	vshrl.u32 v5, $0xA  }
0x3a9: {  	v16 =	vshll.u32 v7, $0x4;
	vm5 =	veq.s32 v10, v4;
	v6 =	vor.u32 v1, v6  }
0x3aa: {  	v5 =	vand.u32 $0x1FFFFF, v5;
	v16 =	vor.u32 v1, v16;
	v10 =	vand.u32 $0x3FFF, v15  }
0x3ab: {  	vm4 =	veq.s32 v5, v4;
	v5 =	vand.u32 $0x3FFF, v6;
	v6 =	vshrl.u32 v7, $0xA  }
0x3ac: {  	v7 =	vand.u32 $0x3FFF, v8;
	v8 =	vor.u32 v1, v9;
	v6 =	vand.u32 $0x1FFFFF, v6  }
0x3ad: {  	[tilespmem:v12+s15+$0x0] =	vst.idx.add.s32.msk vm1, v2;
	v9 =	vand.u32 $0x1FFFFF, v13;
	v8 =	vand.u32 $0x3FFF, v8;
	vm1 =	veq.s32 v6, v4  }
0x3ae: {  	v12 =	vand.u32 $0x3FFF, v16;
	vm6 =	veq.s32 v9, v4;
	v6 =	vor.u32 v1, v14;
	[tilespmem:v11+s15+$0x0] =	vst.idx.add.s32.msk vm2, v2  }
0x3af: {  	v6 =	vand.u32 $0x3FFF, v6;
	[tilespmem:v10+s15+$0x0] =	vst.idx.add.s32.msk vm5, v2  }
0x3b0: {  	[tilespmem:v5+s15+$0x0] =	vst.idx.add.s32.msk vm3, v2  }
0x3b1: {  	[tilespmem:v7+s15+$0x0] =	vst.idx.add.s32.msk vm4, v2  }
0x3b2: {  	[tilespmem:v8+s15+$0x0] =	vst.idx.add.s32.msk vm0, v2  }
0x3b3: {  	[tilespmem:v12+s15+$0x0] =	vst.idx.add.s32.msk vm1, v2  }
0x3b4: {  	[tilespmem:v6+s15+$0x0] =	vst.idx.add.s32.msk vm6, v2  }
0x3b5: {  	_ =	swait.ge [sflag:s13], $0x9300  }
0x3b6: {  	[sflag:s13] =	ssyncset.done $0x0  }
0x3b7: {  	s0 =	simm.s32 $0x9340;
	[sflag:s13] =	ssyncadd.s32 $0xFFFF6D00  }
0x3b8: {  	[tilespmem:s2], [sflag:$0x1] =	stream.linear.gather [hbm4b:s5+s2], $0x9300, $0x38;
	[tilespmem:$0x1A680] =	vst v63  }
0x3b9: {  	v7 =	vld [tilespmem:s0+$0xFFFFFFD0]  }
0x3ba: {  	v9 =	vld [tilespmem:s0+$0x0]  }
0x3bb: {  	v5 =	vld [tilespmem:s0+$0x30]  }
0x3bc: {  	v6 =	vld [tilespmem:s0+$0xFFFFFFC0]  }
0x3bd: {  	v10 =	vld [tilespmem:s0+$0xFFFFFFE0];
	_ =	sdelay $0x1  }
0x3be: {  	v17 =	vld [tilespmem:s0+$0x10];
	v8 =	vshll.u32 v7, $0x4;
	v7 =	vshrl.u32 v7, $0xA;
	v11 =	vshrl.u32 v9, $0xA  }
0x3bf: {  	v14 =	vshll.u32 v5, $0x4;
	v9 =	vshll.u32 v9, $0x4;
	v7 =	vand.u32 $0x1FFFFF, v7  }
0x3c0: {  	v13 =	vld [tilespmem:s0+$0xFFFFFFF0];
	v8 =	vor.u32 v1, v8;
	vm1 =	veq.s32 v7, v4;
	v7 =	vshrl.u32 v6, $0xA  }
0x3c1: {  	v12 =	vand.u32 $0x3FFF, v8;
	v16 =	vand.u32 $0x1FFFFF, v7;
	v7 =	vshll.u32 v10, $0x4  }
0x3c2: {  	v8 =	vor.u32 v1, v14;
	v14 =	vshrl.u32 v10, $0xA;
	v18 =	vor.u32 v1, v7;
	v7 =	vld [tilespmem:s0+$0x20]  }
0x3c3: {  	v11 =	vand.u32 $0x1FFFFF, v11;
	v15 =	vand.u32 $0x1FFFFF, v14;
	v14 =	vshrl.u32 v17, $0xA  }
0x3c4: {  	vm0 =	veq.s32 v11, v4;
	v17 =	vshll.u32 v17, $0x4;
	v10 =	vand.u32 $0x1FFFFF, v14  }
0x3c5: {  	s22 =	simm.s32 $0x0;
	s23 =	simm.s32 $0x93C0;
	v14 =	vshll.u32 v13, $0x4;
	v13 =	vshrl.u32 v13, $0xA;
	v11 =	vand.u32 $0x3FFF, v18  }
.LBB2_46:
0x3c6: {  	s22 =	sadd.s32 $0x8, s22;
	v6 =	vshll.u32 v6, $0x4;
	[tilespmem:v12+s15+$0x0] =	vst.idx.add.s32.msk vm1, v2;
	vm1 =	veq.s32 v15, v4;
	v12 =	vor.u32 v1, v17  }
0x3c7: {  	vm3 =	veq.s32 v16, v4;
	v14 =	vor.u32 v1, v14;
	v16 =	vshll.u32 v7, $0x4;
	v15 =	vld [tilespmem:s23+$0xFFFFFFD0];
	p0 =	slt.u32 s22, $0x928  }
0x3c8: {  	v5 =	vshrl.u32 v5, $0xA;
	v18 =	vor.u32 v1, v6;
	v19 =	vand.u32 $0x3FFF, v14;
	v17 =	vld [tilespmem:s23+$0xFFFFFFE0]  }
0x3c9: {  	v7 =	vshrl.u32 v7, $0xA;
	v6 =	vor.u32 v1, v16;
	v16 =	vand.u32 $0x1FFFFF, v5;
	v14 =	vld [tilespmem:s23+$0x0]  }
0x3ca: {  	v20 =	vand.u32 $0x3FFF, v6;
	vm4 =	veq.s32 v16, v4;
	v16 =	vand.u32 $0x3FFF, v8;
	v5 =	vld [tilespmem:s23+$0x30]  }
0x3cb: {  	v18 =	vand.u32 $0x3FFF, v18;
	v8 =	vand.u32 $0x1FFFFF, v13;
	v13 =	vand.u32 $0x1FFFFF, v7;
	v6 =	vld [tilespmem:s23+$0xFFFFFFC0]  }
0x3cc: {  	v21 =	vand.u32 $0x3FFF, v12;
	vm2 =	veq.s32 v8, v4;
	v8 =	vor.u32 v1, v9;
	v7 =	vld [tilespmem:s23+$0x20]  }
0x3cd: {  	vm6 =	veq.s32 v10, v4;
	vm5 =	veq.s32 v13, v4;
	v23 =	vand.u32 $0x3FFF, v8;
	v22 =	vld [tilespmem:s23+$0x10]  }
0x3ce: {  	v8 =	vshll.u32 v15, $0x4;
	v9 =	vshrl.u32 v15, $0xA;
	v10 =	vshrl.u32 v14, $0xA;
	[tilespmem:v11+s15+$0x0] =	vst.idx.add.s32.msk vm1, v2  }
0x3cf: {  	v8 =	vor.u32 v1, v8;
	v9 =	vand.u32 $0x1FFFFF, v9;
	v13 =	vld [tilespmem:s23+$0xFFFFFFF0];
	v11 =	vshll.u32 v5, $0x4  }
0x3d0: {  	vm1 =	veq.s32 v9, v4;
	v12 =	vand.u32 $0x3FFF, v8;
	v8 =	vor.u32 v1, v11;
	[tilespmem:v18+s15+$0x0] =	vst.idx.add.s32.msk vm3, v2  }
.Ltmp22:
0x3d1: {  	v9 =	vshrl.u32 v17, $0xA;
	v11 =	vshrl.u32 v6, $0xA;
	v18 =	vand.u32 $0x1FFFFF, v10;
	[tilespmem:v16+s15+$0x0] =	vst.idx.add.s32.msk vm4, v2;
	(pc) =	sbr.rel @p0 .LBB2_46-.Ltmp22, $4  }
0x3d2: {  	v15 =	vand.u32 $0x1FFFFF, v9;
	v9 =	vshll.u32 v14, $0x4;
	v10 =	vshrl.u32 v22, $0xA;
	[tilespmem:v23+s15+$0x0] =	vst.idx.add.s32.msk vm0, v2  }
0x3d3: {  	v16 =	vand.u32 $0x1FFFFF, v11;
	v11 =	vshll.u32 v17, $0x4;
	v10 =	vand.u32 $0x1FFFFF, v10;
	[tilespmem:v21+s15+$0x0] =	vst.idx.add.s32.msk vm6, v2  }
0x3d4: {  	v11 =	vor.u32 v1, v11;
	vm0 =	veq.s32 v18, v4;
	v14 =	vshll.u32 v13, $0x4;
	[tilespmem:v20+s15+$0x0] =	vst.idx.add.s32.msk vm5, v2  }
0x3d5: {  	s23 =	sadd.s32 $0x80, s23;
	v17 =	vshll.u32 v22, $0x4;
	v11 =	vand.u32 $0x3FFF, v11;
	v13 =	vshrl.u32 v13, $0xA;
	[tilespmem:v19+s15+$0x0] =	vst.idx.add.s32.msk vm2, v2  }
0x3d6: {  	v6 =	vshll.u32 v6, $0x4;
	vm2 =	veq.s32 v15, v4  }
0x3d7: {  	v15 =	vor.u32 v1, v17;
	vm3 =	veq.s32 v16, v4;
	v5 =	vshrl.u32 v5, $0xA  }
0x3d8: {  	v16 =	vshll.u32 v7, $0x4;
	vm5 =	veq.s32 v10, v4;
	v6 =	vor.u32 v1, v6  }
0x3d9: {  	v5 =	vand.u32 $0x1FFFFF, v5;
	v16 =	vor.u32 v1, v16;
	v10 =	vand.u32 $0x3FFF, v15  }
0x3da: {  	vm4 =	veq.s32 v5, v4;
	v5 =	vand.u32 $0x3FFF, v6;
	v6 =	vshrl.u32 v7, $0xA  }
0x3db: {  	v7 =	vand.u32 $0x3FFF, v8;
	v8 =	vor.u32 v1, v9;
	v6 =	vand.u32 $0x1FFFFF, v6  }
0x3dc: {  	[tilespmem:v12+s15+$0x0] =	vst.idx.add.s32.msk vm1, v2;
	v9 =	vand.u32 $0x1FFFFF, v13;
	v8 =	vand.u32 $0x3FFF, v8;
	vm1 =	veq.s32 v6, v4  }
0x3dd: {  	v12 =	vand.u32 $0x3FFF, v16;
	vm6 =	veq.s32 v9, v4;
	v6 =	vor.u32 v1, v14;
	[tilespmem:v11+s15+$0x0] =	vst.idx.add.s32.msk vm2, v2  }
0x3de: {  	v6 =	vand.u32 $0x3FFF, v6;
	[tilespmem:v10+s15+$0x0] =	vst.idx.add.s32.msk vm5, v2  }
0x3df: {  	[tilespmem:v5+s15+$0x0] =	vst.idx.add.s32.msk vm3, v2  }
0x3e0: {  	[tilespmem:v7+s15+$0x0] =	vst.idx.add.s32.msk vm4, v2  }
0x3e1: {  	[tilespmem:v8+s15+$0x0] =	vst.idx.add.s32.msk vm0, v2  }
0x3e2: {  	[tilespmem:v12+s15+$0x0] =	vst.idx.add.s32.msk vm1, v2  }
0x3e3: {  	[tilespmem:v6+s15+$0x0] =	vst.idx.add.s32.msk vm6, v2  }
0x3e4: {  	_ =	swait.ge [sflag:s13], $0x9300  }
0x3e5: {  	[sflag:s13] =	ssyncset.done $0x0  }
0x3e6: {  	s0 =	simm.s32 $0x40;
	[sflag:s13] =	ssyncadd.s32 $0xFFFF6D00  }
0x3e7: {  	[tilespmem:s14], [sflag:$0x1] =	stream.linear.gather [hbm4b:s6+s2], $0x9300, $0x38;
	[tilespmem:$0x1A680] =	vst v63  }
0x3e8: {  	v7 =	vld [tilespmem:s0+$0xFFFFFFD0]  }
0x3e9: {  	v9 =	vld [tilespmem:s0+$0x0]  }
0x3ea: {  	v5 =	vld [tilespmem:s0+$0x30]  }
0x3eb: {  	v6 =	vld [tilespmem:s0+$0xFFFFFFC0]  }
0x3ec: {  	v10 =	vld [tilespmem:s0+$0xFFFFFFE0];
	_ =	sdelay $0x1  }
0x3ed: {  	v17 =	vld [tilespmem:s0+$0x10];
	v8 =	vshll.u32 v7, $0x4;
	v7 =	vshrl.u32 v7, $0xA;
	v11 =	vshrl.u32 v9, $0xA  }
0x3ee: {  	v14 =	vshll.u32 v5, $0x4;
	v9 =	vshll.u32 v9, $0x4;
	v7 =	vand.u32 $0x1FFFFF, v7  }
0x3ef: {  	v13 =	vld [tilespmem:s0+$0xFFFFFFF0];
	v8 =	vor.u32 v1, v8;
	vm1 =	veq.s32 v7, v4;
	v7 =	vshrl.u32 v6, $0xA  }
0x3f0: {  	v12 =	vand.u32 $0x3FFF, v8;
	v16 =	vand.u32 $0x1FFFFF, v7;
	v7 =	vshll.u32 v10, $0x4  }
0x3f1: {  	v8 =	vor.u32 v1, v14;
	v14 =	vshrl.u32 v10, $0xA;
	v18 =	vor.u32 v1, v7;
	v7 =	vld [tilespmem:s0+$0x20]  }
0x3f2: {  	v11 =	vand.u32 $0x1FFFFF, v11;
	v15 =	vand.u32 $0x1FFFFF, v14;
	v14 =	vshrl.u32 v17, $0xA  }
0x3f3: {  	vm0 =	veq.s32 v11, v4;
	v17 =	vshll.u32 v17, $0x4;
	v10 =	vand.u32 $0x1FFFFF, v14  }
0x3f4: {  	s22 =	simm.s32 $0x0;
	s23 =	simm.s32 $0xC0;
	v14 =	vshll.u32 v13, $0x4;
	v13 =	vshrl.u32 v13, $0xA;
	v11 =	vand.u32 $0x3FFF, v18  }
.LBB2_48:
0x3f5: {  	s22 =	sadd.s32 $0x8, s22;
	v6 =	vshll.u32 v6, $0x4;
	[tilespmem:v12+s15+$0x0] =	vst.idx.add.s32.msk vm1, v2;
	vm1 =	veq.s32 v15, v4;
	v12 =	vor.u32 v1, v17  }
0x3f6: {  	vm3 =	veq.s32 v16, v4;
	v14 =	vor.u32 v1, v14;
	v16 =	vshll.u32 v7, $0x4;
	v15 =	vld [tilespmem:s23+$0xFFFFFFD0];
	p0 =	slt.u32 s22, $0x928  }
0x3f7: {  	v5 =	vshrl.u32 v5, $0xA;
	v18 =	vor.u32 v1, v6;
	v19 =	vand.u32 $0x3FFF, v14;
	v17 =	vld [tilespmem:s23+$0xFFFFFFE0]  }
0x3f8: {  	v7 =	vshrl.u32 v7, $0xA;
	v6 =	vor.u32 v1, v16;
	v16 =	vand.u32 $0x1FFFFF, v5;
	v14 =	vld [tilespmem:s23+$0x0]  }
0x3f9: {  	v20 =	vand.u32 $0x3FFF, v6;
	vm4 =	veq.s32 v16, v4;
	v16 =	vand.u32 $0x3FFF, v8;
	v5 =	vld [tilespmem:s23+$0x30]  }
0x3fa: {  	v18 =	vand.u32 $0x3FFF, v18;
	v8 =	vand.u32 $0x1FFFFF, v13;
	v13 =	vand.u32 $0x1FFFFF, v7;
	v6 =	vld [tilespmem:s23+$0xFFFFFFC0]  }
0x3fb: {  	v21 =	vand.u32 $0x3FFF, v12;
	vm2 =	veq.s32 v8, v4;
	v8 =	vor.u32 v1, v9;
	v7 =	vld [tilespmem:s23+$0x20]  }
0x3fc: {  	vm6 =	veq.s32 v10, v4;
	vm5 =	veq.s32 v13, v4;
	v23 =	vand.u32 $0x3FFF, v8;
	v22 =	vld [tilespmem:s23+$0x10]  }
0x3fd: {  	v8 =	vshll.u32 v15, $0x4;
	v9 =	vshrl.u32 v15, $0xA;
	v10 =	vshrl.u32 v14, $0xA;
	[tilespmem:v11+s15+$0x0] =	vst.idx.add.s32.msk vm1, v2  }
0x3fe: {  	v8 =	vor.u32 v1, v8;
	v9 =	vand.u32 $0x1FFFFF, v9;
	v13 =	vld [tilespmem:s23+$0xFFFFFFF0];
	v11 =	vshll.u32 v5, $0x4  }
0x3ff: {  	vm1 =	veq.s32 v9, v4;
	v12 =	vand.u32 $0x3FFF, v8;
	v8 =	vor.u32 v1, v11;
	[tilespmem:v18+s15+$0x0] =	vst.idx.add.s32.msk vm3, v2  }
.Ltmp23:
0x400: {  	v9 =	vshrl.u32 v17, $0xA;
	v11 =	vshrl.u32 v6, $0xA;
	v18 =	vand.u32 $0x1FFFFF, v10;
	[tilespmem:v16+s15+$0x0] =	vst.idx.add.s32.msk vm4, v2;
	(pc) =	sbr.rel @p0 .LBB2_48-.Ltmp23, $4  }
0x401: {  	v15 =	vand.u32 $0x1FFFFF, v9;
	v9 =	vshll.u32 v14, $0x4;
	v10 =	vshrl.u32 v22, $0xA;
	[tilespmem:v23+s15+$0x0] =	vst.idx.add.s32.msk vm0, v2  }
0x402: {  	v16 =	vand.u32 $0x1FFFFF, v11;
	v11 =	vshll.u32 v17, $0x4;
	v10 =	vand.u32 $0x1FFFFF, v10;
	[tilespmem:v21+s15+$0x0] =	vst.idx.add.s32.msk vm6, v2  }
0x403: {  	v11 =	vor.u32 v1, v11;
	vm0 =	veq.s32 v18, v4;
	v14 =	vshll.u32 v13, $0x4;
	[tilespmem:v20+s15+$0x0] =	vst.idx.add.s32.msk vm5, v2  }
0x404: {  	s23 =	sadd.s32 $0x80, s23;
	v17 =	vshll.u32 v22, $0x4;
	v11 =	vand.u32 $0x3FFF, v11;
	v13 =	vshrl.u32 v13, $0xA;
	[tilespmem:v19+s15+$0x0] =	vst.idx.add.s32.msk vm2, v2  }
0x405: {  	v6 =	vshll.u32 v6, $0x4;
	vm2 =	veq.s32 v15, v4  }
0x406: {  	v15 =	vor.u32 v1, v17;
	vm3 =	veq.s32 v16, v4;
	v5 =	vshrl.u32 v5, $0xA  }
0x407: {  	v16 =	vshll.u32 v7, $0x4;
	vm5 =	veq.s32 v10, v4;
	v6 =	vor.u32 v1, v6  }
0x408: {  	v5 =	vand.u32 $0x1FFFFF, v5;
	v16 =	vor.u32 v1, v16;
	v10 =	vand.u32 $0x3FFF, v15  }
0x409: {  	vm4 =	veq.s32 v5, v4;
	v5 =	vand.u32 $0x3FFF, v6;
	v6 =	vshrl.u32 v7, $0xA  }
0x40a: {  	v7 =	vand.u32 $0x3FFF, v8;
	v8 =	vor.u32 v1, v9;
	v6 =	vand.u32 $0x1FFFFF, v6  }
0x40b: {  	[tilespmem:v12+s15+$0x0] =	vst.idx.add.s32.msk vm1, v2;
	v9 =	vand.u32 $0x1FFFFF, v13;
	v8 =	vand.u32 $0x3FFF, v8;
	vm1 =	veq.s32 v6, v4  }
0x40c: {  	v12 =	vand.u32 $0x3FFF, v16;
	vm6 =	veq.s32 v9, v4;
	v6 =	vor.u32 v1, v14;
	[tilespmem:v11+s15+$0x0] =	vst.idx.add.s32.msk vm2, v2  }
0x40d: {  	v6 =	vand.u32 $0x3FFF, v6;
	[tilespmem:v10+s15+$0x0] =	vst.idx.add.s32.msk vm5, v2  }
0x40e: {  	[tilespmem:v5+s15+$0x0] =	vst.idx.add.s32.msk vm3, v2  }
0x40f: {  	[tilespmem:v7+s15+$0x0] =	vst.idx.add.s32.msk vm4, v2  }
0x410: {  	[tilespmem:v8+s15+$0x0] =	vst.idx.add.s32.msk vm0, v2  }
0x411: {  	[tilespmem:v12+s15+$0x0] =	vst.idx.add.s32.msk vm1, v2  }
0x412: {  	[tilespmem:v6+s15+$0x0] =	vst.idx.add.s32.msk vm6, v2  }
0x413: {  	_ =	swait.ge [sflag:s13], $0x9300  }
0x414: {  	[sflag:s13] =	ssyncset.done $0x0  }
0x415: {  	s0 =	simm.s32 $0x9340;
	[sflag:s13] =	ssyncadd.s32 $0xFFFF6D00  }
0x416: {  	[tilespmem:s2], [sflag:$0x1] =	stream.linear.gather [hbm4b:s7+s2], $0x9300, $0x38;
	[tilespmem:$0x1A680] =	vst v63  }
0x417: {  	v7 =	vld [tilespmem:s0+$0xFFFFFFD0]  }
0x418: {  	v9 =	vld [tilespmem:s0+$0x0]  }
0x419: {  	v5 =	vld [tilespmem:s0+$0x30]  }
0x41a: {  	v6 =	vld [tilespmem:s0+$0xFFFFFFC0]  }
0x41b: {  	v10 =	vld [tilespmem:s0+$0xFFFFFFE0];
	_ =	sdelay $0x1  }
0x41c: {  	v17 =	vld [tilespmem:s0+$0x10];
	v8 =	vshll.u32 v7, $0x4;
	v7 =	vshrl.u32 v7, $0xA;
	v11 =	vshrl.u32 v9, $0xA  }
0x41d: {  	v14 =	vshll.u32 v5, $0x4;
	v9 =	vshll.u32 v9, $0x4;
	v7 =	vand.u32 $0x1FFFFF, v7  }
0x41e: {  	v13 =	vld [tilespmem:s0+$0xFFFFFFF0];
	v8 =	vor.u32 v1, v8;
	vm1 =	veq.s32 v7, v4;
	v7 =	vshrl.u32 v6, $0xA  }
0x41f: {  	v12 =	vand.u32 $0x3FFF, v8;
	v16 =	vand.u32 $0x1FFFFF, v7;
	v7 =	vshll.u32 v10, $0x4  }
0x420: {  	v8 =	vor.u32 v1, v14;
	v14 =	vshrl.u32 v10, $0xA;
	v18 =	vor.u32 v1, v7;
	v7 =	vld [tilespmem:s0+$0x20]  }
0x421: {  	v11 =	vand.u32 $0x1FFFFF, v11;
	v15 =	vand.u32 $0x1FFFFF, v14;
	v14 =	vshrl.u32 v17, $0xA  }
0x422: {  	vm0 =	veq.s32 v11, v4;
	v17 =	vshll.u32 v17, $0x4;
	v10 =	vand.u32 $0x1FFFFF, v14  }
0x423: {  	s22 =	simm.s32 $0x0;
	s23 =	simm.s32 $0x93C0;
	v14 =	vshll.u32 v13, $0x4;
	v13 =	vshrl.u32 v13, $0xA;
	v11 =	vand.u32 $0x3FFF, v18  }
.LBB2_50:
0x424: {  	s22 =	sadd.s32 $0x8, s22;
	v6 =	vshll.u32 v6, $0x4;
	[tilespmem:v12+s15+$0x0] =	vst.idx.add.s32.msk vm1, v2;
	vm1 =	veq.s32 v15, v4;
	v12 =	vor.u32 v1, v17  }
0x425: {  	vm3 =	veq.s32 v16, v4;
	v14 =	vor.u32 v1, v14;
	v16 =	vshll.u32 v7, $0x4;
	v15 =	vld [tilespmem:s23+$0xFFFFFFD0];
	p0 =	slt.u32 s22, $0x928  }
0x426: {  	v5 =	vshrl.u32 v5, $0xA;
	v18 =	vor.u32 v1, v6;
	v19 =	vand.u32 $0x3FFF, v14;
	v17 =	vld [tilespmem:s23+$0xFFFFFFE0]  }
0x427: {  	v7 =	vshrl.u32 v7, $0xA;
	v6 =	vor.u32 v1, v16;
	v16 =	vand.u32 $0x1FFFFF, v5;
	v14 =	vld [tilespmem:s23+$0x0]  }
0x428: {  	v20 =	vand.u32 $0x3FFF, v6;
	vm4 =	veq.s32 v16, v4;
	v16 =	vand.u32 $0x3FFF, v8;
	v5 =	vld [tilespmem:s23+$0x30]  }
0x429: {  	v18 =	vand.u32 $0x3FFF, v18;
	v8 =	vand.u32 $0x1FFFFF, v13;
	v13 =	vand.u32 $0x1FFFFF, v7;
	v6 =	vld [tilespmem:s23+$0xFFFFFFC0]  }
0x42a: {  	v21 =	vand.u32 $0x3FFF, v12;
	vm2 =	veq.s32 v8, v4;
	v8 =	vor.u32 v1, v9;
	v7 =	vld [tilespmem:s23+$0x20]  }
0x42b: {  	vm6 =	veq.s32 v10, v4;
	vm5 =	veq.s32 v13, v4;
	v23 =	vand.u32 $0x3FFF, v8;
	v22 =	vld [tilespmem:s23+$0x10]  }
0x42c: {  	v8 =	vshll.u32 v15, $0x4;
	v9 =	vshrl.u32 v15, $0xA;
	v10 =	vshrl.u32 v14, $0xA;
	[tilespmem:v11+s15+$0x0] =	vst.idx.add.s32.msk vm1, v2  }
0x42d: {  	v8 =	vor.u32 v1, v8;
	v9 =	vand.u32 $0x1FFFFF, v9;
	v13 =	vld [tilespmem:s23+$0xFFFFFFF0];
	v11 =	vshll.u32 v5, $0x4  }
0x42e: {  	vm1 =	veq.s32 v9, v4;
	v12 =	vand.u32 $0x3FFF, v8;
	v8 =	vor.u32 v1, v11;
	[tilespmem:v18+s15+$0x0] =	vst.idx.add.s32.msk vm3, v2  }
.Ltmp24:
0x42f: {  	v9 =	vshrl.u32 v17, $0xA;
	v11 =	vshrl.u32 v6, $0xA;
	v18 =	vand.u32 $0x1FFFFF, v10;
	[tilespmem:v16+s15+$0x0] =	vst.idx.add.s32.msk vm4, v2;
	(pc) =	sbr.rel @p0 .LBB2_50-.Ltmp24, $4  }
0x430: {  	v15 =	vand.u32 $0x1FFFFF, v9;
	v9 =	vshll.u32 v14, $0x4;
	v10 =	vshrl.u32 v22, $0xA;
	[tilespmem:v23+s15+$0x0] =	vst.idx.add.s32.msk vm0, v2  }
0x431: {  	v16 =	vand.u32 $0x1FFFFF, v11;
	v11 =	vshll.u32 v17, $0x4;
	v10 =	vand.u32 $0x1FFFFF, v10;
	[tilespmem:v21+s15+$0x0] =	vst.idx.add.s32.msk vm6, v2  }
0x432: {  	v11 =	vor.u32 v1, v11;
	vm0 =	veq.s32 v18, v4;
	v14 =	vshll.u32 v13, $0x4;
	[tilespmem:v20+s15+$0x0] =	vst.idx.add.s32.msk vm5, v2  }
0x433: {  	s23 =	sadd.s32 $0x80, s23;
	v17 =	vshll.u32 v22, $0x4;
	v11 =	vand.u32 $0x3FFF, v11;
	v13 =	vshrl.u32 v13, $0xA;
	[tilespmem:v19+s15+$0x0] =	vst.idx.add.s32.msk vm2, v2  }
0x434: {  	v6 =	vshll.u32 v6, $0x4;
	vm2 =	veq.s32 v15, v4  }
0x435: {  	v15 =	vor.u32 v1, v17;
	vm3 =	veq.s32 v16, v4;
	v5 =	vshrl.u32 v5, $0xA  }
0x436: {  	v16 =	vshll.u32 v7, $0x4;
	vm5 =	veq.s32 v10, v4;
	v6 =	vor.u32 v1, v6  }
0x437: {  	v5 =	vand.u32 $0x1FFFFF, v5;
	v16 =	vor.u32 v1, v16;
	v10 =	vand.u32 $0x3FFF, v15  }
0x438: {  	vm4 =	veq.s32 v5, v4;
	v5 =	vand.u32 $0x3FFF, v6;
	v6 =	vshrl.u32 v7, $0xA  }
0x439: {  	v7 =	vand.u32 $0x3FFF, v8;
	v8 =	vor.u32 v1, v9;
	v6 =	vand.u32 $0x1FFFFF, v6  }
0x43a: {  	[tilespmem:v12+s15+$0x0] =	vst.idx.add.s32.msk vm1, v2;
	v9 =	vand.u32 $0x1FFFFF, v13;
	v8 =	vand.u32 $0x3FFF, v8;
	vm1 =	veq.s32 v6, v4  }
0x43b: {  	v12 =	vand.u32 $0x3FFF, v16;
	vm6 =	veq.s32 v9, v4;
	v6 =	vor.u32 v1, v14;
	[tilespmem:v11+s15+$0x0] =	vst.idx.add.s32.msk vm2, v2  }
0x43c: {  	v6 =	vand.u32 $0x3FFF, v6;
	[tilespmem:v10+s15+$0x0] =	vst.idx.add.s32.msk vm5, v2  }
0x43d: {  	[tilespmem:v5+s15+$0x0] =	vst.idx.add.s32.msk vm3, v2  }
0x43e: {  	[tilespmem:v7+s15+$0x0] =	vst.idx.add.s32.msk vm4, v2  }
0x43f: {  	[tilespmem:v8+s15+$0x0] =	vst.idx.add.s32.msk vm0, v2  }
0x440: {  	[tilespmem:v12+s15+$0x0] =	vst.idx.add.s32.msk vm1, v2  }
0x441: {  	[tilespmem:v6+s15+$0x0] =	vst.idx.add.s32.msk vm6, v2  }
0x442: {  	_ =	swait.ge [sflag:s13], $0x9300  }
0x443: {  	[sflag:s13] =	ssyncset.done $0x0  }
0x444: {  	s0 =	simm.s32 $0x40;
	[sflag:s13] =	ssyncadd.s32 $0xFFFF6D00  }
0x445: {  	[tilespmem:s14], [sflag:$0x1] =	stream.linear.gather [hbm4b:s8+s2], $0x9300, $0x38;
	[tilespmem:$0x1A680] =	vst v63  }
0x446: {  	v7 =	vld [tilespmem:s0+$0xFFFFFFD0]  }
0x447: {  	v9 =	vld [tilespmem:s0+$0x0]  }
0x448: {  	v5 =	vld [tilespmem:s0+$0x30]  }
0x449: {  	v6 =	vld [tilespmem:s0+$0xFFFFFFC0]  }
0x44a: {  	v10 =	vld [tilespmem:s0+$0xFFFFFFE0];
	_ =	sdelay $0x1  }
0x44b: {  	v17 =	vld [tilespmem:s0+$0x10];
	v8 =	vshll.u32 v7, $0x4;
	v7 =	vshrl.u32 v7, $0xA;
	v11 =	vshrl.u32 v9, $0xA  }
0x44c: {  	v14 =	vshll.u32 v5, $0x4;
	v9 =	vshll.u32 v9, $0x4;
	v7 =	vand.u32 $0x1FFFFF, v7  }
0x44d: {  	v13 =	vld [tilespmem:s0+$0xFFFFFFF0];
	v8 =	vor.u32 v1, v8;
	vm1 =	veq.s32 v7, v4;
	v7 =	vshrl.u32 v6, $0xA  }
0x44e: {  	v12 =	vand.u32 $0x3FFF, v8;
	v16 =	vand.u32 $0x1FFFFF, v7;
	v7 =	vshll.u32 v10, $0x4  }
0x44f: {  	v8 =	vor.u32 v1, v14;
	v14 =	vshrl.u32 v10, $0xA;
	v18 =	vor.u32 v1, v7;
	v7 =	vld [tilespmem:s0+$0x20]  }
0x450: {  	v11 =	vand.u32 $0x1FFFFF, v11;
	v15 =	vand.u32 $0x1FFFFF, v14;
	v14 =	vshrl.u32 v17, $0xA  }
0x451: {  	vm0 =	veq.s32 v11, v4;
	v17 =	vshll.u32 v17, $0x4;
	v10 =	vand.u32 $0x1FFFFF, v14  }
0x452: {  	s22 =	simm.s32 $0x0;
	s23 =	simm.s32 $0xC0;
	v14 =	vshll.u32 v13, $0x4;
	v13 =	vshrl.u32 v13, $0xA;
	v11 =	vand.u32 $0x3FFF, v18  }
.LBB2_52:
0x453: {  	s22 =	sadd.s32 $0x8, s22;
	v6 =	vshll.u32 v6, $0x4;
	[tilespmem:v12+s15+$0x0] =	vst.idx.add.s32.msk vm1, v2;
	vm1 =	veq.s32 v15, v4;
	v12 =	vor.u32 v1, v17  }
0x454: {  	vm3 =	veq.s32 v16, v4;
	v14 =	vor.u32 v1, v14;
	v16 =	vshll.u32 v7, $0x4;
	v15 =	vld [tilespmem:s23+$0xFFFFFFD0];
	p0 =	slt.u32 s22, $0x928  }
0x455: {  	v5 =	vshrl.u32 v5, $0xA;
	v18 =	vor.u32 v1, v6;
	v19 =	vand.u32 $0x3FFF, v14;
	v17 =	vld [tilespmem:s23+$0xFFFFFFE0]  }
0x456: {  	v7 =	vshrl.u32 v7, $0xA;
	v6 =	vor.u32 v1, v16;
	v16 =	vand.u32 $0x1FFFFF, v5;
	v14 =	vld [tilespmem:s23+$0x0]  }
0x457: {  	v20 =	vand.u32 $0x3FFF, v6;
	vm4 =	veq.s32 v16, v4;
	v16 =	vand.u32 $0x3FFF, v8;
	v5 =	vld [tilespmem:s23+$0x30]  }
0x458: {  	v18 =	vand.u32 $0x3FFF, v18;
	v8 =	vand.u32 $0x1FFFFF, v13;
	v13 =	vand.u32 $0x1FFFFF, v7;
	v6 =	vld [tilespmem:s23+$0xFFFFFFC0]  }
0x459: {  	v21 =	vand.u32 $0x3FFF, v12;
	vm2 =	veq.s32 v8, v4;
	v8 =	vor.u32 v1, v9;
	v7 =	vld [tilespmem:s23+$0x20]  }
0x45a: {  	vm6 =	veq.s32 v10, v4;
	vm5 =	veq.s32 v13, v4;
	v23 =	vand.u32 $0x3FFF, v8;
	v22 =	vld [tilespmem:s23+$0x10]  }
0x45b: {  	v8 =	vshll.u32 v15, $0x4;
	v9 =	vshrl.u32 v15, $0xA;
	v10 =	vshrl.u32 v14, $0xA;
	[tilespmem:v11+s15+$0x0] =	vst.idx.add.s32.msk vm1, v2  }
0x45c: {  	v8 =	vor.u32 v1, v8;
	v9 =	vand.u32 $0x1FFFFF, v9;
	v13 =	vld [tilespmem:s23+$0xFFFFFFF0];
	v11 =	vshll.u32 v5, $0x4  }
0x45d: {  	vm1 =	veq.s32 v9, v4;
	v12 =	vand.u32 $0x3FFF, v8;
	v8 =	vor.u32 v1, v11;
	[tilespmem:v18+s15+$0x0] =	vst.idx.add.s32.msk vm3, v2  }
.Ltmp25:
0x45e: {  	v9 =	vshrl.u32 v17, $0xA;
	v11 =	vshrl.u32 v6, $0xA;
	v18 =	vand.u32 $0x1FFFFF, v10;
	[tilespmem:v16+s15+$0x0] =	vst.idx.add.s32.msk vm4, v2;
	(pc) =	sbr.rel @p0 .LBB2_52-.Ltmp25, $4  }
0x45f: {  	v15 =	vand.u32 $0x1FFFFF, v9;
	v9 =	vshll.u32 v14, $0x4;
	v10 =	vshrl.u32 v22, $0xA;
	[tilespmem:v23+s15+$0x0] =	vst.idx.add.s32.msk vm0, v2  }
0x460: {  	v16 =	vand.u32 $0x1FFFFF, v11;
	v11 =	vshll.u32 v17, $0x4;
	v10 =	vand.u32 $0x1FFFFF, v10;
	[tilespmem:v21+s15+$0x0] =	vst.idx.add.s32.msk vm6, v2  }
0x461: {  	v11 =	vor.u32 v1, v11;
	vm0 =	veq.s32 v18, v4;
	v14 =	vshll.u32 v13, $0x4;
	[tilespmem:v20+s15+$0x0] =	vst.idx.add.s32.msk vm5, v2  }
0x462: {  	s23 =	sadd.s32 $0x80, s23;
	v17 =	vshll.u32 v22, $0x4;
	v11 =	vand.u32 $0x3FFF, v11;
	v13 =	vshrl.u32 v13, $0xA;
	[tilespmem:v19+s15+$0x0] =	vst.idx.add.s32.msk vm2, v2  }
0x463: {  	v6 =	vshll.u32 v6, $0x4;
	vm2 =	veq.s32 v15, v4  }
0x464: {  	v15 =	vor.u32 v1, v17;
	vm3 =	veq.s32 v16, v4;
	v5 =	vshrl.u32 v5, $0xA  }
0x465: {  	v16 =	vshll.u32 v7, $0x4;
	vm5 =	veq.s32 v10, v4;
	v6 =	vor.u32 v1, v6  }
0x466: {  	v5 =	vand.u32 $0x1FFFFF, v5;
	v16 =	vor.u32 v1, v16;
	v10 =	vand.u32 $0x3FFF, v15  }
0x467: {  	vm4 =	veq.s32 v5, v4;
	v5 =	vand.u32 $0x3FFF, v6;
	v6 =	vshrl.u32 v7, $0xA  }
0x468: {  	v7 =	vand.u32 $0x3FFF, v8;
	v8 =	vor.u32 v1, v9;
	v6 =	vand.u32 $0x1FFFFF, v6  }
0x469: {  	[tilespmem:v12+s15+$0x0] =	vst.idx.add.s32.msk vm1, v2;
	v9 =	vand.u32 $0x1FFFFF, v13;
	v8 =	vand.u32 $0x3FFF, v8;
	vm1 =	veq.s32 v6, v4  }
0x46a: {  	v12 =	vand.u32 $0x3FFF, v16;
	vm6 =	veq.s32 v9, v4;
	v6 =	vor.u32 v1, v14;
	[tilespmem:v11+s15+$0x0] =	vst.idx.add.s32.msk vm2, v2  }
0x46b: {  	v6 =	vand.u32 $0x3FFF, v6;
	[tilespmem:v10+s15+$0x0] =	vst.idx.add.s32.msk vm5, v2  }
0x46c: {  	[tilespmem:v5+s15+$0x0] =	vst.idx.add.s32.msk vm3, v2  }
0x46d: {  	[tilespmem:v7+s15+$0x0] =	vst.idx.add.s32.msk vm4, v2  }
0x46e: {  	[tilespmem:v8+s15+$0x0] =	vst.idx.add.s32.msk vm0, v2  }
0x46f: {  	[tilespmem:v12+s15+$0x0] =	vst.idx.add.s32.msk vm1, v2  }
0x470: {  	[tilespmem:v6+s15+$0x0] =	vst.idx.add.s32.msk vm6, v2  }
0x471: {  	_ =	swait.ge [sflag:s13], $0x9300  }
0x472: {  	[sflag:s13] =	ssyncset.done $0x0  }
0x473: {  	s0 =	simm.s32 $0x9340;
	[sflag:s13] =	ssyncadd.s32 $0xFFFF6D00  }
0x474: {  	[tilespmem:s2], [sflag:$0x1] =	stream.linear.gather [hbm4b:s9+s2], $0x9300, $0x38;
	[tilespmem:$0x1A680] =	vst v63  }
0x475: {  	v7 =	vld [tilespmem:s0+$0xFFFFFFD0]  }
0x476: {  	v9 =	vld [tilespmem:s0+$0x0]  }
0x477: {  	v5 =	vld [tilespmem:s0+$0x30]  }
0x478: {  	v6 =	vld [tilespmem:s0+$0xFFFFFFC0]  }
0x479: {  	v10 =	vld [tilespmem:s0+$0xFFFFFFE0];
	_ =	sdelay $0x1  }
0x47a: {  	v17 =	vld [tilespmem:s0+$0x10];
	v8 =	vshll.u32 v7, $0x4;
	v7 =	vshrl.u32 v7, $0xA;
	v11 =	vshrl.u32 v9, $0xA  }
0x47b: {  	v14 =	vshll.u32 v5, $0x4;
	v9 =	vshll.u32 v9, $0x4;
	v7 =	vand.u32 $0x1FFFFF, v7  }
0x47c: {  	v13 =	vld [tilespmem:s0+$0xFFFFFFF0];
	v8 =	vor.u32 v1, v8;
	vm1 =	veq.s32 v7, v4;
	v7 =	vshrl.u32 v6, $0xA  }
0x47d: {  	v12 =	vand.u32 $0x3FFF, v8;
	v16 =	vand.u32 $0x1FFFFF, v7;
	v7 =	vshll.u32 v10, $0x4  }
0x47e: {  	v8 =	vor.u32 v1, v14;
	v14 =	vshrl.u32 v10, $0xA;
	v18 =	vor.u32 v1, v7;
	v7 =	vld [tilespmem:s0+$0x20]  }
0x47f: {  	v11 =	vand.u32 $0x1FFFFF, v11;
	v15 =	vand.u32 $0x1FFFFF, v14;
	v14 =	vshrl.u32 v17, $0xA  }
0x480: {  	vm0 =	veq.s32 v11, v4;
	v17 =	vshll.u32 v17, $0x4;
	v10 =	vand.u32 $0x1FFFFF, v14  }
0x481: {  	s22 =	simm.s32 $0x0;
	s23 =	simm.s32 $0x93C0;
	v14 =	vshll.u32 v13, $0x4;
	v13 =	vshrl.u32 v13, $0xA;
	v11 =	vand.u32 $0x3FFF, v18  }
.LBB2_54:
0x482: {  	s22 =	sadd.s32 $0x8, s22;
	v6 =	vshll.u32 v6, $0x4;
	[tilespmem:v12+s15+$0x0] =	vst.idx.add.s32.msk vm1, v2;
	vm1 =	veq.s32 v15, v4;
	v12 =	vor.u32 v1, v17  }
0x483: {  	vm3 =	veq.s32 v16, v4;
	v14 =	vor.u32 v1, v14;
	v16 =	vshll.u32 v7, $0x4;
	v15 =	vld [tilespmem:s23+$0xFFFFFFD0];
	p0 =	slt.u32 s22, $0x928  }
0x484: {  	v5 =	vshrl.u32 v5, $0xA;
	v18 =	vor.u32 v1, v6;
	v19 =	vand.u32 $0x3FFF, v14;
	v17 =	vld [tilespmem:s23+$0xFFFFFFE0]  }
0x485: {  	v7 =	vshrl.u32 v7, $0xA;
	v6 =	vor.u32 v1, v16;
	v16 =	vand.u32 $0x1FFFFF, v5;
	v14 =	vld [tilespmem:s23+$0x0]  }
0x486: {  	v20 =	vand.u32 $0x3FFF, v6;
	vm4 =	veq.s32 v16, v4;
	v16 =	vand.u32 $0x3FFF, v8;
	v5 =	vld [tilespmem:s23+$0x30]  }
0x487: {  	v18 =	vand.u32 $0x3FFF, v18;
	v8 =	vand.u32 $0x1FFFFF, v13;
	v13 =	vand.u32 $0x1FFFFF, v7;
	v6 =	vld [tilespmem:s23+$0xFFFFFFC0]  }
0x488: {  	v21 =	vand.u32 $0x3FFF, v12;
	vm2 =	veq.s32 v8, v4;
	v8 =	vor.u32 v1, v9;
	v7 =	vld [tilespmem:s23+$0x20]  }
0x489: {  	vm6 =	veq.s32 v10, v4;
	vm5 =	veq.s32 v13, v4;
	v23 =	vand.u32 $0x3FFF, v8;
	v22 =	vld [tilespmem:s23+$0x10]  }
0x48a: {  	v8 =	vshll.u32 v15, $0x4;
	v9 =	vshrl.u32 v15, $0xA;
	v10 =	vshrl.u32 v14, $0xA;
	[tilespmem:v11+s15+$0x0] =	vst.idx.add.s32.msk vm1, v2  }
0x48b: {  	v8 =	vor.u32 v1, v8;
	v9 =	vand.u32 $0x1FFFFF, v9;
	v13 =	vld [tilespmem:s23+$0xFFFFFFF0];
	v11 =	vshll.u32 v5, $0x4  }
0x48c: {  	vm1 =	veq.s32 v9, v4;
	v12 =	vand.u32 $0x3FFF, v8;
	v8 =	vor.u32 v1, v11;
	[tilespmem:v18+s15+$0x0] =	vst.idx.add.s32.msk vm3, v2  }
.Ltmp26:
0x48d: {  	v9 =	vshrl.u32 v17, $0xA;
	v11 =	vshrl.u32 v6, $0xA;
	v18 =	vand.u32 $0x1FFFFF, v10;
	[tilespmem:v16+s15+$0x0] =	vst.idx.add.s32.msk vm4, v2;
	(pc) =	sbr.rel @p0 .LBB2_54-.Ltmp26, $4  }
0x48e: {  	v15 =	vand.u32 $0x1FFFFF, v9;
	v9 =	vshll.u32 v14, $0x4;
	v10 =	vshrl.u32 v22, $0xA;
	[tilespmem:v23+s15+$0x0] =	vst.idx.add.s32.msk vm0, v2  }
0x48f: {  	v16 =	vand.u32 $0x1FFFFF, v11;
	v11 =	vshll.u32 v17, $0x4;
	v10 =	vand.u32 $0x1FFFFF, v10;
	[tilespmem:v21+s15+$0x0] =	vst.idx.add.s32.msk vm6, v2  }
0x490: {  	v11 =	vor.u32 v1, v11;
	vm0 =	veq.s32 v18, v4;
	v14 =	vshll.u32 v13, $0x4;
	[tilespmem:v20+s15+$0x0] =	vst.idx.add.s32.msk vm5, v2  }
0x491: {  	s23 =	sadd.s32 $0x80, s23;
	v17 =	vshll.u32 v22, $0x4;
	v11 =	vand.u32 $0x3FFF, v11;
	v13 =	vshrl.u32 v13, $0xA;
	[tilespmem:v19+s15+$0x0] =	vst.idx.add.s32.msk vm2, v2  }
0x492: {  	v6 =	vshll.u32 v6, $0x4;
	vm2 =	veq.s32 v15, v4  }
0x493: {  	v15 =	vor.u32 v1, v17;
	vm3 =	veq.s32 v16, v4;
	v5 =	vshrl.u32 v5, $0xA  }
0x494: {  	v16 =	vshll.u32 v7, $0x4;
	vm5 =	veq.s32 v10, v4;
	v6 =	vor.u32 v1, v6  }
0x495: {  	v5 =	vand.u32 $0x1FFFFF, v5;
	v16 =	vor.u32 v1, v16;
	v10 =	vand.u32 $0x3FFF, v15  }
0x496: {  	vm4 =	veq.s32 v5, v4;
	v5 =	vand.u32 $0x3FFF, v6;
	v6 =	vshrl.u32 v7, $0xA  }
0x497: {  	v7 =	vand.u32 $0x3FFF, v8;
	v8 =	vor.u32 v1, v9;
	v6 =	vand.u32 $0x1FFFFF, v6  }
0x498: {  	[tilespmem:v12+s15+$0x0] =	vst.idx.add.s32.msk vm1, v2;
	v9 =	vand.u32 $0x1FFFFF, v13;
	v8 =	vand.u32 $0x3FFF, v8;
	vm1 =	veq.s32 v6, v4  }
0x499: {  	v12 =	vand.u32 $0x3FFF, v16;
	vm6 =	veq.s32 v9, v4;
	v6 =	vor.u32 v1, v14;
	[tilespmem:v11+s15+$0x0] =	vst.idx.add.s32.msk vm2, v2  }
0x49a: {  	v6 =	vand.u32 $0x3FFF, v6;
	[tilespmem:v10+s15+$0x0] =	vst.idx.add.s32.msk vm5, v2  }
0x49b: {  	[tilespmem:v5+s15+$0x0] =	vst.idx.add.s32.msk vm3, v2  }
0x49c: {  	[tilespmem:v7+s15+$0x0] =	vst.idx.add.s32.msk vm4, v2  }
0x49d: {  	[tilespmem:v8+s15+$0x0] =	vst.idx.add.s32.msk vm0, v2  }
0x49e: {  	[tilespmem:v12+s15+$0x0] =	vst.idx.add.s32.msk vm1, v2  }
0x49f: {  	[tilespmem:v6+s15+$0x0] =	vst.idx.add.s32.msk vm6, v2  }
0x4a0: {  	_ =	swait.ge [sflag:s13], $0x9300  }
0x4a1: {  	[sflag:s13] =	ssyncset.done $0x0  }
0x4a2: {  	s0 =	simm.s32 $0x40;
	[sflag:s13] =	ssyncadd.s32 $0xFFFF6D00  }
0x4a3: {  	[tilespmem:s14], [sflag:$0x1] =	stream.linear.gather [hbm4b:s10+s2], $0x9300, $0x38;
	[tilespmem:$0x1A680] =	vst v63  }
0x4a4: {  	v7 =	vld [tilespmem:s0+$0xFFFFFFD0]  }
0x4a5: {  	v9 =	vld [tilespmem:s0+$0x0]  }
0x4a6: {  	v5 =	vld [tilespmem:s0+$0x30]  }
0x4a7: {  	v6 =	vld [tilespmem:s0+$0xFFFFFFC0]  }
0x4a8: {  	v10 =	vld [tilespmem:s0+$0xFFFFFFE0];
	_ =	sdelay $0x1  }
0x4a9: {  	v17 =	vld [tilespmem:s0+$0x10];
	v8 =	vshll.u32 v7, $0x4;
	v7 =	vshrl.u32 v7, $0xA;
	v11 =	vshrl.u32 v9, $0xA  }
0x4aa: {  	v14 =	vshll.u32 v5, $0x4;
	v9 =	vshll.u32 v9, $0x4;
	v7 =	vand.u32 $0x1FFFFF, v7  }
0x4ab: {  	v13 =	vld [tilespmem:s0+$0xFFFFFFF0];
	v8 =	vor.u32 v1, v8;
	vm1 =	veq.s32 v7, v4;
	v7 =	vshrl.u32 v6, $0xA  }
0x4ac: {  	v12 =	vand.u32 $0x3FFF, v8;
	v16 =	vand.u32 $0x1FFFFF, v7;
	v7 =	vshll.u32 v10, $0x4  }
0x4ad: {  	v8 =	vor.u32 v1, v14;
	v14 =	vshrl.u32 v10, $0xA;
	v18 =	vor.u32 v1, v7;
	v7 =	vld [tilespmem:s0+$0x20]  }
0x4ae: {  	v11 =	vand.u32 $0x1FFFFF, v11;
	v15 =	vand.u32 $0x1FFFFF, v14;
	v14 =	vshrl.u32 v17, $0xA  }
0x4af: {  	vm0 =	veq.s32 v11, v4;
	v17 =	vshll.u32 v17, $0x4;
	v10 =	vand.u32 $0x1FFFFF, v14  }
0x4b0: {  	s22 =	simm.s32 $0x0;
	s23 =	simm.s32 $0xC0;
	v14 =	vshll.u32 v13, $0x4;
	v13 =	vshrl.u32 v13, $0xA;
	v11 =	vand.u32 $0x3FFF, v18  }
.LBB2_56:
0x4b1: {  	s22 =	sadd.s32 $0x8, s22;
	v6 =	vshll.u32 v6, $0x4;
	[tilespmem:v12+s15+$0x0] =	vst.idx.add.s32.msk vm1, v2;
	vm1 =	veq.s32 v15, v4;
	v12 =	vor.u32 v1, v17  }
0x4b2: {  	vm3 =	veq.s32 v16, v4;
	v14 =	vor.u32 v1, v14;
	v16 =	vshll.u32 v7, $0x4;
	v15 =	vld [tilespmem:s23+$0xFFFFFFD0];
	p0 =	slt.u32 s22, $0x928  }
0x4b3: {  	v5 =	vshrl.u32 v5, $0xA;
	v18 =	vor.u32 v1, v6;
	v19 =	vand.u32 $0x3FFF, v14;
	v17 =	vld [tilespmem:s23+$0xFFFFFFE0]  }
0x4b4: {  	v7 =	vshrl.u32 v7, $0xA;
	v6 =	vor.u32 v1, v16;
	v16 =	vand.u32 $0x1FFFFF, v5;
	v14 =	vld [tilespmem:s23+$0x0]  }
0x4b5: {  	v20 =	vand.u32 $0x3FFF, v6;
	vm4 =	veq.s32 v16, v4;
	v16 =	vand.u32 $0x3FFF, v8;
	v5 =	vld [tilespmem:s23+$0x30]  }
0x4b6: {  	v18 =	vand.u32 $0x3FFF, v18;
	v8 =	vand.u32 $0x1FFFFF, v13;
	v13 =	vand.u32 $0x1FFFFF, v7;
	v6 =	vld [tilespmem:s23+$0xFFFFFFC0]  }
0x4b7: {  	v21 =	vand.u32 $0x3FFF, v12;
	vm2 =	veq.s32 v8, v4;
	v8 =	vor.u32 v1, v9;
	v7 =	vld [tilespmem:s23+$0x20]  }
0x4b8: {  	vm6 =	veq.s32 v10, v4;
	vm5 =	veq.s32 v13, v4;
	v23 =	vand.u32 $0x3FFF, v8;
	v22 =	vld [tilespmem:s23+$0x10]  }
0x4b9: {  	v8 =	vshll.u32 v15, $0x4;
	v9 =	vshrl.u32 v15, $0xA;
	v10 =	vshrl.u32 v14, $0xA;
	[tilespmem:v11+s15+$0x0] =	vst.idx.add.s32.msk vm1, v2  }
0x4ba: {  	v8 =	vor.u32 v1, v8;
	v9 =	vand.u32 $0x1FFFFF, v9;
	v13 =	vld [tilespmem:s23+$0xFFFFFFF0];
	v11 =	vshll.u32 v5, $0x4  }
0x4bb: {  	vm1 =	veq.s32 v9, v4;
	v12 =	vand.u32 $0x3FFF, v8;
	v8 =	vor.u32 v1, v11;
	[tilespmem:v18+s15+$0x0] =	vst.idx.add.s32.msk vm3, v2  }
.Ltmp27:
0x4bc: {  	v9 =	vshrl.u32 v17, $0xA;
	v11 =	vshrl.u32 v6, $0xA;
	v18 =	vand.u32 $0x1FFFFF, v10;
	[tilespmem:v16+s15+$0x0] =	vst.idx.add.s32.msk vm4, v2;
	(pc) =	sbr.rel @p0 .LBB2_56-.Ltmp27, $4  }
0x4bd: {  	v15 =	vand.u32 $0x1FFFFF, v9;
	v9 =	vshll.u32 v14, $0x4;
	v10 =	vshrl.u32 v22, $0xA;
	[tilespmem:v23+s15+$0x0] =	vst.idx.add.s32.msk vm0, v2  }
0x4be: {  	v16 =	vand.u32 $0x1FFFFF, v11;
	v11 =	vshll.u32 v17, $0x4;
	v10 =	vand.u32 $0x1FFFFF, v10;
	[tilespmem:v21+s15+$0x0] =	vst.idx.add.s32.msk vm6, v2  }
0x4bf: {  	v11 =	vor.u32 v1, v11;
	vm0 =	veq.s32 v18, v4;
	v14 =	vshll.u32 v13, $0x4;
	[tilespmem:v20+s15+$0x0] =	vst.idx.add.s32.msk vm5, v2  }
0x4c0: {  	s23 =	sadd.s32 $0x80, s23;
	v17 =	vshll.u32 v22, $0x4;
	v11 =	vand.u32 $0x3FFF, v11;
	v13 =	vshrl.u32 v13, $0xA;
	[tilespmem:v19+s15+$0x0] =	vst.idx.add.s32.msk vm2, v2  }
0x4c1: {  	v6 =	vshll.u32 v6, $0x4;
	vm2 =	veq.s32 v15, v4  }
0x4c2: {  	v15 =	vor.u32 v1, v17;
	vm3 =	veq.s32 v16, v4;
	v5 =	vshrl.u32 v5, $0xA  }
0x4c3: {  	v16 =	vshll.u32 v7, $0x4;
	vm5 =	veq.s32 v10, v4;
	v6 =	vor.u32 v1, v6  }
0x4c4: {  	v5 =	vand.u32 $0x1FFFFF, v5;
	v16 =	vor.u32 v1, v16;
	v10 =	vand.u32 $0x3FFF, v15  }
0x4c5: {  	vm4 =	veq.s32 v5, v4;
	v5 =	vand.u32 $0x3FFF, v6;
	v6 =	vshrl.u32 v7, $0xA  }
0x4c6: {  	v7 =	vand.u32 $0x3FFF, v8;
	v8 =	vor.u32 v1, v9;
	v6 =	vand.u32 $0x1FFFFF, v6  }
0x4c7: {  	[tilespmem:v12+s15+$0x0] =	vst.idx.add.s32.msk vm1, v2;
	v9 =	vand.u32 $0x1FFFFF, v13;
	v8 =	vand.u32 $0x3FFF, v8;
	vm1 =	veq.s32 v6, v4  }
0x4c8: {  	v12 =	vand.u32 $0x3FFF, v16;
	vm6 =	veq.s32 v9, v4;
	v6 =	vor.u32 v1, v14;
	[tilespmem:v11+s15+$0x0] =	vst.idx.add.s32.msk vm2, v2  }
0x4c9: {  	v6 =	vand.u32 $0x3FFF, v6;
	[tilespmem:v10+s15+$0x0] =	vst.idx.add.s32.msk vm5, v2  }
0x4ca: {  	[tilespmem:v5+s15+$0x0] =	vst.idx.add.s32.msk vm3, v2  }
0x4cb: {  	[tilespmem:v7+s15+$0x0] =	vst.idx.add.s32.msk vm4, v2  }
0x4cc: {  	[tilespmem:v8+s15+$0x0] =	vst.idx.add.s32.msk vm0, v2  }
0x4cd: {  	[tilespmem:v12+s15+$0x0] =	vst.idx.add.s32.msk vm1, v2  }
0x4ce: {  	[tilespmem:v6+s15+$0x0] =	vst.idx.add.s32.msk vm6, v2  }
0x4cf: {  	_ =	swait.ge [sflag:s13], $0x9300  }
0x4d0: {  	[sflag:s13] =	ssyncset.done $0x0  }
0x4d1: {  	s0 =	simm.s32 $0x9340;
	[sflag:s13] =	ssyncadd.s32 $0xFFFF6D00  }
0x4d2: {  	v7 =	vld [tilespmem:s0+$0xFFFFFFD0]  }
0x4d3: {  	v9 =	vld [tilespmem:s0+$0x0]  }
0x4d4: {  	v5 =	vld [tilespmem:s0+$0x30]  }
0x4d5: {  	v6 =	vld [tilespmem:s0+$0xFFFFFFC0]  }
0x4d6: {  	v10 =	vld [tilespmem:s0+$0xFFFFFFE0];
	_ =	sdelay $0x1  }
0x4d7: {  	v17 =	vld [tilespmem:s0+$0x10];
	v8 =	vshll.u32 v7, $0x4;
	v7 =	vshrl.u32 v7, $0xA;
	v11 =	vshrl.u32 v9, $0xA  }
0x4d8: {  	v14 =	vshll.u32 v5, $0x4;
	v9 =	vshll.u32 v9, $0x4;
	v7 =	vand.u32 $0x1FFFFF, v7  }
0x4d9: {  	v13 =	vld [tilespmem:s0+$0xFFFFFFF0];
	v8 =	vor.u32 v1, v8;
	vm1 =	veq.s32 v7, v4;
	v7 =	vshrl.u32 v6, $0xA  }
0x4da: {  	v12 =	vand.u32 $0x3FFF, v8;
	v16 =	vand.u32 $0x1FFFFF, v7;
	v7 =	vshll.u32 v10, $0x4  }
0x4db: {  	v8 =	vor.u32 v1, v14;
	v14 =	vshrl.u32 v10, $0xA;
	v18 =	vor.u32 v1, v7;
	v7 =	vld [tilespmem:s0+$0x20]  }
0x4dc: {  	v11 =	vand.u32 $0x1FFFFF, v11;
	v15 =	vand.u32 $0x1FFFFF, v14;
	v14 =	vshrl.u32 v17, $0xA  }
0x4dd: {  	vm0 =	veq.s32 v11, v4;
	v17 =	vshll.u32 v17, $0x4;
	v10 =	vand.u32 $0x1FFFFF, v14  }
0x4de: {  	s22 =	simm.s32 $0x0;
	s23 =	simm.s32 $0x93C0;
	v14 =	vshll.u32 v13, $0x4;
	v13 =	vshrl.u32 v13, $0xA;
	v11 =	vand.u32 $0x3FFF, v18  }
.LBB2_58:
0x4df: {  	s22 =	sadd.s32 $0x8, s22;
	v6 =	vshll.u32 v6, $0x4;
	[tilespmem:v12+s15+$0x0] =	vst.idx.add.s32.msk vm1, v2;
	vm1 =	veq.s32 v15, v4;
	v12 =	vor.u32 v1, v17  }
0x4e0: {  	vm3 =	veq.s32 v16, v4;
	v14 =	vor.u32 v1, v14;
	v16 =	vshll.u32 v7, $0x4;
	v15 =	vld [tilespmem:s23+$0xFFFFFFD0];
	p0 =	slt.u32 s22, $0x928  }
0x4e1: {  	v5 =	vshrl.u32 v5, $0xA;
	v18 =	vor.u32 v1, v6;
	v19 =	vand.u32 $0x3FFF, v14;
	v17 =	vld [tilespmem:s23+$0xFFFFFFE0]  }
0x4e2: {  	v7 =	vshrl.u32 v7, $0xA;
	v6 =	vor.u32 v1, v16;
	v16 =	vand.u32 $0x1FFFFF, v5;
	v14 =	vld [tilespmem:s23+$0x0]  }
0x4e3: {  	v20 =	vand.u32 $0x3FFF, v6;
	vm4 =	veq.s32 v16, v4;
	v16 =	vand.u32 $0x3FFF, v8;
	v5 =	vld [tilespmem:s23+$0x30]  }
0x4e4: {  	v18 =	vand.u32 $0x3FFF, v18;
	v8 =	vand.u32 $0x1FFFFF, v13;
	v13 =	vand.u32 $0x1FFFFF, v7;
	v6 =	vld [tilespmem:s23+$0xFFFFFFC0]  }
0x4e5: {  	v21 =	vand.u32 $0x3FFF, v12;
	vm2 =	veq.s32 v8, v4;
	v8 =	vor.u32 v1, v9;
	v7 =	vld [tilespmem:s23+$0x20]  }
0x4e6: {  	vm6 =	veq.s32 v10, v4;
	vm5 =	veq.s32 v13, v4;
	v23 =	vand.u32 $0x3FFF, v8;
	v22 =	vld [tilespmem:s23+$0x10]  }
0x4e7: {  	v8 =	vshll.u32 v15, $0x4;
	v9 =	vshrl.u32 v15, $0xA;
	v10 =	vshrl.u32 v14, $0xA;
	[tilespmem:v11+s15+$0x0] =	vst.idx.add.s32.msk vm1, v2  }
0x4e8: {  	v8 =	vor.u32 v1, v8;
	v9 =	vand.u32 $0x1FFFFF, v9;
	v13 =	vld [tilespmem:s23+$0xFFFFFFF0];
	v11 =	vshll.u32 v5, $0x4  }
0x4e9: {  	vm1 =	veq.s32 v9, v4;
	v12 =	vand.u32 $0x3FFF, v8;
	v8 =	vor.u32 v1, v11;
	[tilespmem:v18+s15+$0x0] =	vst.idx.add.s32.msk vm3, v2  }
.Ltmp28:
0x4ea: {  	v9 =	vshrl.u32 v17, $0xA;
	v11 =	vshrl.u32 v6, $0xA;
	v18 =	vand.u32 $0x1FFFFF, v10;
	[tilespmem:v16+s15+$0x0] =	vst.idx.add.s32.msk vm4, v2;
	(pc) =	sbr.rel @p0 .LBB2_58-.Ltmp28, $4  }
0x4eb: {  	v15 =	vand.u32 $0x1FFFFF, v9;
	v9 =	vshll.u32 v14, $0x4;
	v10 =	vshrl.u32 v22, $0xA;
	[tilespmem:v23+s15+$0x0] =	vst.idx.add.s32.msk vm0, v2  }
0x4ec: {  	v16 =	vand.u32 $0x1FFFFF, v11;
	v11 =	vshll.u32 v17, $0x4;
	v10 =	vand.u32 $0x1FFFFF, v10;
	[tilespmem:v21+s15+$0x0] =	vst.idx.add.s32.msk vm6, v2  }
0x4ed: {  	v11 =	vor.u32 v1, v11;
	vm0 =	veq.s32 v18, v4;
	v14 =	vshll.u32 v13, $0x4;
	[tilespmem:v20+s15+$0x0] =	vst.idx.add.s32.msk vm5, v2  }
0x4ee: {  	s23 =	sadd.s32 $0x80, s23;
	v17 =	vshll.u32 v22, $0x4;
	v11 =	vand.u32 $0x3FFF, v11;
	v13 =	vshrl.u32 v13, $0xA;
	[tilespmem:v19+s15+$0x0] =	vst.idx.add.s32.msk vm2, v2  }
0x4ef: {  	v6 =	vshll.u32 v6, $0x4;
	vm2 =	veq.s32 v15, v4  }
0x4f0: {  	v58 =	vor.u32 v1, v17;
	vm3 =	veq.s32 v16, v4;
	v5 =	vshrl.u32 v5, $0xA  }
0x4f1: {  	v59 =	vshll.u32 v7, $0x4;
	v60 =	vor.u32 v1, v9;
	vm5 =	veq.s32 v10, v4  }
0x4f2: {  	v6 =	vor.u32 v1, v6;
	v5 =	vand.u32 $0x1FFFFF, v5;
	v62 =	vand.u32 $0x3FFF, v58  }
0x4f3: {  	vm4 =	veq.s32 v5, v4;
	v5 =	vand.u32 $0x3FFF, v6;
	v6 =	vshrl.u32 v7, $0xA  }
0x4f4: {  	v7 =	vand.u32 $0x3FFF, v8;
	v8 =	vand.u32 $0x3FFF, v60;
	v6 =	vand.u32 $0x1FFFFF, v6  }
0x4f5: {  	[tilespmem:v12+s15+$0x0] =	vst.idx.add.s32.msk vm1, v2;
	v61 =	vand.u32 $0x1FFFFF, v13;
	v16 =	vor.u32 v1, v59;
	vm15 =	veq.s32 v6, v4  }
0x4f6: {  	vm6 =	veq.s32 v61, v4;
	v63 =	vand.u32 $0x3FFF, v16;
	v6 =	vor.u32 v1, v14;
	[tilespmem:v11+s15+$0x0] =	vst.idx.add.s32.msk vm2, v2  }
0x4f7: {  	v4 =	vand.u32 $0x3FFF, v6;
	[tilespmem:v62+s15+$0x0] =	vst.idx.add.s32.msk vm5, v2  }
0x4f8: {  	[tilespmem:v5+s15+$0x0] =	vst.idx.add.s32.msk vm3, v2  }
0x4f9: {  	[tilespmem:v8+s15+$0x0] =	vst.idx.add.s32.msk vm0, v2  }
0x4fa: {  	[tilespmem:v7+s15+$0x0] =	vst.idx.add.s32.msk vm4, v2  }
0x4fb: {  	[tilespmem:v63+s15+$0x0] =	vst.idx.add.s32.msk vm15, v2  }
0x4fc: {  	s0 =	simm.s32 $0x165F0;
	[tilespmem:v4+s15+$0x0] =	vst.idx.add.s32.msk vm6, v2  }
0x4fd: {  	s22 =	simm.s32 $0x165E0;
	v4 =	vld [tilespmem:s0+$0x0]  }
0x4fe: {  	v5 =	vld [tilespmem:s22+$0x0];
	_ =	sdelay $0x3  }
0x4ff: {  	(xrf0) =	vadd.scan.msk.s32 $0xffff, v4  }
0x500: {  	(xrf0) =	vadd.scan.msk.s32 $0xffff, v5;
	_ =	sdelay $0x4  }
0x501: {  	v4, _, _ =	vpop (xrf0)  }
0x502: {  	s23 =	simm.s32 $0x165D0;
	(v2sf) =	vpush v4, $0xF;
	v4, _, _ =	vpop (xrf0)  }
0x503: {  	(v2sf) =	vpush v4, $0xF;
	v4 =	vld [tilespmem:s23+$0x0]  }
0x504: {  	s24 =	simm.s32 $0x165C0  }
0x505: {  	v5 =	vld [tilespmem:s24+$0x0];
	_ =	sdelay $0x2  }
0x506: {  	(xrf0) =	vadd.scan.msk.s32 $0xffff, v4;
	_ =	sdelay $0x1  }
0x507: {  	(xrf0) =	vadd.scan.msk.s32 $0xffff, v5;
	_ =	sdelay $0x1  }
0x508: {  	s25 =	simm.s32 $0x165B0  }
0x509: {  	v6 =	vld [tilespmem:s25+$0x0]  }
0x50a: {  	v5, _, _ =	vpop (xrf0)  }
0x50b: {  	(v2sf) =	vpush v5, $0xF  }
0x50c: {  	v5, _, _ =	vpop (xrf0)  }
0x50d: {  	s31 =	spop (v2sf);
	(v2sf) =	vpush v5, $0xF  }
0x50e: {  	s26 =	simm.s32 $0x165A0;
	(xrf0) =	vadd.scan.msk.s32 $0xffff, v6  }
0x50f: {  	s21 =	ssub.s32 s20, s21;
	s20 =	simm.s32 $0xFFFFFFFF;
	v4 =	vld [tilespmem:s26+$0x0]  }
0x510: {  	s1 =	simm.s32 $0x3FF;
	s29 =	simm.s32 $0xFFFFFFFF;
	s30 =	simm.s32 $0x3F9  }
0x511: {  	s25 =	simm.s32 $0x3FD;
	s22 =	simm.s32 $0x3FA;
	s24 =	simm.s32 $0x3FC  }
0x512: {  	s23 =	simm.s32 $0x3FB;
	s0 =	sadd.s32 $0x0, s31;
	s28 =	spop (v2sf)  }
0x513: {  	s26 =	simm.s32 $0x3FE;
	p0 =	sge.s32 s0, s21;
	s28 =	sadd.s32 s0, s28  }
0x514: {  	(xrf0) =	vadd.scan.msk.s32 $0xffff, v4;
	v4, _, _ =	vpop (xrf0);
	s29 =	smov.u32 @p0 s1;
	s1 =	simm.s32 $0x16590;
	p0 =	por $0x1, $0x1  }
.LBB2_60:
0x515: {  	s20 =	smov.u32 @p0 s29  }
0x516: {  	p1 =	sge.s32 s28, s21;
	s29 =	smov.u32 s20  }
0x517: {  	v5 =	vld [tilespmem:s1+$0x0];
	(v2sf) =	vpush v4, $0xF;
	s29 =	smov.u32 @p1 s26;
	p1 =	sne.s32 s30, $0x0  }
.Ltmp29:
0x518: {  	s26 =	smov.u32 s25;
	(pc) =	sbr.rel @p1 .LBB2_60-.Ltmp29, $4  }
0x519: {  	s25 =	smov.u32 s24;
	s24 =	smov.u32 s23;
	s23 =	smov.u32 s22  }
0x51a: {  	s22 =	smov.u32 s30;
	s0 =	spop (v2sf)  }
0x51b: {  	s1 =	sadd.s32 $0xFFFFFFF0, s1;
	s28 =	sadd.s32 s28, s0  }
0x51c: {  	p0 =	slt.s32 s20, $0x0;
	s30 =	sadd.s32 $0xFFFFFFFF, s30;
	(xrf0) =	vadd.scan.msk.s32 $0xffff, v5;
	v4, _, _ =	vpop (xrf0)  }
0x51d: {  	_ =	sdelay $0x2  }
0x51e: {  	(v2sf) =	vpush v4, $0xF;
	_ =	sdelay $0x1  }
0x51f: {  	v62, _, _ =	vpop (xrf0)  }
0x520: {  	(v2sf) =	vpush v62, $0xF;
	_ =	sdelay $0x3  }
0x521: {  	s20 =	smov.u32 @p0 s29  }
0x522: {  	p0 =	sge.s32 s28, s21;
	s0 =	smov.u32 s20  }
0x523: {  	s1 =	spop (v2sf);
	s0 =	smov.u32 @p0 s26;
	p0 =	slt.s32 s20, $0x0  }
0x524: {  	s1 =	sadd.s32 s28, s1;
	s20 =	smov.u32 @p0 s0  }
0x525: {  	p0 =	sge.s32 s1, s21;
	s0 =	smov.u32 s20  }
0x526: {  	s0 =	smov.u32 @p0 s25;
	p0 =	slt.s32 s20, $0x0;
	s26 =	spop (v2sf)  }
0x527: {  	s20 =	smov.u32 @p0 s0;
	s1 =	sadd.s32 s1, s26  }
0x528: {  	s0 =	smov.u32 s20;
	p0 =	sge.s32 s1, s21  }
0x529: {  	s0 =	smov.u32 @p0 s24;
	p0 =	slt.s32 s20, $0x0;
	s28 =	spop (v2sf)  }
0x52a: {  	s20 =	smov.u32 @p0 s0;
	s1 =	sadd.s32 s1, s28  }
0x52b: {  	s0 =	smov.u32 s20;
	p0 =	sge.s32 s1, s21  }
0x52c: {  	s0 =	smov.u32 @p0 s23;
	p0 =	slt.s32 s20, $0x0;
	s29 =	spop (v2sf)  }
0x52d: {  	s20 =	smov.u32 @p0 s0;
	s1 =	sadd.s32 s1, s29  }
0x52e: {  	s0 =	smov.u32 s20;
	p0 =	sge.s32 s1, s21  }
0x52f: {  	s0 =	smov.u32 @p0 s22;
	p0 =	slt.s32 s20, $0x0  }
0x530: {  	s30 =	sshll.u32 s19, $0xA;
	s20 =	smov.u32 @p0 s0  }
0x531: {  	s0 =	sor.u32 s30, s20  }
0x532: {  	v63 =	vmov s0  }
0x533: {  	v4 =	vbroadcast v63, $0x0;
	_ =	sdelay $0x1  }
0x534: {  	(xrf0) =	vmax.scan.msk.f32 $0xffff, v4  }
0x535: {  	(xrf0) =	vmin.scan.msk.f32 $0xffff, v3;
	_ =	sdelay $0x4  }
0x536: {  	v3, _, _ =	vpop (xrf0)  }
0x537: {  	(v2sf) =	vpush v3, $0xF;
	v3, _, _ =	vpop (xrf0)  }
0x538: {  	(v2sf) =	vpush v3, $0xF;
	_ =	sdelay $0xd  }
0x539: {  	s0 =	spop (v2sf)  }
0x53a: {  	s1 =	spop (v2sf);
	s31 =	sxor.u32 $0x80000000, s0  }
0x53b: {  	p0 =	sle.f32 s1, s31;
	_ =	sdelay $0x1  }
0x53c: {  	s0 =	smov.u32 @p0 s1  }
0x53d: {  	v3 =	vmov s0  }
0x53e: {  	[tilespmem:$0x1A600] =	vst v3  }
0x53f: {  	[tilespmem:$0x1A610] =	vst v3  }
0x540: {  	[tilespmem:$0x1A620] =	vst v3  }
0x541: {  	[tilespmem:$0x1A630] =	vst v3  }
0x542: {  	[tilespmem:$0x1A640] =	vst v3  }
0x543: {  	s18 =	sadd.s32 $0x1, s18;
	[tilespmem:$0x1A650] =	vst v3  }
0x544: {  	p0 =	sne.s32 s18, s12;
	[tilespmem:$0x1A660] =	vst v3  }
.Ltmp30:
0x545: {  	[tilespmem:$0x1A670] =	vst v3;
	(pc) =	sbr.rel @p0 .LBB2_1-.Ltmp30, $4  }
0x546: {  	[hbm4b:s11+s2] =	stream.linear.scatter [tilespmem:s16], [sflag:$0x2], $0x80, $0x38;
	[tilespmem:$0x1A680] =	vst v63  }
0x547: {  	_ =	swait.ge [sflag:s17], $0x80  }
0x548: {  	[sflag:s17] =	ssyncset.done $0x0  }
0x549: {  	[sflag:s17] =	ssyncadd.s32 $0xFFFFFF80  }
0x54a: {  	_ =	sfence.sel $0x180000  }
0x54b: {  	[bflag:$0x0] =	sbarrier.arrive $0xFFFF  }
0x54c: {  	_ =	strace $0x90000047  }
0x54d: {  	s0 =	stileid.u32;
	[bflag:$0x2] =	sbarrier.arrive $0xFFFF  }
0x54e: {  	p0 =	sne.s32 s0, $0x0;
	s0 =	rddreg [dreg:$0x2]  }
0x54f: {  	s0 =	sadd.s32 @!p0 $0x100000, s0  }
0x550: {  	[sflag:s0] =	ssyncadd.tile.s32 @!p0 $0x1;
	_ =	shalt  }
.Lfunc_end2:
_tile_overlayer_lowered:
.L_overlay_start_2:
0x551: {  	(tag) =	ssettag $0x2  }
0x552: {  	s0 =	rddreg [dreg:$0x0];
	s2 =	stileid.u32  }
0x553: {  	s1 =	rddreg [dreg:$0x1];
	p0 =	sne.s32 s2, $0x0  }
0x554: {  	s3 =	rddreg [dreg:$0x2];
	[bflag:$0x3] =	sbarrier.arrive $0xFFFF;
	s2 =	simm.s32 @!p0 $0x1C02  }
0x555: {  	[timem:s3], [sflag:s2] =	dma.local @!p0 [hbm:s0], s1  }
0x556: {  	s0 =	simm.s32 @!p0 $0x2  }
0x557: {  	_ =	swait.ge @!p0 [sflag:s0], s1  }
0x558: {  	s1 =	ssub.s32 @!p0 $0x0, s1;
	[sflag:s0] =	ssyncset.done @!p0 $0x0  }
0x559: {  	[sflag:s0] =	ssyncadd.s32 @!p0 s1  }
0x55a: {  	[bflag:$0x3] =	sbarrier.arrive $0xFFFF  }
0x55b: {  	_ =	shalt  }

</sc_bundles>
